<compile_context>
chip_gen: v7x
topology: tpu7x:2x2x1
jax: 0.10.2.dev20260603
libtpu: 0.0.44.dev20260713+nightly
codegen_flags: <defaults>
</compile_context>

<pallas_src>
import functools

import jax
import jax.numpy as jnp
from jax import lax
from jax.experimental import pallas as pl
from jax.experimental.pallas import tpu as pltpu
from jax.experimental.pallas import tpu_sc as plsc

N_NODES = 10000
N_EDGES = 320000
D = 128

NC = 2
NS = 16
NW = NC * NS
E_PER_W = N_EDGES // NW
CHUNK = 80
NCHUNK = E_PER_W // CHUNK
N_PAD = 10240
ROW_STRIPE = N_PAD // NS
DEN_PAD = N_PAD
DEN_STRIPE = DEN_PAD // NS


def _tc1_body(x_ref, wlin_ref, watt_ref, h_ref, a2_ref):
    xb = x_ref[...]
    h = lax.dot_general(xb, wlin_ref[...], (((1,), (1,)), ((), ())),
                        preferred_element_type=jnp.float32)
    h_ref[...] = h
    wa2 = watt_ref[...].reshape(2, D)
    a2_ref[...] = lax.dot_general(h, wa2, (((1,), (1,)), ((), ())),
                                  preferred_element_type=jnp.float32)


def _tc1(x, w_lin, w_att):
    blk = 1000
    grid = N_NODES // blk
    return pl.pallas_call(
        _tc1_body,
        grid=(grid,),
        in_specs=[
            pl.BlockSpec((blk, D), lambda i: (i, 0)),
            pl.BlockSpec((D, D), lambda i: (0, 0)),
            pl.BlockSpec((1, 2 * D), lambda i: (0, 0)),
        ],
        out_specs=[
            pl.BlockSpec((blk, D), lambda i: (i, 0)),
            pl.BlockSpec((blk, 2), lambda i: (i, 0)),
        ],
        out_shape=[
            jax.ShapeDtypeStruct((N_NODES, D), jnp.float32),
            jax.ShapeDtypeStruct((N_NODES, 2), jnp.float32),
        ],
    )(x, w_lin, w_att)


def _sc_body(src_hbm, dst_hbm, ew_hbm, h_hbm, adst_hbm, asrc_hbm,
             agg_out, den_out,
             sbuf, dibuf, wbuf, pbuf, adst_v, asrc_v, rows, dbuf,
             agg_sh, den_sh, sem):
    c = lax.axis_index("c")
    s = lax.axis_index("s")
    w = c * NS + s
    ebase = w * E_PER_W

    pltpu.sync_copy(adst_hbm, adst_v)
    pltpu.sync_copy(asrc_hbm, asrc_v)

    zeros16 = jnp.zeros((16,), jnp.float32)

    def _zb(j, carry):
        for q in range(D // 16):
            rows[j, pl.ds(16 * q, 16)] = zeros16
        return carry

    lax.fori_loop(0, CHUNK, _zb, 0)
    for q in range(DEN_STRIPE // 16):
        dbuf[pl.ds(16 * q, 16)] = zeros16
    for i in range(ROW_STRIPE // CHUNK):
        pltpu.sync_copy(rows, agg_sh.at[pl.ds(s * ROW_STRIPE + i * CHUNK, CHUNK)])
    pltpu.sync_copy(dbuf, den_sh.at[pl.ds(s * DEN_STRIPE, DEN_STRIPE)])
    plsc.subcore_barrier()

    def _mj(j, carry):
        off = ebase + j * CHUNK
        pltpu.sync_copy(src_hbm.at[pl.ds(off, CHUNK)], sbuf)
        pltpu.sync_copy(dst_hbm.at[pl.ds(off, CHUNK)], dibuf)
        pltpu.sync_copy(ew_hbm.at[pl.ds(off, CHUNK)], wbuf)
        for k in range(CHUNK // 16):
            sl = pl.ds(16 * k, 16)
            raw = (plsc.load_gather(adst_v, [dibuf[sl]])
                   + plsc.load_gather(asrc_v, [sbuf[sl]]))
            al = jnp.maximum(raw, raw * 0.2) * wbuf[sl]
            pbuf[sl] = jnp.exp(al)
        pltpu.async_copy(h_hbm.at[sbuf], rows, sem).wait()

        def _sk(k2, inner):
            pv = pbuf[pl.ds(16 * k2, 16)]
            for e2 in range(16):
                pe = pv[e2]
                e = 16 * k2 + e2
                for q in range(D // 16):
                    sl = pl.ds(16 * q, 16)
                    rows[e, sl] = rows[e, sl] * pe
            return inner

        lax.fori_loop(0, CHUNK // 16, _sk, 0)
        pltpu.sync_copy(rows, agg_sh.at[dibuf], add=True)
        pltpu.sync_copy(pbuf, den_sh.at[dibuf], add=True)
        return carry

    lax.fori_loop(0, NCHUNK, _mj, 0)
    plsc.subcore_barrier()

    base = s * ROW_STRIPE
    for i in range(ROW_STRIPE // CHUNK):
        pltpu.sync_copy(agg_sh.at[pl.ds(base + i * CHUNK, CHUNK)], rows)
        pltpu.sync_copy(rows, agg_out.at[c, pl.ds(base + i * CHUNK, CHUNK)])
    pltpu.sync_copy(den_sh.at[pl.ds(s * DEN_STRIPE, DEN_STRIPE)], dbuf)
    pltpu.sync_copy(dbuf, den_out.at[pl.ds(c * DEN_PAD + s * DEN_STRIPE,
                                           DEN_STRIPE)])


_SC_MESH = plsc.VectorSubcoreMesh(
    core_axis_name="c", subcore_axis_name="s", num_cores=NC, num_subcores=NS)

_sc_call = functools.partial(
    pl.kernel,
    out_type=(
        jax.ShapeDtypeStruct((NC, N_PAD, D), jnp.float32),
        jax.ShapeDtypeStruct((NC * DEN_PAD,), jnp.float32),
    ),
    mesh=_SC_MESH,
    compiler_params=pltpu.CompilerParams(needs_layout_passes=False),
    scratch_types=(
        pltpu.VMEM((CHUNK,), jnp.int32),
        pltpu.VMEM((CHUNK,), jnp.int32),
        pltpu.VMEM((CHUNK,), jnp.float32),
        pltpu.VMEM((CHUNK,), jnp.float32),
        pltpu.VMEM((N_NODES,), jnp.float32),
        pltpu.VMEM((N_NODES,), jnp.float32),
        pltpu.VMEM((CHUNK, D), jnp.float32),
        pltpu.VMEM((DEN_STRIPE,), jnp.float32),
        pltpu.VMEM_SHARED((N_PAD, D), jnp.float32),
        pltpu.VMEM_SHARED((DEN_PAD,), jnp.float32),
        pltpu.SemaphoreType.DMA,
    ),
)(_sc_body)


def _tc2_body(agg_ref, den_ref, o_ref):
    total = agg_ref[0] + agg_ref[1]
    dsl = den_ref[...]
    den = dsl[:, 0] + dsl[:, 1] + 1e-16
    o_ref[...] = jnp.maximum(total / den[:, None], 0.0)


def _tc2(agg2, den_t):
    blk = 1000
    grid = N_NODES // blk
    return pl.pallas_call(
        _tc2_body,
        grid=(grid,),
        in_specs=[
            pl.BlockSpec((NC, blk, D), lambda i: (0, i, 0)),
            pl.BlockSpec((blk, NC), lambda i: (i, 0)),
        ],
        out_specs=pl.BlockSpec((blk, D), lambda i: (i, 0)),
        out_shape=jax.ShapeDtypeStruct((N_NODES, D), jnp.float32),
    )(agg2, den_t)


def kernel(x, edge_index, edge_weight, W_lin, W_att):
    ei = edge_index.astype(jnp.int32)
    src = ei[0]
    dst = ei[1]
    ew = edge_weight.astype(jnp.float32)
    h, a2 = _tc1(x, W_lin, W_att)
    adst = a2[:, 0]
    asrc = a2[:, 1]
    agg2, den = _sc_call(src, dst, ew, h, adst, asrc)
    den_t = den.reshape(NC, DEN_PAD).T
    return _tc2(agg2, den_t)

# --- scband reference (transcript-rebuilt; emitter-appended) ---
"""Pipeline reference for scband-gatnet-40072044871759 (READ-ONLY COPY).

The authoritative reference and input builder live on the scoring server;
editing this copy changes nothing except your own understanding.
"""

import jax, jax.numpy as jnp
import numpy as np

N_NODES = 10000
N_EDGES = 320000
D_IN = 128
D_OUT = 128

def setup_inputs(seed: int = 0) -> dict:
    key = jax.random.key(seed)
    k1, k2, k3, k4, k5 = jax.random.split(key, 5)
    x = jax.random.normal(k1, (N_NODES, D_IN), dtype=jnp.float32)
    edge_index = jax.random.randint(k2, (2, N_EDGES), 0, N_NODES, dtype=jnp.int64)
    edge_weight = jax.random.uniform(k3, (N_EDGES,), dtype=jnp.float32)
    # xavier_uniform init for lin.weight [out, in] and att_lin.weight [1, 2*out]
    lim_lin = float(np.sqrt(6.0 / (D_IN + D_OUT)))
    W_lin = jax.random.uniform(k4, (D_OUT, D_IN), dtype=jnp.float32, minval=-lim_lin, maxval=lim_lin)
    lim_att = float(np.sqrt(6.0 / (2 * D_OUT + 1)))
    W_att = jax.random.uniform(k5, (1, 2 * D_OUT), dtype=jnp.float32, minval=-lim_att, maxval=lim_att)
    return {"x": x, "edge_index": edge_index, "edge_weight": edge_weight, "W_lin": W_lin, "W_att": W_att}

def _segment_softmax(alpha, seg_ids, num_segments):
    seg_max = jax.ops.segment_max(alpha, seg_ids, num_segments=num_segments)
    seg_max = jnp.where(jnp.isfinite(seg_max), seg_max, 0.0)
    alpha = jnp.exp(alpha - seg_max[seg_ids])
    denom = jax.ops.segment_sum(alpha, seg_ids, num_segments=num_segments)
    return alpha / (denom[seg_ids] + 1e-16)

def reference(x, edge_index, edge_weight, W_lin, W_att):
    # CustomGATConv.forward: x = lin(x)
    h = x @ W_lin.T  # [N, D_OUT]
    src = edge_index[0]  # j (source)
    dst = edge_index[1]  # i (target), edge_index_i
    x_i = h[dst]
    x_j = h[src]
    x_cat = jnp.concatenate([x_i, x_j], axis=-1)  # [E, 2*D_OUT]
    alpha = x_cat @ W_att.T  # [E, 1]
    alpha = jax.nn.leaky_relu(alpha, negative_slope=0.2)
    alpha = alpha.squeeze(-1) * edge_weight  # [E]
    alpha = _segment_softmax(alpha, dst, N_NODES)
    msg = x_j * alpha[:, None]  # [E, D_OUT]
    aggr = jax.ops.segment_sum(msg, dst, num_segments=N_NODES)  # scatter-add aggregation
    return jax.nn.relu(aggr)

if __name__ == "__main__":
    import jax
    _d = setup_inputs()
    print(jax.jit(kernel)(*tuple(_d.values())))

</pallas_src>

<mosaic_0001>
#map = affine_map<(d0, d1) -> (0)>
#map1 = affine_map<(d0, d1) -> (0, 0)>
#map2 = affine_map<(d0, d1) -> (0, 0, 0)>
module attributes {stable_mosaic.version = 14 : i64} {
  func.func @_sc_body(%arg0: i32, %arg1: i32, %arg2: memref<320000xi32, #tpu.memory_space<hbm>>, %arg3: memref<320000xi32, #tpu.memory_space<hbm>>, %arg4: memref<320000xf32, #tpu.memory_space<hbm>>, %arg5: memref<10000x128xf32, #tpu.memory_space<hbm>>, %arg6: memref<10000xf32, #tpu.memory_space<hbm>>, %arg7: memref<10000xf32, #tpu.memory_space<hbm>>, %arg8: memref<2x10240x128xf32, #tpu.memory_space<hbm>>, %arg9: memref<20480xf32, #tpu.memory_space<hbm>>, %arg10: memref<80xi32, #tpu.memory_space<vmem>>, %arg11: memref<80xi32, #tpu.memory_space<vmem>>, %arg12: memref<80xf32, #tpu.memory_space<vmem>>, %arg13: memref<80xf32, #tpu.memory_space<vmem>>, %arg14: memref<10000xf32, #tpu.memory_space<vmem>>, %arg15: memref<10000xf32, #tpu.memory_space<vmem>>, %arg16: memref<80x128xf32, #tpu.memory_space<vmem>>, %arg17: memref<640xf32, #tpu.memory_space<vmem>>, %arg18: memref<10240x128xf32, #tpu.memory_space<vmem_shared>>, %arg19: memref<10240xf32, #tpu.memory_space<vmem_shared>>, %arg20: memref<!tpu.dma_semaphore, #tpu.memory_space<semaphore_mem>>) attributes {dimension_semantics = [#tpu.dimension_semantics<core_parallel>, #tpu.dimension_semantics<subcore_parallel>], iteration_bounds = array<i64: 2, 16>, scalar_prefetch = 0 : i64, scratch_operands = 11 : i64, tpu.core_type = #tpu.core_type<sc_vector_subcore>, window_params = [{transform_indices = #map}, {transform_indices = #map}, {transform_indices = #map}, {transform_indices = #map1}, {transform_indices = #map}, {transform_indices = #map}, {transform_indices = #map2}, {transform_indices = #map}]} {
    %mul3A = arith.constant 16 : i32
    %mul3A_0 = arith.muli %arg0, %mul3A : i32
    %add3A = arith.addi %mul3A_0, %arg1 : i32
    %mul3A_1 = arith.constant 10000 : i32
    %mul3A_2 = arith.muli %add3A, %mul3A_1 : i32
    "tpu.region"() ({
      %run_scoped3A = tpu.sem_alloc : memref<!tpu.dma_semaphore, #tpu.memory_space<semaphore_mem>>
      tpu.enqueue_dma source(%arg6 : memref<10000xf32, #tpu.memory_space<hbm>>) target(%arg14 : memref<10000xf32, #tpu.memory_space<vmem>>) target_semaphore(%run_scoped3A : memref<!tpu.dma_semaphore, #tpu.memory_space<semaphore_mem>>)
      tpu.wait_dma2 semaphore(%run_scoped3A : memref<!tpu.dma_semaphore, #tpu.memory_space<semaphore_mem>>) src(%arg6 : memref<10000xf32, #tpu.memory_space<hbm>>) dst(%arg14 : memref<10000xf32, #tpu.memory_space<vmem>>)
      tpu.yield
    }) : () -> ()
    "tpu.region"() ({
      %run_scoped3A = tpu.sem_alloc : memref<!tpu.dma_semaphore, #tpu.memory_space<semaphore_mem>>
      tpu.enqueue_dma source(%arg7 : memref<10000xf32, #tpu.memory_space<hbm>>) target(%arg15 : memref<10000xf32, #tpu.memory_space<vmem>>) target_semaphore(%run_scoped3A : memref<!tpu.dma_semaphore, #tpu.memory_space<semaphore_mem>>)
      tpu.wait_dma2 semaphore(%run_scoped3A : memref<!tpu.dma_semaphore, #tpu.memory_space<semaphore_mem>>) src(%arg7 : memref<10000xf32, #tpu.memory_space<hbm>>) dst(%arg15 : memref<10000xf32, #tpu.memory_space<vmem>>)
      tpu.yield
    }) : () -> ()
    %broadcast_in_dim3A = arith.constant 0.000000e+00 : f32
    %broadcast_in_dim3A_3 = vector.broadcast %broadcast_in_dim3A : f32 to vector<16xf32>
    %scan3A = arith.constant 0 : i32
    %scan3A_4 = arith.constant 0 : i32
    %scan3A_5 = arith.constant 80 : i32
    %scan3A_6 = arith.addi %scan3A_4, %scan3A_5 : i32
    %scan3A_7 = arith.constant 1 : i32
    scf.for %scan3A_170 = %scan3A_4 to %scan3A_6 step %scan3A_7  : i32 {
      %swap3A_171 = arith.index_cast %scan3A_170 : i32 to index
      %swap3A_172 = arith.constant 0 : index
      %swap3A_173 = tpu.vector_load %arg16[%swap3A_171, %swap3A_172] {strides = array<i32>} : memref<80x128xf32, #tpu.memory_space<vmem>>, vector<16xf32>,
      tpu.vector_store %arg16[%swap3A_171, %swap3A_172], %broadcast_in_dim3A_3 {strides = array<i32>} : memref<80x128xf32, #tpu.memory_space<vmem>>, vector<16xf32>,
      %swap3A_174 = arith.index_cast %scan3A_170 : i32 to index
      %swap3A_175 = arith.constant 16 : index
      %swap3A_176 = tpu.vector_load %arg16[%swap3A_174, %swap3A_175] {strides = array<i32>} : memref<80x128xf32, #tpu.memory_space<vmem>>, vector<16xf32>,
      tpu.vector_store %arg16[%swap3A_174, %swap3A_175], %broadcast_in_dim3A_3 {strides = array<i32>} : memref<80x128xf32, #tpu.memory_space<vmem>>, vector<16xf32>,
      %swap3A_177 = arith.index_cast %scan3A_170 : i32 to index
      %swap3A_178 = arith.constant 32 : index
      %swap3A_179 = tpu.vector_load %arg16[%swap3A_177, %swap3A_178] {strides = array<i32>} : memref<80x128xf32, #tpu.memory_space<vmem>>, vector<16xf32>,
      tpu.vector_store %arg16[%swap3A_177, %swap3A_178], %broadcast_in_dim3A_3 {strides = array<i32>} : memref<80x128xf32, #tpu.memory_space<vmem>>, vector<16xf32>,
      %swap3A_180 = arith.index_cast %scan3A_170 : i32 to index
      %swap3A_181 = arith.constant 48 : index
      %swap3A_182 = tpu.vector_load %arg16[%swap3A_180, %swap3A_181] {strides = array<i32>} : memref<80x128xf32, #tpu.memory_space<vmem>>, vector<16xf32>,
      tpu.vector_store %arg16[%swap3A_180, %swap3A_181], %broadcast_in_dim3A_3 {strides = array<i32>} : memref<80x128xf32, #tpu.memory_space<vmem>>, vector<16xf32>,
      %swap3A_183 = arith.index_cast %scan3A_170 : i32 to index
      %swap3A_184 = arith.constant 64 : index
      %swap3A_185 = tpu.vector_load %arg16[%swap3A_183, %swap3A_184] {strides = array<i32>} : memref<80x128xf32, #tpu.memory_space<vmem>>, vector<16xf32>,
      tpu.vector_store %arg16[%swap3A_183, %swap3A_184], %broadcast_in_dim3A_3 {strides = array<i32>} : memref<80x128xf32, #tpu.memory_space<vmem>>, vector<16xf32>,
      %swap3A_186 = arith.index_cast %scan3A_170 : i32 to index
      %swap3A_187 = arith.constant 80 : index
      %swap3A_188 = tpu.vector_load %arg16[%swap3A_186, %swap3A_187] {strides = array<i32>} : memref<80x128xf32, #tpu.memory_space<vmem>>, vector<16xf32>,
      tpu.vector_store %arg16[%swap3A_186, %swap3A_187], %broadcast_in_dim3A_3 {strides = array<i32>} : memref<80x128xf32, #tpu.memory_space<vmem>>, vector<16xf32>,
      %swap3A_189 = arith.index_cast %scan3A_170 : i32 to index
      %swap3A_190 = arith.constant 96 : index
      %swap3A_191 = tpu.vector_load %arg16[%swap3A_189, %swap3A_190] {strides = array<i32>} : memref<80x128xf32, #tpu.memory_space<vmem>>, vector<16xf32>,
      tpu.vector_store %arg16[%swap3A_189, %swap3A_190], %broadcast_in_dim3A_3 {strides = array<i32>} : memref<80x128xf32, #tpu.memory_space<vmem>>, vector<16xf32>,
      %swap3A_192 = arith.index_cast %scan3A_170 : i32 to index
      %swap3A_193 = arith.constant 112 : index
      %swap3A_194 = tpu.vector_load %arg16[%swap3A_192, %swap3A_193] {strides = array<i32>} : memref<80x128xf32, #tpu.memory_space<vmem>>, vector<16xf32>,
      tpu.vector_store %arg16[%swap3A_192, %swap3A_193], %broadcast_in_dim3A_3 {strides = array<i32>} : memref<80x128xf32, #tpu.memory_space<vmem>>, vector<16xf32>,
    }
    %scan3A_8 = arith.constant 80 : i32
    %swap3A = arith.constant 0 : index
    %swap3A_9 = tpu.vector_load %arg17[%swap3A] {strides = array<i32>} : memref<640xf32, #tpu.memory_space<vmem>>, vector<16xf32>,
    tpu.vector_store %arg17[%swap3A], %broadcast_in_dim3A_3 {strides = array<i32>} : memref<640xf32, #tpu.memory_space<vmem>>, vector<16xf32>,
    %swap3A_10 = arith.constant 16 : index
    %swap3A_11 = tpu.vector_load %arg17[%swap3A_10] {strides = array<i32>} : memref<640xf32, #tpu.memory_space<vmem>>, vector<16xf32>,
    tpu.vector_store %arg17[%swap3A_10], %broadcast_in_dim3A_3 {strides = array<i32>} : memref<640xf32, #tpu.memory_space<vmem>>, vector<16xf32>,
    %swap3A_12 = arith.constant 32 : index
    %swap3A_13 = tpu.vector_load %arg17[%swap3A_12] {strides = array<i32>} : memref<640xf32, #tpu.memory_space<vmem>>, vector<16xf32>,
    tpu.vector_store %arg17[%swap3A_12], %broadcast_in_dim3A_3 {strides = array<i32>} : memref<640xf32, #tpu.memory_space<vmem>>, vector<16xf32>,
    %swap3A_14 = arith.constant 48 : index
    %swap3A_15 = tpu.vector_load %arg17[%swap3A_14] {strides = array<i32>} : memref<640xf32, #tpu.memory_space<vmem>>, vector<16xf32>,
    tpu.vector_store %arg17[%swap3A_14], %broadcast_in_dim3A_3 {strides = array<i32>} : memref<640xf32, #tpu.memory_space<vmem>>, vector<16xf32>,
    %swap3A_16 = arith.constant 64 : index
    %swap3A_17 = tpu.vector_load %arg17[%swap3A_16] {strides = array<i32>} : memref<640xf32, #tpu.memory_space<vmem>>, vector<16xf32>,
    tpu.vector_store %arg17[%swap3A_16], %broadcast_in_dim3A_3 {strides = array<i32>} : memref<640xf32, #tpu.memory_space<vmem>>, vector<16xf32>,
    %swap3A_18 = arith.constant 80 : index
    %swap3A_19 = tpu.vector_load %arg17[%swap3A_18] {strides = array<i32>} : memref<640xf32, #tpu.memory_space<vmem>>, vector<16xf32>,
    tpu.vector_store %arg17[%swap3A_18], %broadcast_in_dim3A_3 {strides = array<i32>} : memref<640xf32, #tpu.memory_space<vmem>>, vector<16xf32>,
    %swap3A_20 = arith.constant 96 : index
    %swap3A_21 = tpu.vector_load %arg17[%swap3A_20] {strides = array<i32>} : memref<640xf32, #tpu.memory_space<vmem>>, vector<16xf32>,
    tpu.vector_store %arg17[%swap3A_20], %broadcast_in_dim3A_3 {strides = array<i32>} : memref<640xf32, #tpu.memory_space<vmem>>, vector<16xf32>,
    %swap3A_22 = arith.constant 112 : index
    %swap3A_23 = tpu.vector_load %arg17[%swap3A_22] {strides = array<i32>} : memref<640xf32, #tpu.memory_space<vmem>>, vector<16xf32>,
    tpu.vector_store %arg17[%swap3A_22], %broadcast_in_dim3A_3 {strides = array<i32>} : memref<640xf32, #tpu.memory_space<vmem>>, vector<16xf32>,
    %swap3A_24 = arith.constant 128 : index
    %swap3A_25 = tpu.vector_load %arg17[%swap3A_24] {strides = array<i32>} : memref<640xf32, #tpu.memory_space<vmem>>, vector<16xf32>,
    tpu.vector_store %arg17[%swap3A_24], %broadcast_in_dim3A_3 {strides = array<i32>} : memref<640xf32, #tpu.memory_space<vmem>>, vector<16xf32>,
    %swap3A_26 = arith.constant 144 : index
    %swap3A_27 = tpu.vector_load %arg17[%swap3A_26] {strides = array<i32>} : memref<640xf32, #tpu.memory_space<vmem>>, vector<16xf32>,
    tpu.vector_store %arg17[%swap3A_26], %broadcast_in_dim3A_3 {strides = array<i32>} : memref<640xf32, #tpu.memory_space<vmem>>, vector<16xf32>,
    %swap3A_28 = arith.constant 160 : index
    %swap3A_29 = tpu.vector_load %arg17[%swap3A_28] {strides = array<i32>} : memref<640xf32, #tpu.memory_space<vmem>>, vector<16xf32>,
    tpu.vector_store %arg17[%swap3A_28], %broadcast_in_dim3A_3 {strides = array<i32>} : memref<640xf32, #tpu.memory_space<vmem>>, vector<16xf32>,
    %swap3A_30 = arith.constant 176 : index
    %swap3A_31 = tpu.vector_load %arg17[%swap3A_30] {strides = array<i32>} : memref<640xf32, #tpu.memory_space<vmem>>, vector<16xf32>,
    tpu.vector_store %arg17[%swap3A_30], %broadcast_in_dim3A_3 {strides = array<i32>} : memref<640xf32, #tpu.memory_space<vmem>>, vector<16xf32>,
    %swap3A_32 = arith.constant 192 : index
    %swap3A_33 = tpu.vector_load %arg17[%swap3A_32] {strides = array<i32>} : memref<640xf32, #tpu.memory_space<vmem>>, vector<16xf32>,
    tpu.vector_store %arg17[%swap3A_32], %broadcast_in_dim3A_3 {strides = array<i32>} : memref<640xf32, #tpu.memory_space<vmem>>, vector<16xf32>,
    %swap3A_34 = arith.constant 208 : index
    %swap3A_35 = tpu.vector_load %arg17[%swap3A_34] {strides = array<i32>} : memref<640xf32, #tpu.memory_space<vmem>>, vector<16xf32>,
    tpu.vector_store %arg17[%swap3A_34], %broadcast_in_dim3A_3 {strides = array<i32>} : memref<640xf32, #tpu.memory_space<vmem>>, vector<16xf32>,
    %swap3A_36 = arith.constant 224 : index
    %swap3A_37 = tpu.vector_load %arg17[%swap3A_36] {strides = array<i32>} : memref<640xf32, #tpu.memory_space<vmem>>, vector<16xf32>,
    tpu.vector_store %arg17[%swap3A_36], %broadcast_in_dim3A_3 {strides = array<i32>} : memref<640xf32, #tpu.memory_space<vmem>>, vector<16xf32>,
    %swap3A_38 = arith.constant 240 : index
    %swap3A_39 = tpu.vector_load %arg17[%swap3A_38] {strides = array<i32>} : memref<640xf32, #tpu.memory_space<vmem>>, vector<16xf32>,
    tpu.vector_store %arg17[%swap3A_38], %broadcast_in_dim3A_3 {strides = array<i32>} : memref<640xf32, #tpu.memory_space<vmem>>, vector<16xf32>,
    %swap3A_40 = arith.constant 256 : index
    %swap3A_41 = tpu.vector_load %arg17[%swap3A_40] {strides = array<i32>} : memref<640xf32, #tpu.memory_space<vmem>>, vector<16xf32>,
    tpu.vector_store %arg17[%swap3A_40], %broadcast_in_dim3A_3 {strides = array<i32>} : memref<640xf32, #tpu.memory_space<vmem>>, vector<16xf32>,
    %swap3A_42 = arith.constant 272 : index
    %swap3A_43 = tpu.vector_load %arg17[%swap3A_42] {strides = array<i32>} : memref<640xf32, #tpu.memory_space<vmem>>, vector<16xf32>,
    tpu.vector_store %arg17[%swap3A_42], %broadcast_in_dim3A_3 {strides = array<i32>} : memref<640xf32, #tpu.memory_space<vmem>>, vector<16xf32>,
    %swap3A_44 = arith.constant 288 : index
    %swap3A_45 = tpu.vector_load %arg17[%swap3A_44] {strides = array<i32>} : memref<640xf32, #tpu.memory_space<vmem>>, vector<16xf32>,
    tpu.vector_store %arg17[%swap3A_44], %broadcast_in_dim3A_3 {strides = array<i32>} : memref<640xf32, #tpu.memory_space<vmem>>, vector<16xf32>,
    %swap3A_46 = arith.constant 304 : index
    %swap3A_47 = tpu.vector_load %arg17[%swap3A_46] {strides = array<i32>} : memref<640xf32, #tpu.memory_space<vmem>>, vector<16xf32>,
    tpu.vector_store %arg17[%swap3A_46], %broadcast_in_dim3A_3 {strides = array<i32>} : memref<640xf32, #tpu.memory_space<vmem>>, vector<16xf32>,
    %swap3A_48 = arith.constant 320 : index
    %swap3A_49 = tpu.vector_load %arg17[%swap3A_48] {strides = array<i32>} : memref<640xf32, #tpu.memory_space<vmem>>, vector<16xf32>,
    tpu.vector_store %arg17[%swap3A_48], %broadcast_in_dim3A_3 {strides = array<i32>} : memref<640xf32, #tpu.memory_space<vmem>>, vector<16xf32>,
    %swap3A_50 = arith.constant 336 : index
    %swap3A_51 = tpu.vector_load %arg17[%swap3A_50] {strides = array<i32>} : memref<640xf32, #tpu.memory_space<vmem>>, vector<16xf32>,
    tpu.vector_store %arg17[%swap3A_50], %broadcast_in_dim3A_3 {strides = array<i32>} : memref<640xf32, #tpu.memory_space<vmem>>, vector<16xf32>,
    %swap3A_52 = arith.constant 352 : index
    %swap3A_53 = tpu.vector_load %arg17[%swap3A_52] {strides = array<i32>} : memref<640xf32, #tpu.memory_space<vmem>>, vector<16xf32>,
    tpu.vector_store %arg17[%swap3A_52], %broadcast_in_dim3A_3 {strides = array<i32>} : memref<640xf32, #tpu.memory_space<vmem>>, vector<16xf32>,
    %swap3A_54 = arith.constant 368 : index
    %swap3A_55 = tpu.vector_load %arg17[%swap3A_54] {strides = array<i32>} : memref<640xf32, #tpu.memory_space<vmem>>, vector<16xf32>,
    tpu.vector_store %arg17[%swap3A_54], %broadcast_in_dim3A_3 {strides = array<i32>} : memref<640xf32, #tpu.memory_space<vmem>>, vector<16xf32>,
    %swap3A_56 = arith.constant 384 : index
    %swap3A_57 = tpu.vector_load %arg17[%swap3A_56] {strides = array<i32>} : memref<640xf32, #tpu.memory_space<vmem>>, vector<16xf32>,
    tpu.vector_store %arg17[%swap3A_56], %broadcast_in_dim3A_3 {strides = array<i32>} : memref<640xf32, #tpu.memory_space<vmem>>, vector<16xf32>,
    %swap3A_58 = arith.constant 400 : index
    %swap3A_59 = tpu.vector_load %arg17[%swap3A_58] {strides = array<i32>} : memref<640xf32, #tpu.memory_space<vmem>>, vector<16xf32>,
    tpu.vector_store %arg17[%swap3A_58], %broadcast_in_dim3A_3 {strides = array<i32>} : memref<640xf32, #tpu.memory_space<vmem>>, vector<16xf32>,
    %swap3A_60 = arith.constant 416 : index
    %swap3A_61 = tpu.vector_load %arg17[%swap3A_60] {strides = array<i32>} : memref<640xf32, #tpu.memory_space<vmem>>, vector<16xf32>,
    tpu.vector_store %arg17[%swap3A_60], %broadcast_in_dim3A_3 {strides = array<i32>} : memref<640xf32, #tpu.memory_space<vmem>>, vector<16xf32>,
    %swap3A_62 = arith.constant 432 : index
    %swap3A_63 = tpu.vector_load %arg17[%swap3A_62] {strides = array<i32>} : memref<640xf32, #tpu.memory_space<vmem>>, vector<16xf32>,
    tpu.vector_store %arg17[%swap3A_62], %broadcast_in_dim3A_3 {strides = array<i32>} : memref<640xf32, #tpu.memory_space<vmem>>, vector<16xf32>,
    %swap3A_64 = arith.constant 448 : index
    %swap3A_65 = tpu.vector_load %arg17[%swap3A_64] {strides = array<i32>} : memref<640xf32, #tpu.memory_space<vmem>>, vector<16xf32>,
    tpu.vector_store %arg17[%swap3A_64], %broadcast_in_dim3A_3 {strides = array<i32>} : memref<640xf32, #tpu.memory_space<vmem>>, vector<16xf32>,
    %swap3A_66 = arith.constant 464 : index
    %swap3A_67 = tpu.vector_load %arg17[%swap3A_66] {strides = array<i32>} : memref<640xf32, #tpu.memory_space<vmem>>, vector<16xf32>,
    tpu.vector_store %arg17[%swap3A_66], %broadcast_in_dim3A_3 {strides = array<i32>} : memref<640xf32, #tpu.memory_space<vmem>>, vector<16xf32>,
    %swap3A_68 = arith.constant 480 : index
    %swap3A_69 = tpu.vector_load %arg17[%swap3A_68] {strides = array<i32>} : memref<640xf32, #tpu.memory_space<vmem>>, vector<16xf32>,
    tpu.vector_store %arg17[%swap3A_68], %broadcast_in_dim3A_3 {strides = array<i32>} : memref<640xf32, #tpu.memory_space<vmem>>, vector<16xf32>,
    %swap3A_70 = arith.constant 496 : index
    %swap3A_71 = tpu.vector_load %arg17[%swap3A_70] {strides = array<i32>} : memref<640xf32, #tpu.memory_space<vmem>>, vector<16xf32>,
    tpu.vector_store %arg17[%swap3A_70], %broadcast_in_dim3A_3 {strides = array<i32>} : memref<640xf32, #tpu.memory_space<vmem>>, vector<16xf32>,
    %swap3A_72 = arith.constant 512 : index
    %swap3A_73 = tpu.vector_load %arg17[%swap3A_72] {strides = array<i32>} : memref<640xf32, #tpu.memory_space<vmem>>, vector<16xf32>,
    tpu.vector_store %arg17[%swap3A_72], %broadcast_in_dim3A_3 {strides = array<i32>} : memref<640xf32, #tpu.memory_space<vmem>>, vector<16xf32>,
    %swap3A_74 = arith.constant 528 : index
    %swap3A_75 = tpu.vector_load %arg17[%swap3A_74] {strides = array<i32>} : memref<640xf32, #tpu.memory_space<vmem>>, vector<16xf32>,
    tpu.vector_store %arg17[%swap3A_74], %broadcast_in_dim3A_3 {strides = array<i32>} : memref<640xf32, #tpu.memory_space<vmem>>, vector<16xf32>,
    %swap3A_76 = arith.constant 544 : index
    %swap3A_77 = tpu.vector_load %arg17[%swap3A_76] {strides = array<i32>} : memref<640xf32, #tpu.memory_space<vmem>>, vector<16xf32>,
    tpu.vector_store %arg17[%swap3A_76], %broadcast_in_dim3A_3 {strides = array<i32>} : memref<640xf32, #tpu.memory_space<vmem>>, vector<16xf32>,
    %swap3A_78 = arith.constant 560 : index
    %swap3A_79 = tpu.vector_load %arg17[%swap3A_78] {strides = array<i32>} : memref<640xf32, #tpu.memory_space<vmem>>, vector<16xf32>,
    tpu.vector_store %arg17[%swap3A_78], %broadcast_in_dim3A_3 {strides = array<i32>} : memref<640xf32, #tpu.memory_space<vmem>>, vector<16xf32>,
    %swap3A_80 = arith.constant 576 : index
    %swap3A_81 = tpu.vector_load %arg17[%swap3A_80] {strides = array<i32>} : memref<640xf32, #tpu.memory_space<vmem>>, vector<16xf32>,
    tpu.vector_store %arg17[%swap3A_80], %broadcast_in_dim3A_3 {strides = array<i32>} : memref<640xf32, #tpu.memory_space<vmem>>, vector<16xf32>,
    %swap3A_82 = arith.constant 592 : index
    %swap3A_83 = tpu.vector_load %arg17[%swap3A_82] {strides = array<i32>} : memref<640xf32, #tpu.memory_space<vmem>>, vector<16xf32>,
    tpu.vector_store %arg17[%swap3A_82], %broadcast_in_dim3A_3 {strides = array<i32>} : memref<640xf32, #tpu.memory_space<vmem>>, vector<16xf32>,
    %swap3A_84 = arith.constant 608 : index
    %swap3A_85 = tpu.vector_load %arg17[%swap3A_84] {strides = array<i32>} : memref<640xf32, #tpu.memory_space<vmem>>, vector<16xf32>,
    tpu.vector_store %arg17[%swap3A_84], %broadcast_in_dim3A_3 {strides = array<i32>} : memref<640xf32, #tpu.memory_space<vmem>>, vector<16xf32>,
    %swap3A_86 = arith.constant 624 : index
    %swap3A_87 = tpu.vector_load %arg17[%swap3A_86] {strides = array<i32>} : memref<640xf32, #tpu.memory_space<vmem>>, vector<16xf32>,
    tpu.vector_store %arg17[%swap3A_86], %broadcast_in_dim3A_3 {strides = array<i32>} : memref<640xf32, #tpu.memory_space<vmem>>, vector<16xf32>,
    %mul3A_88 = arith.constant 640 : i32
    %mul3A_89 = arith.muli %arg1, %mul3A_88 : i32
    %add3A_90 = arith.constant 0 : i32
    %add3A_91 = arith.addi %mul3A_89, %add3A_90 : i32
    "tpu.region"() ({
      %run_scoped3A = tpu.sem_alloc : memref<!tpu.dma_semaphore, #tpu.memory_space<semaphore_mem>>
      %dma_start3A = arith.constant 0 : i32
      %dma_start3A_170 = tpu.memref_slice %arg18[%add3A_91, %dma_start3A] : memref<10240x128xf32, #tpu.memory_space<vmem_shared>> -> memref<80x128xf32, #tpu.memory_space<vmem_shared>>
      %dma_start3A_171 = arith.constant 0 : i32
      %dma_start3A_172 = tpu.memref_slice %arg18[%add3A_91, %dma_start3A_171] : memref<10240x128xf32, #tpu.memory_space<vmem_shared>> -> memref<80x128xf32, #tpu.memory_space<vmem_shared>>
      tpu.enqueue_dma source(%arg16 : memref<80x128xf32, #tpu.memory_space<vmem>>) target(%dma_start3A_172 : memref<80x128xf32, #tpu.memory_space<vmem_shared>>) target_semaphore(%run_scoped3A : memref<!tpu.dma_semaphore, #tpu.memory_space<semaphore_mem>>)
      %dma_wait3A = arith.constant 0 : i32
      %dma_wait3A_173 = tpu.memref_slice %arg18[%add3A_91, %dma_wait3A] : memref<10240x128xf32, #tpu.memory_space<vmem_shared>> -> memref<80x128xf32, #tpu.memory_space<vmem_shared>>
      %dma_wait3A_174 = arith.constant 0 : i32
      %dma_wait3A_175 = tpu.memref_slice %arg18[%add3A_91, %dma_wait3A_174] : memref<10240x128xf32, #tpu.memory_space<vmem_shared>> -> memref<80x128xf32, #tpu.memory_space<vmem_shared>>
      tpu.wait_dma2 semaphore(%run_scoped3A : memref<!tpu.dma_semaphore, #tpu.memory_space<semaphore_mem>>) src(%arg16 : memref<80x128xf32, #tpu.memory_space<vmem>>) dst(%dma_wait3A_175 : memref<80x128xf32, #tpu.memory_space<vmem_shared>>)
      tpu.yield
    }) : () -> ()
    %mul3A_92 = arith.constant 640 : i32
    %mul3A_93 = arith.muli %arg1, %mul3A_92 : i32
    %add3A_94 = arith.constant 80 : i32
    %add3A_95 = arith.addi %mul3A_93, %add3A_94 : i32
    "tpu.region"() ({
      %run_scoped3A = tpu.sem_alloc : memref<!tpu.dma_semaphore, #tpu.memory_space<semaphore_mem>>
      %dma_start3A = arith.constant 0 : i32
      %dma_start3A_170 = tpu.memref_slice %arg18[%add3A_95, %dma_start3A] : memref<10240x128xf32, #tpu.memory_space<vmem_shared>> -> memref<80x128xf32, #tpu.memory_space<vmem_shared>>
      %dma_start3A_171 = arith.constant 0 : i32
      %dma_start3A_172 = tpu.memref_slice %arg18[%add3A_95, %dma_start3A_171] : memref<10240x128xf32, #tpu.memory_space<vmem_shared>> -> memref<80x128xf32, #tpu.memory_space<vmem_shared>>
      tpu.enqueue_dma source(%arg16 : memref<80x128xf32, #tpu.memory_space<vmem>>) target(%dma_start3A_172 : memref<80x128xf32, #tpu.memory_space<vmem_shared>>) target_semaphore(%run_scoped3A : memref<!tpu.dma_semaphore, #tpu.memory_space<semaphore_mem>>)
      %dma_wait3A = arith.constant 0 : i32
      %dma_wait3A_173 = tpu.memref_slice %arg18[%add3A_95, %dma_wait3A] : memref<10240x128xf32, #tpu.memory_space<vmem_shared>> -> memref<80x128xf32, #tpu.memory_space<vmem_shared>>
      %dma_wait3A_174 = arith.constant 0 : i32
      %dma_wait3A_175 = tpu.memref_slice %arg18[%add3A_95, %dma_wait3A_174] : memref<10240x128xf32, #tpu.memory_space<vmem_shared>> -> memref<80x128xf32, #tpu.memory_space<vmem_shared>>
      tpu.wait_dma2 semaphore(%run_scoped3A : memref<!tpu.dma_semaphore, #tpu.memory_space<semaphore_mem>>) src(%arg16 : memref<80x128xf32, #tpu.memory_space<vmem>>) dst(%dma_wait3A_175 : memref<80x128xf32, #tpu.memory_space<vmem_shared>>)
      tpu.yield
    }) : () -> ()
    %mul3A_96 = arith.constant 640 : i32
    %mul3A_97 = arith.muli %arg1, %mul3A_96 : i32
    %add3A_98 = arith.constant 160 : i32
    %add3A_99 = arith.addi %mul3A_97, %add3A_98 : i32
    "tpu.region"() ({
      %run_scoped3A = tpu.sem_alloc : memref<!tpu.dma_semaphore, #tpu.memory_space<semaphore_mem>>
      %dma_start3A = arith.constant 0 : i32
      %dma_start3A_170 = tpu.memref_slice %arg18[%add3A_99, %dma_start3A] : memref<10240x128xf32, #tpu.memory_space<vmem_shared>> -> memref<80x128xf32, #tpu.memory_space<vmem_shared>>
      %dma_start3A_171 = arith.constant 0 : i32
      %dma_start3A_172 = tpu.memref_slice %arg18[%add3A_99, %dma_start3A_171] : memref<10240x128xf32, #tpu.memory_space<vmem_shared>> -> memref<80x128xf32, #tpu.memory_space<vmem_shared>>
      tpu.enqueue_dma source(%arg16 : memref<80x128xf32, #tpu.memory_space<vmem>>) target(%dma_start3A_172 : memref<80x128xf32, #tpu.memory_space<vmem_shared>>) target_semaphore(%run_scoped3A : memref<!tpu.dma_semaphore, #tpu.memory_space<semaphore_mem>>)
      %dma_wait3A = arith.constant 0 : i32
      %dma_wait3A_173 = tpu.memref_slice %arg18[%add3A_99, %dma_wait3A] : memref<10240x128xf32, #tpu.memory_space<vmem_shared>> -> memref<80x128xf32, #tpu.memory_space<vmem_shared>>
      %dma_wait3A_174 = arith.constant 0 : i32
      %dma_wait3A_175 = tpu.memref_slice %arg18[%add3A_99, %dma_wait3A_174] : memref<10240x128xf32, #tpu.memory_space<vmem_shared>> -> memref<80x128xf32, #tpu.memory_space<vmem_shared>>
      tpu.wait_dma2 semaphore(%run_scoped3A : memref<!tpu.dma_semaphore, #tpu.memory_space<semaphore_mem>>) src(%arg16 : memref<80x128xf32, #tpu.memory_space<vmem>>) dst(%dma_wait3A_175 : memref<80x128xf32, #tpu.memory_space<vmem_shared>>)
      tpu.yield
    }) : () -> ()
    %mul3A_100 = arith.constant 640 : i32
    %mul3A_101 = arith.muli %arg1, %mul3A_100 : i32
    %add3A_102 = arith.constant 240 : i32
    %add3A_103 = arith.addi %mul3A_101, %add3A_102 : i32
    "tpu.region"() ({
      %run_scoped3A = tpu.sem_alloc : memref<!tpu.dma_semaphore, #tpu.memory_space<semaphore_mem>>
      %dma_start3A = arith.constant 0 : i32
      %dma_start3A_170 = tpu.memref_slice %arg18[%add3A_103, %dma_start3A] : memref<10240x128xf32, #tpu.memory_space<vmem_shared>> -> memref<80x128xf32, #tpu.memory_space<vmem_shared>>
      %dma_start3A_171 = arith.constant 0 : i32
      %dma_start3A_172 = tpu.memref_slice %arg18[%add3A_103, %dma_start3A_171] : memref<10240x128xf32, #tpu.memory_space<vmem_shared>> -> memref<80x128xf32, #tpu.memory_space<vmem_shared>>
      tpu.enqueue_dma source(%arg16 : memref<80x128xf32, #tpu.memory_space<vmem>>) target(%dma_start3A_172 : memref<80x128xf32, #tpu.memory_space<vmem_shared>>) target_semaphore(%run_scoped3A : memref<!tpu.dma_semaphore, #tpu.memory_space<semaphore_mem>>)
      %dma_wait3A = arith.constant 0 : i32
      %dma_wait3A_173 = tpu.memref_slice %arg18[%add3A_103, %dma_wait3A] : memref<10240x128xf32, #tpu.memory_space<vmem_shared>> -> memref<80x128xf32, #tpu.memory_space<vmem_shared>>
      %dma_wait3A_174 = arith.constant 0 : i32
      %dma_wait3A_175 = tpu.memref_slice %arg18[%add3A_103, %dma_wait3A_174] : memref<10240x128xf32, #tpu.memory_space<vmem_shared>> -> memref<80x128xf32, #tpu.memory_space<vmem_shared>>
      tpu.wait_dma2 semaphore(%run_scoped3A : memref<!tpu.dma_semaphore, #tpu.memory_space<semaphore_mem>>) src(%arg16 : memref<80x128xf32, #tpu.memory_space<vmem>>) dst(%dma_wait3A_175 : memref<80x128xf32, #tpu.memory_space<vmem_shared>>)
      tpu.yield
    }) : () -> ()
    %mul3A_104 = arith.constant 640 : i32
    %mul3A_105 = arith.muli %arg1, %mul3A_104 : i32
    %add3A_106 = arith.constant 320 : i32
    %add3A_107 = arith.addi %mul3A_105, %add3A_106 : i32
    "tpu.region"() ({
      %run_scoped3A = tpu.sem_alloc : memref<!tpu.dma_semaphore, #tpu.memory_space<semaphore_mem>>
      %dma_start3A = arith.constant 0 : i32
      %dma_start3A_170 = tpu.memref_slice %arg18[%add3A_107, %dma_start3A] : memref<10240x128xf32, #tpu.memory_space<vmem_shared>> -> memref<80x128xf32, #tpu.memory_space<vmem_shared>>
      %dma_start3A_171 = arith.constant 0 : i32
      %dma_start3A_172 = tpu.memref_slice %arg18[%add3A_107, %dma_start3A_171] : memref<10240x128xf32, #tpu.memory_space<vmem_shared>> -> memref<80x128xf32, #tpu.memory_space<vmem_shared>>
      tpu.enqueue_dma source(%arg16 : memref<80x128xf32, #tpu.memory_space<vmem>>) target(%dma_start3A_172 : memref<80x128xf32, #tpu.memory_space<vmem_shared>>) target_semaphore(%run_scoped3A : memref<!tpu.dma_semaphore, #tpu.memory_space<semaphore_mem>>)
      %dma_wait3A = arith.constant 0 : i32
      %dma_wait3A_173 = tpu.memref_slice %arg18[%add3A_107, %dma_wait3A] : memref<10240x128xf32, #tpu.memory_space<vmem_shared>> -> memref<80x128xf32, #tpu.memory_space<vmem_shared>>
      %dma_wait3A_174 = arith.constant 0 : i32
      %dma_wait3A_175 = tpu.memref_slice %arg18[%add3A_107, %dma_wait3A_174] : memref<10240x128xf32, #tpu.memory_space<vmem_shared>> -> memref<80x128xf32, #tpu.memory_space<vmem_shared>>
      tpu.wait_dma2 semaphore(%run_scoped3A : memref<!tpu.dma_semaphore, #tpu.memory_space<semaphore_mem>>) src(%arg16 : memref<80x128xf32, #tpu.memory_space<vmem>>) dst(%dma_wait3A_175 : memref<80x128xf32, #tpu.memory_space<vmem_shared>>)
      tpu.yield
    }) : () -> ()
    %mul3A_108 = arith.constant 640 : i32
    %mul3A_109 = arith.muli %arg1, %mul3A_108 : i32
    %add3A_110 = arith.constant 400 : i32
    %add3A_111 = arith.addi %mul3A_109, %add3A_110 : i32
    "tpu.region"() ({
      %run_scoped3A = tpu.sem_alloc : memref<!tpu.dma_semaphore, #tpu.memory_space<semaphore_mem>>
      %dma_start3A = arith.constant 0 : i32
      %dma_start3A_170 = tpu.memref_slice %arg18[%add3A_111, %dma_start3A] : memref<10240x128xf32, #tpu.memory_space<vmem_shared>> -> memref<80x128xf32, #tpu.memory_space<vmem_shared>>
      %dma_start3A_171 = arith.constant 0 : i32
      %dma_start3A_172 = tpu.memref_slice %arg18[%add3A_111, %dma_start3A_171] : memref<10240x128xf32, #tpu.memory_space<vmem_shared>> -> memref<80x128xf32, #tpu.memory_space<vmem_shared>>
      tpu.enqueue_dma source(%arg16 : memref<80x128xf32, #tpu.memory_space<vmem>>) target(%dma_start3A_172 : memref<80x128xf32, #tpu.memory_space<vmem_shared>>) target_semaphore(%run_scoped3A : memref<!tpu.dma_semaphore, #tpu.memory_space<semaphore_mem>>)
      %dma_wait3A = arith.constant 0 : i32
      %dma_wait3A_173 = tpu.memref_slice %arg18[%add3A_111, %dma_wait3A] : memref<10240x128xf32, #tpu.memory_space<vmem_shared>> -> memref<80x128xf32, #tpu.memory_space<vmem_shared>>
      %dma_wait3A_174 = arith.constant 0 : i32
      %dma_wait3A_175 = tpu.memref_slice %arg18[%add3A_111, %dma_wait3A_174] : memref<10240x128xf32, #tpu.memory_space<vmem_shared>> -> memref<80x128xf32, #tpu.memory_space<vmem_shared>>
      tpu.wait_dma2 semaphore(%run_scoped3A : memref<!tpu.dma_semaphore, #tpu.memory_space<semaphore_mem>>) src(%arg16 : memref<80x128xf32, #tpu.memory_space<vmem>>) dst(%dma_wait3A_175 : memref<80x128xf32, #tpu.memory_space<vmem_shared>>)
      tpu.yield
    }) : () -> ()
    %mul3A_112 = arith.constant 640 : i32
    %mul3A_113 = arith.muli %arg1, %mul3A_112 : i32
    %add3A_114 = arith.constant 480 : i32
    %add3A_115 = arith.addi %mul3A_113, %add3A_114 : i32
    "tpu.region"() ({
      %run_scoped3A = tpu.sem_alloc : memref<!tpu.dma_semaphore, #tpu.memory_space<semaphore_mem>>
      %dma_start3A = arith.constant 0 : i32
      %dma_start3A_170 = tpu.memref_slice %arg18[%add3A_115, %dma_start3A] : memref<10240x128xf32, #tpu.memory_space<vmem_shared>> -> memref<80x128xf32, #tpu.memory_space<vmem_shared>>
      %dma_start3A_171 = arith.constant 0 : i32
      %dma_start3A_172 = tpu.memref_slice %arg18[%add3A_115, %dma_start3A_171] : memref<10240x128xf32, #tpu.memory_space<vmem_shared>> -> memref<80x128xf32, #tpu.memory_space<vmem_shared>>
      tpu.enqueue_dma source(%arg16 : memref<80x128xf32, #tpu.memory_space<vmem>>) target(%dma_start3A_172 : memref<80x128xf32, #tpu.memory_space<vmem_shared>>) target_semaphore(%run_scoped3A : memref<!tpu.dma_semaphore, #tpu.memory_space<semaphore_mem>>)
      %dma_wait3A = arith.constant 0 : i32
      %dma_wait3A_173 = tpu.memref_slice %arg18[%add3A_115, %dma_wait3A] : memref<10240x128xf32, #tpu.memory_space<vmem_shared>> -> memref<80x128xf32, #tpu.memory_space<vmem_shared>>
      %dma_wait3A_174 = arith.constant 0 : i32
      %dma_wait3A_175 = tpu.memref_slice %arg18[%add3A_115, %dma_wait3A_174] : memref<10240x128xf32, #tpu.memory_space<vmem_shared>> -> memref<80x128xf32, #tpu.memory_space<vmem_shared>>
      tpu.wait_dma2 semaphore(%run_scoped3A : memref<!tpu.dma_semaphore, #tpu.memory_space<semaphore_mem>>) src(%arg16 : memref<80x128xf32, #tpu.memory_space<vmem>>) dst(%dma_wait3A_175 : memref<80x128xf32, #tpu.memory_space<vmem_shared>>)
      tpu.yield
    }) : () -> ()
    %mul3A_116 = arith.constant 640 : i32
    %mul3A_117 = arith.muli %arg1, %mul3A_116 : i32
    %add3A_118 = arith.constant 560 : i32
    %add3A_119 = arith.addi %mul3A_117, %add3A_118 : i32
    "tpu.region"() ({
      %run_scoped3A = tpu.sem_alloc : memref<!tpu.dma_semaphore, #tpu.memory_space<semaphore_mem>>
      %dma_start3A = arith.constant 0 : i32
      %dma_start3A_170 = tpu.memref_slice %arg18[%add3A_119, %dma_start3A] : memref<10240x128xf32, #tpu.memory_space<vmem_shared>> -> memref<80x128xf32, #tpu.memory_space<vmem_shared>>
      %dma_start3A_171 = arith.constant 0 : i32
      %dma_start3A_172 = tpu.memref_slice %arg18[%add3A_119, %dma_start3A_171] : memref<10240x128xf32, #tpu.memory_space<vmem_shared>> -> memref<80x128xf32, #tpu.memory_space<vmem_shared>>
      tpu.enqueue_dma source(%arg16 : memref<80x128xf32, #tpu.memory_space<vmem>>) target(%dma_start3A_172 : memref<80x128xf32, #tpu.memory_space<vmem_shared>>) target_semaphore(%run_scoped3A : memref<!tpu.dma_semaphore, #tpu.memory_space<semaphore_mem>>)
      %dma_wait3A = arith.constant 0 : i32
      %dma_wait3A_173 = tpu.memref_slice %arg18[%add3A_119, %dma_wait3A] : memref<10240x128xf32, #tpu.memory_space<vmem_shared>> -> memref<80x128xf32, #tpu.memory_space<vmem_shared>>
      %dma_wait3A_174 = arith.constant 0 : i32
      %dma_wait3A_175 = tpu.memref_slice %arg18[%add3A_119, %dma_wait3A_174] : memref<10240x128xf32, #tpu.memory_space<vmem_shared>> -> memref<80x128xf32, #tpu.memory_space<vmem_shared>>
      tpu.wait_dma2 semaphore(%run_scoped3A : memref<!tpu.dma_semaphore, #tpu.memory_space<semaphore_mem>>) src(%arg16 : memref<80x128xf32, #tpu.memory_space<vmem>>) dst(%dma_wait3A_175 : memref<80x128xf32, #tpu.memory_space<vmem_shared>>)
      tpu.yield
    }) : () -> ()
    %mul3A_120 = arith.constant 640 : i32
    %mul3A_121 = arith.muli %arg1, %mul3A_120 : i32
    "tpu.region"() ({
      %run_scoped3A = tpu.sem_alloc : memref<!tpu.dma_semaphore, #tpu.memory_space<semaphore_mem>>
      %dma_start3A = tpu.memref_slice %arg19[%mul3A_121] : memref<10240xf32, #tpu.memory_space<vmem_shared>> -> memref<640xf32, #tpu.memory_space<vmem_shared>>
      %dma_start3A_170 = tpu.memref_slice %arg19[%mul3A_121] : memref<10240xf32, #tpu.memory_space<vmem_shared>> -> memref<640xf32, #tpu.memory_space<vmem_shared>>
      tpu.enqueue_dma source(%arg17 : memref<640xf32, #tpu.memory_space<vmem>>) target(%dma_start3A_170 : memref<640xf32, #tpu.memory_space<vmem_shared>>) target_semaphore(%run_scoped3A : memref<!tpu.dma_semaphore, #tpu.memory_space<semaphore_mem>>)
      %dma_wait3A = tpu.memref_slice %arg19[%mul3A_121] : memref<10240xf32, #tpu.memory_space<vmem_shared>> -> memref<640xf32, #tpu.memory_space<vmem_shared>>
      %dma_wait3A_171 = tpu.memref_slice %arg19[%mul3A_121] : memref<10240xf32, #tpu.memory_space<vmem_shared>> -> memref<640xf32, #tpu.memory_space<vmem_shared>>
      tpu.wait_dma2 semaphore(%run_scoped3A : memref<!tpu.dma_semaphore, #tpu.memory_space<semaphore_mem>>) src(%arg17 : memref<640xf32, #tpu.memory_space<vmem>>) dst(%dma_wait3A_171 : memref<640xf32, #tpu.memory_space<vmem_shared>>)
      tpu.yield
    }) : () -> ()
    %barrier3A = arith.constant 0 : index
    tpu.barrier barrier_id(%barrier3A)
    %scan3A_122 = arith.constant 0 : i32
    %scan3A_123 = arith.constant 0 : i32
    %scan3A_124 = arith.constant 125 : i32
    %scan3A_125 = arith.addi %scan3A_123, %scan3A_124 : i32
    %scan3A_126 = arith.constant 1 : i32
    scf.for %scan3A_170 = %scan3A_123 to %scan3A_125 step %scan3A_126  : i32 {
      %mul3A_171 = arith.constant 80 : i32
      %mul3A_172 = arith.muli %scan3A_170, %mul3A_171 : i32
      %add3A_173 = arith.addi %mul3A_2, %mul3A_172 : i32
      "tpu.region"() ({
        %run_scoped3A = tpu.sem_alloc : memref<!tpu.dma_semaphore, #tpu.memory_space<semaphore_mem>>
        %dma_start3A_265 = tpu.memref_slice %arg2[%add3A_173] : memref<320000xi32, #tpu.memory_space<hbm>> -> memref<80xi32, #tpu.memory_space<hbm>>
        %dma_start3A_266 = tpu.memref_slice %arg2[%add3A_173] : memref<320000xi32, #tpu.memory_space<hbm>> -> memref<80xi32, #tpu.memory_space<hbm>>
        tpu.enqueue_dma source(%dma_start3A_266 : memref<80xi32, #tpu.memory_space<hbm>>) target(%arg10 : memref<80xi32, #tpu.memory_space<vmem>>) target_semaphore(%run_scoped3A : memref<!tpu.dma_semaphore, #tpu.memory_space<semaphore_mem>>)
        %dma_wait3A_267 = tpu.memref_slice %arg2[%add3A_173] : memref<320000xi32, #tpu.memory_space<hbm>> -> memref<80xi32, #tpu.memory_space<hbm>>
        %dma_wait3A_268 = tpu.memref_slice %arg2[%add3A_173] : memref<320000xi32, #tpu.memory_space<hbm>> -> memref<80xi32, #tpu.memory_space<hbm>>
        tpu.wait_dma2 semaphore(%run_scoped3A : memref<!tpu.dma_semaphore, #tpu.memory_space<semaphore_mem>>) src(%dma_wait3A_268 : memref<80xi32, #tpu.memory_space<hbm>>) dst(%arg10 : memref<80xi32, #tpu.memory_space<vmem>>)
        tpu.yield
      }) : () -> ()
      "tpu.region"() ({
        %run_scoped3A = tpu.sem_alloc : memref<!tpu.dma_semaphore, #tpu.memory_space<semaphore_mem>>
        %dma_start3A_265 = tpu.memref_slice %arg3[%add3A_173] : memref<320000xi32, #tpu.memory_space<hbm>> -> memref<80xi32, #tpu.memory_space<hbm>>
        %dma_start3A_266 = tpu.memref_slice %arg3[%add3A_173] : memref<320000xi32, #tpu.memory_space<hbm>> -> memref<80xi32, #tpu.memory_space<hbm>>
        tpu.enqueue_dma source(%dma_start3A_266 : memref<80xi32, #tpu.memory_space<hbm>>) target(%arg11 : memref<80xi32, #tpu.memory_space<vmem>>) target_semaphore(%run_scoped3A : memref<!tpu.dma_semaphore, #tpu.memory_space<semaphore_mem>>)
        %dma_wait3A_267 = tpu.memref_slice %arg3[%add3A_173] : memref<320000xi32, #tpu.memory_space<hbm>> -> memref<80xi32, #tpu.memory_space<hbm>>
        %dma_wait3A_268 = tpu.memref_slice %arg3[%add3A_173] : memref<320000xi32, #tpu.memory_space<hbm>> -> memref<80xi32, #tpu.memory_space<hbm>>
        tpu.wait_dma2 semaphore(%run_scoped3A : memref<!tpu.dma_semaphore, #tpu.memory_space<semaphore_mem>>) src(%dma_wait3A_268 : memref<80xi32, #tpu.memory_space<hbm>>) dst(%arg11 : memref<80xi32, #tpu.memory_space<vmem>>)
        tpu.yield
      }) : () -> ()
      "tpu.region"() ({
        %run_scoped3A = tpu.sem_alloc : memref<!tpu.dma_semaphore, #tpu.memory_space<semaphore_mem>>
        %dma_start3A_265 = tpu.memref_slice %arg4[%add3A_173] : memref<320000xf32, #tpu.memory_space<hbm>> -> memref<80xf32, #tpu.memory_space<hbm>>
        %dma_start3A_266 = tpu.memref_slice %arg4[%add3A_173] : memref<320000xf32, #tpu.memory_space<hbm>> -> memref<80xf32, #tpu.memory_space<hbm>>
        tpu.enqueue_dma source(%dma_start3A_266 : memref<80xf32, #tpu.memory_space<hbm>>) target(%arg12 : memref<80xf32, #tpu.memory_space<vmem>>) target_semaphore(%run_scoped3A : memref<!tpu.dma_semaphore, #tpu.memory_space<semaphore_mem>>)
        %dma_wait3A_267 = tpu.memref_slice %arg4[%add3A_173] : memref<320000xf32, #tpu.memory_space<hbm>> -> memref<80xf32, #tpu.memory_space<hbm>>
        %dma_wait3A_268 = tpu.memref_slice %arg4[%add3A_173] : memref<320000xf32, #tpu.memory_space<hbm>> -> memref<80xf32, #tpu.memory_space<hbm>>
        tpu.wait_dma2 semaphore(%run_scoped3A : memref<!tpu.dma_semaphore, #tpu.memory_space<semaphore_mem>>) src(%dma_wait3A_268 : memref<80xf32, #tpu.memory_space<hbm>>) dst(%arg12 : memref<80xf32, #tpu.memory_space<vmem>>)
        tpu.yield
      }) : () -> ()
      %get3A = arith.constant 0 : index
      %get3A_174 = tpu.vector_load %arg11[%get3A] {strides = array<i32>} : memref<80xi32, #tpu.memory_space<vmem>>, vector<16xi32>,
      %gather3A = tpu.vector_load_idx %arg14[%get3A_174] : memref<10000xf32, #tpu.memory_space<vmem>>[vector<16xi32>], vector<16xf32>,
      %get3A_175 = arith.constant 0 : index
      %get3A_176 = tpu.vector_load %arg10[%get3A_175] {strides = array<i32>} : memref<80xi32, #tpu.memory_space<vmem>>, vector<16xi32>,
      %gather3A_177 = tpu.vector_load_idx %arg15[%get3A_176] : memref<10000xf32, #tpu.memory_space<vmem>>[vector<16xi32>], vector<16xf32>,
      %add3A_178 = arith.addf %gather3A, %gather3A_177 : vector<16xf32>
      %mul3A_179 = arith.constant 2.000000e-01 : f32
      %mul3A_180 = vector.broadcast %mul3A_179 : f32 to vector<16xf32>
      %mul3A_181 = arith.mulf %add3A_178, %mul3A_180 : vector<16xf32>
      %max3A = arith.maximumf %add3A_178, %mul3A_181 : vector<16xf32>
      %get3A_182 = arith.constant 0 : index
      %get3A_183 = tpu.vector_load %arg12[%get3A_182] {strides = array<i32>} : memref<80xf32, #tpu.memory_space<vmem>>, vector<16xf32>,
      %mul3A_184 = arith.mulf %max3A, %get3A_183 : vector<16xf32>
      %exp3A = math.exp %mul3A_184 : vector<16xf32>
      %swap3A_185 = arith.constant 0 : index
      %swap3A_186 = tpu.vector_load %arg13[%swap3A_185] {strides = array<i32>} : memref<80xf32, #tpu.memory_space<vmem>>, vector<16xf32>,
      tpu.vector_store %arg13[%swap3A_185], %exp3A {strides = array<i32>} : memref<80xf32, #tpu.memory_space<vmem>>, vector<16xf32>,
      %get3A_187 = arith.constant 16 : index
      %get3A_188 = tpu.vector_load %arg11[%get3A_187] {strides = array<i32>} : memref<80xi32, #tpu.memory_space<vmem>>, vector<16xi32>,
      %gather3A_189 = tpu.vector_load_idx %arg14[%get3A_188] : memref<10000xf32, #tpu.memory_space<vmem>>[vector<16xi32>], vector<16xf32>,
      %get3A_190 = arith.constant 16 : index
      %get3A_191 = tpu.vector_load %arg10[%get3A_190] {strides = array<i32>} : memref<80xi32, #tpu.memory_space<vmem>>, vector<16xi32>,
      %gather3A_192 = tpu.vector_load_idx %arg15[%get3A_191] : memref<10000xf32, #tpu.memory_space<vmem>>[vector<16xi32>], vector<16xf32>,
      %add3A_193 = arith.addf %gather3A_189, %gather3A_192 : vector<16xf32>
      %mul3A_194 = arith.constant 2.000000e-01 : f32
      %mul3A_195 = vector.broadcast %mul3A_194 : f32 to vector<16xf32>
      %mul3A_196 = arith.mulf %add3A_193, %mul3A_195 : vector<16xf32>
      %max3A_197 = arith.maximumf %add3A_193, %mul3A_196 : vector<16xf32>
      %get3A_198 = arith.constant 16 : index
      %get3A_199 = tpu.vector_load %arg12[%get3A_198] {strides = array<i32>} : memref<80xf32, #tpu.memory_space<vmem>>, vector<16xf32>,
      %mul3A_200 = arith.mulf %max3A_197, %get3A_199 : vector<16xf32>
      %exp3A_201 = math.exp %mul3A_200 : vector<16xf32>
      %swap3A_202 = arith.constant 16 : index
      %swap3A_203 = tpu.vector_load %arg13[%swap3A_202] {strides = array<i32>} : memref<80xf32, #tpu.memory_space<vmem>>, vector<16xf32>,
      tpu.vector_store %arg13[%swap3A_202], %exp3A_201 {strides = array<i32>} : memref<80xf32, #tpu.memory_space<vmem>>, vector<16xf32>,
      %get3A_204 = arith.constant 32 : index
      %get3A_205 = tpu.vector_load %arg11[%get3A_204] {strides = array<i32>} : memref<80xi32, #tpu.memory_space<vmem>>, vector<16xi32>,
      %gather3A_206 = tpu.vector_load_idx %arg14[%get3A_205] : memref<10000xf32, #tpu.memory_space<vmem>>[vector<16xi32>], vector<16xf32>,
      %get3A_207 = arith.constant 32 : index
      %get3A_208 = tpu.vector_load %arg10[%get3A_207] {strides = array<i32>} : memref<80xi32, #tpu.memory_space<vmem>>, vector<16xi32>,
      %gather3A_209 = tpu.vector_load_idx %arg15[%get3A_208] : memref<10000xf32, #tpu.memory_space<vmem>>[vector<16xi32>], vector<16xf32>,
      %add3A_210 = arith.addf %gather3A_206, %gather3A_209 : vector<16xf32>
      %mul3A_211 = arith.constant 2.000000e-01 : f32
      %mul3A_212 = vector.broadcast %mul3A_211 : f32 to vector<16xf32>
      %mul3A_213 = arith.mulf %add3A_210, %mul3A_212 : vector<16xf32>
      %max3A_214 = arith.maximumf %add3A_210, %mul3A_213 : vector<16xf32>
      %get3A_215 = arith.constant 32 : index
      %get3A_216 = tpu.vector_load %arg12[%get3A_215] {strides = array<i32>} : memref<80xf32, #tpu.memory_space<vmem>>, vector<16xf32>,
      %mul3A_217 = arith.mulf %max3A_214, %get3A_216 : vector<16xf32>
      %exp3A_218 = math.exp %mul3A_217 : vector<16xf32>
      %swap3A_219 = arith.constant 32 : index
      %swap3A_220 = tpu.vector_load %arg13[%swap3A_219] {strides = array<i32>} : memref<80xf32, #tpu.memory_space<vmem>>, vector<16xf32>,
      tpu.vector_store %arg13[%swap3A_219], %exp3A_218 {strides = array<i32>} : memref<80xf32, #tpu.memory_space<vmem>>, vector<16xf32>,
      %get3A_221 = arith.constant 48 : index
      %get3A_222 = tpu.vector_load %arg11[%get3A_221] {strides = array<i32>} : memref<80xi32, #tpu.memory_space<vmem>>, vector<16xi32>,
      %gather3A_223 = tpu.vector_load_idx %arg14[%get3A_222] : memref<10000xf32, #tpu.memory_space<vmem>>[vector<16xi32>], vector<16xf32>,
      %get3A_224 = arith.constant 48 : index
      %get3A_225 = tpu.vector_load %arg10[%get3A_224] {strides = array<i32>} : memref<80xi32, #tpu.memory_space<vmem>>, vector<16xi32>,
      %gather3A_226 = tpu.vector_load_idx %arg15[%get3A_225] : memref<10000xf32, #tpu.memory_space<vmem>>[vector<16xi32>], vector<16xf32>,
      %add3A_227 = arith.addf %gather3A_223, %gather3A_226 : vector<16xf32>
      %mul3A_228 = arith.constant 2.000000e-01 : f32
      %mul3A_229 = vector.broadcast %mul3A_228 : f32 to vector<16xf32>
      %mul3A_230 = arith.mulf %add3A_227, %mul3A_229 : vector<16xf32>
      %max3A_231 = arith.maximumf %add3A_227, %mul3A_230 : vector<16xf32>
      %get3A_232 = arith.constant 48 : index
      %get3A_233 = tpu.vector_load %arg12[%get3A_232] {strides = array<i32>} : memref<80xf32, #tpu.memory_space<vmem>>, vector<16xf32>,
      %mul3A_234 = arith.mulf %max3A_231, %get3A_233 : vector<16xf32>
      %exp3A_235 = math.exp %mul3A_234 : vector<16xf32>
      %swap3A_236 = arith.constant 48 : index
      %swap3A_237 = tpu.vector_load %arg13[%swap3A_236] {strides = array<i32>} : memref<80xf32, #tpu.memory_space<vmem>>, vector<16xf32>,
      tpu.vector_store %arg13[%swap3A_236], %exp3A_235 {strides = array<i32>} : memref<80xf32, #tpu.memory_space<vmem>>, vector<16xf32>,
      %get3A_238 = arith.constant 64 : index
      %get3A_239 = tpu.vector_load %arg11[%get3A_238] {strides = array<i32>} : memref<80xi32, #tpu.memory_space<vmem>>, vector<16xi32>,
      %gather3A_240 = tpu.vector_load_idx %arg14[%get3A_239] : memref<10000xf32, #tpu.memory_space<vmem>>[vector<16xi32>], vector<16xf32>,
      %get3A_241 = arith.constant 64 : index
      %get3A_242 = tpu.vector_load %arg10[%get3A_241] {strides = array<i32>} : memref<80xi32, #tpu.memory_space<vmem>>, vector<16xi32>,
      %gather3A_243 = tpu.vector_load_idx %arg15[%get3A_242] : memref<10000xf32, #tpu.memory_space<vmem>>[vector<16xi32>], vector<16xf32>,
      %add3A_244 = arith.addf %gather3A_240, %gather3A_243 : vector<16xf32>
      %mul3A_245 = arith.constant 2.000000e-01 : f32
      %mul3A_246 = vector.broadcast %mul3A_245 : f32 to vector<16xf32>
      %mul3A_247 = arith.mulf %add3A_244, %mul3A_246 : vector<16xf32>
      %max3A_248 = arith.maximumf %add3A_244, %mul3A_247 : vector<16xf32>
      %get3A_249 = arith.constant 64 : index
      %get3A_250 = tpu.vector_load %arg12[%get3A_249] {strides = array<i32>} : memref<80xf32, #tpu.memory_space<vmem>>, vector<16xf32>,
      %mul3A_251 = arith.mulf %max3A_248, %get3A_250 : vector<16xf32>
      %exp3A_252 = math.exp %mul3A_251 : vector<16xf32>
      %swap3A_253 = arith.constant 64 : index
      %swap3A_254 = tpu.vector_load %arg13[%swap3A_253] {strides = array<i32>} : memref<80xf32, #tpu.memory_space<vmem>>, vector<16xf32>,
      tpu.vector_store %arg13[%swap3A_253], %exp3A_252 {strides = array<i32>} : memref<80xf32, #tpu.memory_space<vmem>>, vector<16xf32>,
      %dma_start3A = arith.constant 0 : i32
      %dma_start3A_255 = arith.constant 0 : i32
      %dma_start3A_256 = tpu.memref_slice %arg5[%dma_start3A, %dma_start3A_255] : memref<10000x128xf32, #tpu.memory_space<hbm>> -> memref<10000x128xf32, #tpu.memory_space<hbm>>
      tpu.enqueue_indirect_dma source(%dma_start3A_256 : memref<10000x128xf32, #tpu.memory_space<hbm>>) target(%arg16 : memref<80x128xf32, #tpu.memory_space<vmem>>) offsets(%arg10 : memref<80xi32, #tpu.memory_space<vmem>>) semaphore(%arg20 : memref<!tpu.dma_semaphore, #tpu.memory_space<semaphore_mem>>)
      %dma_wait3A = arith.constant 0 : i32
      %dma_wait3A_257 = arith.constant 0 : i32
      %dma_wait3A_258 = tpu.memref_slice %arg5[%dma_wait3A, %dma_wait3A_257] : memref<10000x128xf32, #tpu.memory_space<hbm>> -> memref<10000x128xf32, #tpu.memory_space<hbm>>
      tpu.wait_indirect_dma semaphore(%arg20 : memref<!tpu.dma_semaphore, #tpu.memory_space<semaphore_mem>>) src(%dma_wait3A_258 : memref<10000x128xf32, #tpu.memory_space<hbm>>) dst(%arg16 : memref<80x128xf32, #tpu.memory_space<vmem>>)
      %scan3A_259 = arith.constant 0 : i32
      %scan3A_260 = arith.constant 0 : i32
      %scan3A_261 = arith.constant 5 : i32
      %scan3A_262 = arith.addi %scan3A_260, %scan3A_261 : i32
      %scan3A_263 = arith.constant 1 : i32
      scf.for %scan3A_265 = %scan3A_260 to %scan3A_262 step %scan3A_263  : i32 {
        %mul3A_266 = arith.constant 16 : i32
        %mul3A_267 = arith.muli %mul3A_266, %scan3A_265 : i32
        %get3A_268 = arith.index_cast %mul3A_267 : i32 to index
        %get3A_269 = tpu.vector_load %arg13[%get3A_268] {strides = array<i32>} : memref<80xf32, #tpu.memory_space<vmem>>, vector<16xf32>,
        %slice3A = vector.extract_strided_slice %get3A_269 {offsets = [0], sizes = [1], strides = [1]} : vector<16xf32> to vector<1xf32>
        %squeeze3A = vector.extract %slice3A[0] : f32 from vector<1xf32>
        %mul3A_270 = arith.constant 16 : i32
        %mul3A_271 = arith.muli %mul3A_270, %scan3A_265 : i32
        %add3A_272 = arith.constant 0 : i32
        %add3A_273 = arith.addi %mul3A_271, %add3A_272 : i32
        %get3A_274 = arith.index_cast %add3A_273 : i32 to index
        %get3A_275 = arith.constant 0 : index
        %get3A_276 = tpu.vector_load %arg16[%get3A_274, %get3A_275] {strides = array<i32>} : memref<80x128xf32, #tpu.memory_space<vmem>>, vector<16xf32>,
        %mul3A_277 = vector.broadcast %squeeze3A : f32 to vector<16xf32>
        %mul3A_278 = arith.mulf %get3A_276, %mul3A_277 : vector<16xf32>
        %swap3A_279 = arith.index_cast %add3A_273 : i32 to index
        %swap3A_280 = arith.constant 0 : index
        %swap3A_281 = tpu.vector_load %arg16[%swap3A_279, %swap3A_280] {strides = array<i32>} : memref<80x128xf32, #tpu.memory_space<vmem>>, vector<16xf32>,
        tpu.vector_store %arg16[%swap3A_279, %swap3A_280], %mul3A_278 {strides = array<i32>} : memref<80x128xf32, #tpu.memory_space<vmem>>, vector<16xf32>,
        %get3A_282 = arith.index_cast %add3A_273 : i32 to index
        %get3A_283 = arith.constant 16 : index
        %get3A_284 = tpu.vector_load %arg16[%get3A_282, %get3A_283] {strides = array<i32>} : memref<80x128xf32, #tpu.memory_space<vmem>>, vector<16xf32>,
        %mul3A_285 = vector.broadcast %squeeze3A : f32 to vector<16xf32>
        %mul3A_286 = arith.mulf %get3A_284, %mul3A_285 : vector<16xf32>
        %swap3A_287 = arith.index_cast %add3A_273 : i32 to index
        %swap3A_288 = arith.constant 16 : index
        %swap3A_289 = tpu.vector_load %arg16[%swap3A_287, %swap3A_288] {strides = array<i32>} : memref<80x128xf32, #tpu.memory_space<vmem>>, vector<16xf32>,
        tpu.vector_store %arg16[%swap3A_287, %swap3A_288], %mul3A_286 {strides = array<i32>} : memref<80x128xf32, #tpu.memory_space<vmem>>, vector<16xf32>,
        %get3A_290 = arith.index_cast %add3A_273 : i32 to index
        %get3A_291 = arith.constant 32 : index
        %get3A_292 = tpu.vector_load %arg16[%get3A_290, %get3A_291] {strides = array<i32>} : memref<80x128xf32, #tpu.memory_space<vmem>>, vector<16xf32>,
        %mul3A_293 = vector.broadcast %squeeze3A : f32 to vector<16xf32>
        %mul3A_294 = arith.mulf %get3A_292, %mul3A_293 : vector<16xf32>
        %swap3A_295 = arith.index_cast %add3A_273 : i32 to index
        %swap3A_296 = arith.constant 32 : index
        %swap3A_297 = tpu.vector_load %arg16[%swap3A_295, %swap3A_296] {strides = array<i32>} : memref<80x128xf32, #tpu.memory_space<vmem>>, vector<16xf32>,
        tpu.vector_store %arg16[%swap3A_295, %swap3A_296], %mul3A_294 {strides = array<i32>} : memref<80x128xf32, #tpu.memory_space<vmem>>, vector<16xf32>,
        %get3A_298 = arith.index_cast %add3A_273 : i32 to index
        %get3A_299 = arith.constant 48 : index
        %get3A_300 = tpu.vector_load %arg16[%get3A_298, %get3A_299] {strides = array<i32>} : memref<80x128xf32, #tpu.memory_space<vmem>>, vector<16xf32>,
        %mul3A_301 = vector.broadcast %squeeze3A : f32 to vector<16xf32>
        %mul3A_302 = arith.mulf %get3A_300, %mul3A_301 : vector<16xf32>
        %swap3A_303 = arith.index_cast %add3A_273 : i32 to index
        %swap3A_304 = arith.constant 48 : index
        %swap3A_305 = tpu.vector_load %arg16[%swap3A_303, %swap3A_304] {strides = array<i32>} : memref<80x128xf32, #tpu.memory_space<vmem>>, vector<16xf32>,
        tpu.vector_store %arg16[%swap3A_303, %swap3A_304], %mul3A_302 {strides = array<i32>} : memref<80x128xf32, #tpu.memory_space<vmem>>, vector<16xf32>,
        %get3A_306 = arith.index_cast %add3A_273 : i32 to index
        %get3A_307 = arith.constant 64 : index
        %get3A_308 = tpu.vector_load %arg16[%get3A_306, %get3A_307] {strides = array<i32>} : memref<80x128xf32, #tpu.memory_space<vmem>>, vector<16xf32>,
        %mul3A_309 = vector.broadcast %squeeze3A : f32 to vector<16xf32>
        %mul3A_310 = arith.mulf %get3A_308, %mul3A_309 : vector<16xf32>
        %swap3A_311 = arith.index_cast %add3A_273 : i32 to index
        %swap3A_312 = arith.constant 64 : index
        %swap3A_313 = tpu.vector_load %arg16[%swap3A_311, %swap3A_312] {strides = array<i32>} : memref<80x128xf32, #tpu.memory_space<vmem>>, vector<16xf32>,
        tpu.vector_store %arg16[%swap3A_311, %swap3A_312], %mul3A_310 {strides = array<i32>} : memref<80x128xf32, #tpu.memory_space<vmem>>, vector<16xf32>,
        %get3A_314 = arith.index_cast %add3A_273 : i32 to index
        %get3A_315 = arith.constant 80 : index
        %get3A_316 = tpu.vector_load %arg16[%get3A_314, %get3A_315] {strides = array<i32>} : memref<80x128xf32, #tpu.memory_space<vmem>>, vector<16xf32>,
        %mul3A_317 = vector.broadcast %squeeze3A : f32 to vector<16xf32>
        %mul3A_318 = arith.mulf %get3A_316, %mul3A_317 : vector<16xf32>
        %swap3A_319 = arith.index_cast %add3A_273 : i32 to index
        %swap3A_320 = arith.constant 80 : index
        %swap3A_321 = tpu.vector_load %arg16[%swap3A_319, %swap3A_320] {strides = array<i32>} : memref<80x128xf32, #tpu.memory_space<vmem>>, vector<16xf32>,
        tpu.vector_store %arg16[%swap3A_319, %swap3A_320], %mul3A_318 {strides = array<i32>} : memref<80x128xf32, #tpu.memory_space<vmem>>, vector<16xf32>,
        %get3A_322 = arith.index_cast %add3A_273 : i32 to index
        %get3A_323 = arith.constant 96 : index
        %get3A_324 = tpu.vector_load %arg16[%get3A_322, %get3A_323] {strides = array<i32>} : memref<80x128xf32, #tpu.memory_space<vmem>>, vector<16xf32>,
        %mul3A_325 = vector.broadcast %squeeze3A : f32 to vector<16xf32>
        %mul3A_326 = arith.mulf %get3A_324, %mul3A_325 : vector<16xf32>
        %swap3A_327 = arith.index_cast %add3A_273 : i32 to index
        %swap3A_328 = arith.constant 96 : index
        %swap3A_329 = tpu.vector_load %arg16[%swap3A_327, %swap3A_328] {strides = array<i32>} : memref<80x128xf32, #tpu.memory_space<vmem>>, vector<16xf32>,
        tpu.vector_store %arg16[%swap3A_327, %swap3A_328], %mul3A_326 {strides = array<i32>} : memref<80x128xf32, #tpu.memory_space<vmem>>, vector<16xf32>,
        %get3A_330 = arith.index_cast %add3A_273 : i32 to index
        %get3A_331 = arith.constant 112 : index
        %get3A_332 = tpu.vector_load %arg16[%get3A_330, %get3A_331] {strides = array<i32>} : memref<80x128xf32, #tpu.memory_space<vmem>>, vector<16xf32>,
        %mul3A_333 = vector.broadcast %squeeze3A : f32 to vector<16xf32>
        %mul3A_334 = arith.mulf %get3A_332, %mul3A_333 : vector<16xf32>
        %swap3A_335 = arith.index_cast %add3A_273 : i32 to index
        %swap3A_336 = arith.constant 112 : index
        %swap3A_337 = tpu.vector_load %arg16[%swap3A_335, %swap3A_336] {strides = array<i32>} : memref<80x128xf32, #tpu.memory_space<vmem>>, vector<16xf32>,
        tpu.vector_store %arg16[%swap3A_335, %swap3A_336], %mul3A_334 {strides = array<i32>} : memref<80x128xf32, #tpu.memory_space<vmem>>, vector<16xf32>,
        %slice3A_338 = vector.extract_strided_slice %get3A_269 {offsets = [1], sizes = [1], strides = [1]} : vector<16xf32> to vector<1xf32>
        %squeeze3A_339 = vector.extract %slice3A_338[0] : f32 from vector<1xf32>
        %mul3A_340 = arith.constant 16 : i32
        %mul3A_341 = arith.muli %mul3A_340, %scan3A_265 : i32
        %add3A_342 = arith.constant 1 : i32
        %add3A_343 = arith.addi %mul3A_341, %add3A_342 : i32
        %get3A_344 = arith.index_cast %add3A_343 : i32 to index
        %get3A_345 = arith.constant 0 : index
        %get3A_346 = tpu.vector_load %arg16[%get3A_344, %get3A_345] {strides = array<i32>} : memref<80x128xf32, #tpu.memory_space<vmem>>, vector<16xf32>,
        %mul3A_347 = vector.broadcast %squeeze3A_339 : f32 to vector<16xf32>
        %mul3A_348 = arith.mulf %get3A_346, %mul3A_347 : vector<16xf32>
        %swap3A_349 = arith.index_cast %add3A_343 : i32 to index
        %swap3A_350 = arith.constant 0 : index
        %swap3A_351 = tpu.vector_load %arg16[%swap3A_349, %swap3A_350] {strides = array<i32>} : memref<80x128xf32, #tpu.memory_space<vmem>>, vector<16xf32>,
        tpu.vector_store %arg16[%swap3A_349, %swap3A_350], %mul3A_348 {strides = array<i32>} : memref<80x128xf32, #tpu.memory_space<vmem>>, vector<16xf32>,
        %get3A_352 = arith.index_cast %add3A_343 : i32 to index
        %get3A_353 = arith.constant 16 : index
        %get3A_354 = tpu.vector_load %arg16[%get3A_352, %get3A_353] {strides = array<i32>} : memref<80x128xf32, #tpu.memory_space<vmem>>, vector<16xf32>,
        %mul3A_355 = vector.broadcast %squeeze3A_339 : f32 to vector<16xf32>
        %mul3A_356 = arith.mulf %get3A_354, %mul3A_355 : vector<16xf32>
        %swap3A_357 = arith.index_cast %add3A_343 : i32 to index
        %swap3A_358 = arith.constant 16 : index
        %swap3A_359 = tpu.vector_load %arg16[%swap3A_357, %swap3A_358] {strides = array<i32>} : memref<80x128xf32, #tpu.memory_space<vmem>>, vector<16xf32>,
        tpu.vector_store %arg16[%swap3A_357, %swap3A_358], %mul3A_356 {strides = array<i32>} : memref<80x128xf32, #tpu.memory_space<vmem>>, vector<16xf32>,
        %get3A_360 = arith.index_cast %add3A_343 : i32 to index
        %get3A_361 = arith.constant 32 : index
        %get3A_362 = tpu.vector_load %arg16[%get3A_360, %get3A_361] {strides = array<i32>} : memref<80x128xf32, #tpu.memory_space<vmem>>, vector<16xf32>,
        %mul3A_363 = vector.broadcast %squeeze3A_339 : f32 to vector<16xf32>
        %mul3A_364 = arith.mulf %get3A_362, %mul3A_363 : vector<16xf32>
        %swap3A_365 = arith.index_cast %add3A_343 : i32 to index
        %swap3A_366 = arith.constant 32 : index
        %swap3A_367 = tpu.vector_load %arg16[%swap3A_365, %swap3A_366] {strides = array<i32>} : memref<80x128xf32, #tpu.memory_space<vmem>>, vector<16xf32>,
        tpu.vector_store %arg16[%swap3A_365, %swap3A_366], %mul3A_364 {strides = array<i32>} : memref<80x128xf32, #tpu.memory_space<vmem>>, vector<16xf32>,
        %get3A_368 = arith.index_cast %add3A_343 : i32 to index
        %get3A_369 = arith.constant 48 : index
        %get3A_370 = tpu.vector_load %arg16[%get3A_368, %get3A_369] {strides = array<i32>} : memref<80x128xf32, #tpu.memory_space<vmem>>, vector<16xf32>,
        %mul3A_371 = vector.broadcast %squeeze3A_339 : f32 to vector<16xf32>
        %mul3A_372 = arith.mulf %get3A_370, %mul3A_371 : vector<16xf32>
        %swap3A_373 = arith.index_cast %add3A_343 : i32 to index
        %swap3A_374 = arith.constant 48 : index
        %swap3A_375 = tpu.vector_load %arg16[%swap3A_373, %swap3A_374] {strides = array<i32>} : memref<80x128xf32, #tpu.memory_space<vmem>>, vector<16xf32>,
        tpu.vector_store %arg16[%swap3A_373, %swap3A_374], %mul3A_372 {strides = array<i32>} : memref<80x128xf32, #tpu.memory_space<vmem>>, vector<16xf32>,
        %get3A_376 = arith.index_cast %add3A_343 : i32 to index
        %get3A_377 = arith.constant 64 : index
        %get3A_378 = tpu.vector_load %arg16[%get3A_376, %get3A_377] {strides = array<i32>} : memref<80x128xf32, #tpu.memory_space<vmem>>, vector<16xf32>,
        %mul3A_379 = vector.broadcast %squeeze3A_339 : f32 to vector<16xf32>
        %mul3A_380 = arith.mulf %get3A_378, %mul3A_379 : vector<16xf32>
        %swap3A_381 = arith.index_cast %add3A_343 : i32 to index
        %swap3A_382 = arith.constant 64 : index
        %swap3A_383 = tpu.vector_load %arg16[%swap3A_381, %swap3A_382] {strides = array<i32>} : memref<80x128xf32, #tpu.memory_space<vmem>>, vector<16xf32>,
        tpu.vector_store %arg16[%swap3A_381, %swap3A_382], %mul3A_380 {strides = array<i32>} : memref<80x128xf32, #tpu.memory_space<vmem>>, vector<16xf32>,
        %get3A_384 = arith.index_cast %add3A_343 : i32 to index
        %get3A_385 = arith.constant 80 : index
        %get3A_386 = tpu.vector_load %arg16[%get3A_384, %get3A_385] {strides = array<i32>} : memref<80x128xf32, #tpu.memory_space<vmem>>, vector<16xf32>,
        %mul3A_387 = vector.broadcast %squeeze3A_339 : f32 to vector<16xf32>
        %mul3A_388 = arith.mulf %get3A_386, %mul3A_387 : vector<16xf32>
        %swap3A_389 = arith.index_cast %add3A_343 : i32 to index
        %swap3A_390 = arith.constant 80 : index
        %swap3A_391 = tpu.vector_load %arg16[%swap3A_389, %swap3A_390] {strides = array<i32>} : memref<80x128xf32, #tpu.memory_space<vmem>>, vector<16xf32>,
        tpu.vector_store %arg16[%swap3A_389, %swap3A_390], %mul3A_388 {strides = array<i32>} : memref<80x128xf32, #tpu.memory_space<vmem>>, vector<16xf32>,
        %get3A_392 = arith.index_cast %add3A_343 : i32 to index
        %get3A_393 = arith.constant 96 : index
        %get3A_394 = tpu.vector_load %arg16[%get3A_392, %get3A_393] {strides = array<i32>} : memref<80x128xf32, #tpu.memory_space<vmem>>, vector<16xf32>,
        %mul3A_395 = vector.broadcast %squeeze3A_339 : f32 to vector<16xf32>
        %mul3A_396 = arith.mulf %get3A_394, %mul3A_395 : vector<16xf32>
        %swap3A_397 = arith.index_cast %add3A_343 : i32 to index
        %swap3A_398 = arith.constant 96 : index
        %swap3A_399 = tpu.vector_load %arg16[%swap3A_397, %swap3A_398] {strides = array<i32>} : memref<80x128xf32, #tpu.memory_space<vmem>>, vector<16xf32>,
        tpu.vector_store %arg16[%swap3A_397, %swap3A_398], %mul3A_396 {strides = array<i32>} : memref<80x128xf32, #tpu.memory_space<vmem>>, vector<16xf32>,
        %get3A_400 = arith.index_cast %add3A_343 : i32 to index
        %get3A_401 = arith.constant 112 : index
        %get3A_402 = tpu.vector_load %arg16[%get3A_400, %get3A_401] {strides = array<i32>} : memref<80x128xf32, #tpu.memory_space<vmem>>, vector<16xf32>,
        %mul3A_403 = vector.broadcast %squeeze3A_339 : f32 to vector<16xf32>
        %mul3A_404 = arith.mulf %get3A_402, %mul3A_403 : vector<16xf32>
        %swap3A_405 = arith.index_cast %add3A_343 : i32 to index
        %swap3A_406 = arith.constant 112 : index
        %swap3A_407 = tpu.vector_load %arg16[%swap3A_405, %swap3A_406] {strides = array<i32>} : memref<80x128xf32, #tpu.memory_space<vmem>>, vector<16xf32>,
        tpu.vector_store %arg16[%swap3A_405, %swap3A_406], %mul3A_404 {strides = array<i32>} : memref<80x128xf32, #tpu.memory_space<vmem>>, vector<16xf32>,
        %slice3A_408 = vector.extract_strided_slice %get3A_269 {offsets = [2], sizes = [1], strides = [1]} : vector<16xf32> to vector<1xf32>
        %squeeze3A_409 = vector.extract %slice3A_408[0] : f32 from vector<1xf32>
        %mul3A_410 = arith.constant 16 : i32
        %mul3A_411 = arith.muli %mul3A_410, %scan3A_265 : i32
        %add3A_412 = arith.constant 2 : i32
        %add3A_413 = arith.addi %mul3A_411, %add3A_412 : i32
        %get3A_414 = arith.index_cast %add3A_413 : i32 to index
        %get3A_415 = arith.constant 0 : index
        %get3A_416 = tpu.vector_load %arg16[%get3A_414, %get3A_415] {strides = array<i32>} : memref<80x128xf32, #tpu.memory_space<vmem>>, vector<16xf32>,
        %mul3A_417 = vector.broadcast %squeeze3A_409 : f32 to vector<16xf32>
        %mul3A_418 = arith.mulf %get3A_416, %mul3A_417 : vector<16xf32>
        %swap3A_419 = arith.index_cast %add3A_413 : i32 to index
        %swap3A_420 = arith.constant 0 : index
        %swap3A_421 = tpu.vector_load %arg16[%swap3A_419, %swap3A_420] {strides = array<i32>} : memref<80x128xf32, #tpu.memory_space<vmem>>, vector<16xf32>,
        tpu.vector_store %arg16[%swap3A_419, %swap3A_420], %mul3A_418 {strides = array<i32>} : memref<80x128xf32, #tpu.memory_space<vmem>>, vector<16xf32>,
        %get3A_422 = arith.index_cast %add3A_413 : i32 to index
        %get3A_423 = arith.constant 16 : index
        %get3A_424 = tpu.vector_load %arg16[%get3A_422, %get3A_423] {strides = array<i32>} : memref<80x128xf32, #tpu.memory_space<vmem>>, vector<16xf32>,
        %mul3A_425 = vector.broadcast %squeeze3A_409 : f32 to vector<16xf32>
        %mul3A_426 = arith.mulf %get3A_424, %mul3A_425 : vector<16xf32>
        %swap3A_427 = arith.index_cast %add3A_413 : i32 to index
        %swap3A_428 = arith.constant 16 : index
        %swap3A_429 = tpu.vector_load %arg16[%swap3A_427, %swap3A_428] {strides = array<i32>} : memref<80x128xf32, #tpu.memory_space<vmem>>, vector<16xf32>,
        tpu.vector_store %arg16[%swap3A_427, %swap3A_428], %mul3A_426 {strides = array<i32>} : memref<80x128xf32, #tpu.memory_space<vmem>>, vector<16xf32>,
        %get3A_430 = arith.index_cast %add3A_413 : i32 to index
        %get3A_431 = arith.constant 32 : index
        %get3A_432 = tpu.vector_load %arg16[%get3A_430, %get3A_431] {strides = array<i32>} : memref<80x128xf32, #tpu.memory_space<vmem>>, vector<16xf32>,
        %mul3A_433 = vector.broadcast %squeeze3A_409 : f32 to vector<16xf32>
        %mul3A_434 = arith.mulf %get3A_432, %mul3A_433 : vector<16xf32>
        %swap3A_435 = arith.index_cast %add3A_413 : i32 to index
        %swap3A_436 = arith.constant 32 : index
        %swap3A_437 = tpu.vector_load %arg16[%swap3A_435, %swap3A_436] {strides = array<i32>} : memref<80x128xf32, #tpu.memory_space<vmem>>, vector<16xf32>,
        tpu.vector_store %arg16[%swap3A_435, %swap3A_436], %mul3A_434 {strides = array<i32>} : memref<80x128xf32, #tpu.memory_space<vmem>>, vector<16xf32>,
        %get3A_438 = arith.index_cast %add3A_413 : i32 to index
        %get3A_439 = arith.constant 48 : index
        %get3A_440 = tpu.vector_load %arg16[%get3A_438, %get3A_439] {strides = array<i32>} : memref<80x128xf32, #tpu.memory_space<vmem>>, vector<16xf32>,
        %mul3A_441 = vector.broadcast %squeeze3A_409 : f32 to vector<16xf32>
        %mul3A_442 = arith.mulf %get3A_440, %mul3A_441 : vector<16xf32>
        %swap3A_443 = arith.index_cast %add3A_413 : i32 to index
        %swap3A_444 = arith.constant 48 : index
        %swap3A_445 = tpu.vector_load %arg16[%swap3A_443, %swap3A_444] {strides = array<i32>} : memref<80x128xf32, #tpu.memory_space<vmem>>, vector<16xf32>,
        tpu.vector_store %arg16[%swap3A_443, %swap3A_444], %mul3A_442 {strides = array<i32>} : memref<80x128xf32, #tpu.memory_space<vmem>>, vector<16xf32>,
        %get3A_446 = arith.index_cast %add3A_413 : i32 to index
        %get3A_447 = arith.constant 64 : index
        %get3A_448 = tpu.vector_load %arg16[%get3A_446, %get3A_447] {strides = array<i32>} : memref<80x128xf32, #tpu.memory_space<vmem>>, vector<16xf32>,
        %mul3A_449 = vector.broadcast %squeeze3A_409 : f32 to vector<16xf32>
        %mul3A_450 = arith.mulf %get3A_448, %mul3A_449 : vector<16xf32>
        %swap3A_451 = arith.index_cast %add3A_413 : i32 to index
        %swap3A_452 = arith.constant 64 : index
        %swap3A_453 = tpu.vector_load %arg16[%swap3A_451, %swap3A_452] {strides = array<i32>} : memref<80x128xf32, #tpu.memory_space<vmem>>, vector<16xf32>,
        tpu.vector_store %arg16[%swap3A_451, %swap3A_452], %mul3A_450 {strides = array<i32>} : memref<80x128xf32, #tpu.memory_space<vmem>>, vector<16xf32>,
        %get3A_454 = arith.index_cast %add3A_413 : i32 to index
        %get3A_455 = arith.constant 80 : index
        %get3A_456 = tpu.vector_load %arg16[%get3A_454, %get3A_455] {strides = array<i32>} : memref<80x128xf32, #tpu.memory_space<vmem>>, vector<16xf32>,
        %mul3A_457 = vector.broadcast %squeeze3A_409 : f32 to vector<16xf32>
        %mul3A_458 = arith.mulf %get3A_456, %mul3A_457 : vector<16xf32>
        %swap3A_459 = arith.index_cast %add3A_413 : i32 to index
        %swap3A_460 = arith.constant 80 : index
        %swap3A_461 = tpu.vector_load %arg16[%swap3A_459, %swap3A_460] {strides = array<i32>} : memref<80x128xf32, #tpu.memory_space<vmem>>, vector<16xf32>,
        tpu.vector_store %arg16[%swap3A_459, %swap3A_460], %mul3A_458 {strides = array<i32>} : memref<80x128xf32, #tpu.memory_space<vmem>>, vector<16xf32>,
        %get3A_462 = arith.index_cast %add3A_413 : i32 to index
        %get3A_463 = arith.constant 96 : index
        %get3A_464 = tpu.vector_load %arg16[%get3A_462, %get3A_463] {strides = array<i32>} : memref<80x128xf32, #tpu.memory_space<vmem>>, vector<16xf32>,
        %mul3A_465 = vector.broadcast %squeeze3A_409 : f32 to vector<16xf32>
        %mul3A_466 = arith.mulf %get3A_464, %mul3A_465 : vector<16xf32>
        %swap3A_467 = arith.index_cast %add3A_413 : i32 to index
        %swap3A_468 = arith.constant 96 : index
        %swap3A_469 = tpu.vector_load %arg16[%swap3A_467, %swap3A_468] {strides = array<i32>} : memref<80x128xf32, #tpu.memory_space<vmem>>, vector<16xf32>,
        tpu.vector_store %arg16[%swap3A_467, %swap3A_468], %mul3A_466 {strides = array<i32>} : memref<80x128xf32, #tpu.memory_space<vmem>>, vector<16xf32>,
        %get3A_470 = arith.index_cast %add3A_413 : i32 to index
        %get3A_471 = arith.constant 112 : index
        %get3A_472 = tpu.vector_load %arg16[%get3A_470, %get3A_471] {strides = array<i32>} : memref<80x128xf32, #tpu.memory_space<vmem>>, vector<16xf32>,
        %mul3A_473 = vector.broadcast %squeeze3A_409 : f32 to vector<16xf32>
        %mul3A_474 = arith.mulf %get3A_472, %mul3A_473 : vector<16xf32>
        %swap3A_475 = arith.index_cast %add3A_413 : i32 to index
        %swap3A_476 = arith.constant 112 : index
        %swap3A_477 = tpu.vector_load %arg16[%swap3A_475, %swap3A_476] {strides = array<i32>} : memref<80x128xf32, #tpu.memory_space<vmem>>, vector<16xf32>,
        tpu.vector_store %arg16[%swap3A_475, %swap3A_476], %mul3A_474 {strides = array<i32>} : memref<80x128xf32, #tpu.memory_space<vmem>>, vector<16xf32>,
        %slice3A_478 = vector.extract_strided_slice %get3A_269 {offsets = [3], sizes = [1], strides = [1]} : vector<16xf32> to vector<1xf32>
        %squeeze3A_479 = vector.extract %slice3A_478[0] : f32 from vector<1xf32>
        %mul3A_480 = arith.constant 16 : i32
        %mul3A_481 = arith.muli %mul3A_480, %scan3A_265 : i32
        %add3A_482 = arith.constant 3 : i32
        %add3A_483 = arith.addi %mul3A_481, %add3A_482 : i32
        %get3A_484 = arith.index_cast %add3A_483 : i32 to index
        %get3A_485 = arith.constant 0 : index
        %get3A_486 = tpu.vector_load %arg16[%get3A_484, %get3A_485] {strides = array<i32>} : memref<80x128xf32, #tpu.memory_space<vmem>>, vector<16xf32>,
        %mul3A_487 = vector.broadcast %squeeze3A_479 : f32 to vector<16xf32>
        %mul3A_488 = arith.mulf %get3A_486, %mul3A_487 : vector<16xf32>
        %swap3A_489 = arith.index_cast %add3A_483 : i32 to index
        %swap3A_490 = arith.constant 0 : index
        %swap3A_491 = tpu.vector_load %arg16[%swap3A_489, %swap3A_490] {strides = array<i32>} : memref<80x128xf32, #tpu.memory_space<vmem>>, vector<16xf32>,
        tpu.vector_store %arg16[%swap3A_489, %swap3A_490], %mul3A_488 {strides = array<i32>} : memref<80x128xf32, #tpu.memory_space<vmem>>, vector<16xf32>,
        %get3A_492 = arith.index_cast %add3A_483 : i32 to index
        %get3A_493 = arith.constant 16 : index
        %get3A_494 = tpu.vector_load %arg16[%get3A_492, %get3A_493] {strides = array<i32>} : memref<80x128xf32, #tpu.memory_space<vmem>>, vector<16xf32>,
        %mul3A_495 = vector.broadcast %squeeze3A_479 : f32 to vector<16xf32>
        %mul3A_496 = arith.mulf %get3A_494, %mul3A_495 : vector<16xf32>
        %swap3A_497 = arith.index_cast %add3A_483 : i32 to index
        %swap3A_498 = arith.constant 16 : index
        %swap3A_499 = tpu.vector_load %arg16[%swap3A_497, %swap3A_498] {strides = array<i32>} : memref<80x128xf32, #tpu.memory_space<vmem>>, vector<16xf32>,
        tpu.vector_store %arg16[%swap3A_497, %swap3A_498], %mul3A_496 {strides = array<i32>} : memref<80x128xf32, #tpu.memory_space<vmem>>, vector<16xf32>,
        %get3A_500 = arith.index_cast %add3A_483 : i32 to index
        %get3A_501 = arith.constant 32 : index
        %get3A_502 = tpu.vector_load %arg16[%get3A_500, %get3A_501] {strides = array<i32>} : memref<80x128xf32, #tpu.memory_space<vmem>>, vector<16xf32>,
        %mul3A_503 = vector.broadcast %squeeze3A_479 : f32 to vector<16xf32>
        %mul3A_504 = arith.mulf %get3A_502, %mul3A_503 : vector<16xf32>
        %swap3A_505 = arith.index_cast %add3A_483 : i32 to index
        %swap3A_506 = arith.constant 32 : index
        %swap3A_507 = tpu.vector_load %arg16[%swap3A_505, %swap3A_506] {strides = array<i32>} : memref<80x128xf32, #tpu.memory_space<vmem>>, vector<16xf32>,
        tpu.vector_store %arg16[%swap3A_505, %swap3A_506], %mul3A_504 {strides = array<i32>} : memref<80x128xf32, #tpu.memory_space<vmem>>, vector<16xf32>,
        %get3A_508 = arith.index_cast %add3A_483 : i32 to index
        %get3A_509 = arith.constant 48 : index
        %get3A_510 = tpu.vector_load %arg16[%get3A_508, %get3A_509] {strides = array<i32>} : memref<80x128xf32, #tpu.memory_space<vmem>>, vector<16xf32>,
        %mul3A_511 = vector.broadcast %squeeze3A_479 : f32 to vector<16xf32>
        %mul3A_512 = arith.mulf %get3A_510, %mul3A_511 : vector<16xf32>
        %swap3A_513 = arith.index_cast %add3A_483 : i32 to index
        %swap3A_514 = arith.constant 48 : index
        %swap3A_515 = tpu.vector_load %arg16[%swap3A_513, %swap3A_514] {strides = array<i32>} : memref<80x128xf32, #tpu.memory_space<vmem>>, vector<16xf32>,
        tpu.vector_store %arg16[%swap3A_513, %swap3A_514], %mul3A_512 {strides = array<i32>} : memref<80x128xf32, #tpu.memory_space<vmem>>, vector<16xf32>,
        %get3A_516 = arith.index_cast %add3A_483 : i32 to index
        %get3A_517 = arith.constant 64 : index
        %get3A_518 = tpu.vector_load %arg16[%get3A_516, %get3A_517] {strides = array<i32>} : memref<80x128xf32, #tpu.memory_space<vmem>>, vector<16xf32>,
        %mul3A_519 = vector.broadcast %squeeze3A_479 : f32 to vector<16xf32>
        %mul3A_520 = arith.mulf %get3A_518, %mul3A_519 : vector<16xf32>
        %swap3A_521 = arith.index_cast %add3A_483 : i32 to index
        %swap3A_522 = arith.constant 64 : index
        %swap3A_523 = tpu.vector_load %arg16[%swap3A_521, %swap3A_522] {strides = array<i32>} : memref<80x128xf32, #tpu.memory_space<vmem>>, vector<16xf32>,
        tpu.vector_store %arg16[%swap3A_521, %swap3A_522], %mul3A_520 {strides = array<i32>} : memref<80x128xf32, #tpu.memory_space<vmem>>, vector<16xf32>,
        %get3A_524 = arith.index_cast %add3A_483 : i32 to index
        %get3A_525 = arith.constant 80 : index
        %get3A_526 = tpu.vector_load %arg16[%get3A_524, %get3A_525] {strides = array<i32>} : memref<80x128xf32, #tpu.memory_space<vmem>>, vector<16xf32>,
        %mul3A_527 = vector.broadcast %squeeze3A_479 : f32 to vector<16xf32>
        %mul3A_528 = arith.mulf %get3A_526, %mul3A_527 : vector<16xf32>
        %swap3A_529 = arith.index_cast %add3A_483 : i32 to index
        %swap3A_530 = arith.constant 80 : index
        %swap3A_531 = tpu.vector_load %arg16[%swap3A_529, %swap3A_530] {strides = array<i32>} : memref<80x128xf32, #tpu.memory_space<vmem>>, vector<16xf32>,
        tpu.vector_store %arg16[%swap3A_529, %swap3A_530], %mul3A_528 {strides = array<i32>} : memref<80x128xf32, #tpu.memory_space<vmem>>, vector<16xf32>,
        %get3A_532 = arith.index_cast %add3A_483 : i32 to index
        %get3A_533 = arith.constant 96 : index
        %get3A_534 = tpu.vector_load %arg16[%get3A_532, %get3A_533] {strides = array<i32>} : memref<80x128xf32, #tpu.memory_space<vmem>>, vector<16xf32>,
        %mul3A_535 = vector.broadcast %squeeze3A_479 : f32 to vector<16xf32>
        %mul3A_536 = arith.mulf %get3A_534, %mul3A_535 : vector<16xf32>
        %swap3A_537 = arith.index_cast %add3A_483 : i32 to index
        %swap3A_538 = arith.constant 96 : index
        %swap3A_539 = tpu.vector_load %arg16[%swap3A_537, %swap3A_538] {strides = array<i32>} : memref<80x128xf32, #tpu.memory_space<vmem>>, vector<16xf32>,
        tpu.vector_store %arg16[%swap3A_537, %swap3A_538], %mul3A_536 {strides = array<i32>} : memref<80x128xf32, #tpu.memory_space<vmem>>, vector<16xf32>,
        %get3A_540 = arith.index_cast %add3A_483 : i32 to index
        %get3A_541 = arith.constant 112 : index
        %get3A_542 = tpu.vector_load %arg16[%get3A_540, %get3A_541] {strides = array<i32>} : memref<80x128xf32, #tpu.memory_space<vmem>>, vector<16xf32>,
        %mul3A_543 = vector.broadcast %squeeze3A_479 : f32 to vector<16xf32>
        %mul3A_544 = arith.mulf %get3A_542, %mul3A_543 : vector<16xf32>
        %swap3A_545 = arith.index_cast %add3A_483 : i32 to index
        %swap3A_546 = arith.constant 112 : index
        %swap3A_547 = tpu.vector_load %arg16[%swap3A_545, %swap3A_546] {strides = array<i32>} : memref<80x128xf32, #tpu.memory_space<vmem>>, vector<16xf32>,
        tpu.vector_store %arg16[%swap3A_545, %swap3A_546], %mul3A_544 {strides = array<i32>} : memref<80x128xf32, #tpu.memory_space<vmem>>, vector<16xf32>,
        %slice3A_548 = vector.extract_strided_slice %get3A_269 {offsets = [4], sizes = [1], strides = [1]} : vector<16xf32> to vector<1xf32>
        %squeeze3A_549 = vector.extract %slice3A_548[0] : f32 from vector<1xf32>
        %mul3A_550 = arith.constant 16 : i32
        %mul3A_551 = arith.muli %mul3A_550, %scan3A_265 : i32
        %add3A_552 = arith.constant 4 : i32
        %add3A_553 = arith.addi %mul3A_551, %add3A_552 : i32
        %get3A_554 = arith.index_cast %add3A_553 : i32 to index
        %get3A_555 = arith.constant 0 : index
        %get3A_556 = tpu.vector_load %arg16[%get3A_554, %get3A_555] {strides = array<i32>} : memref<80x128xf32, #tpu.memory_space<vmem>>, vector<16xf32>,
        %mul3A_557 = vector.broadcast %squeeze3A_549 : f32 to vector<16xf32>
        %mul3A_558 = arith.mulf %get3A_556, %mul3A_557 : vector<16xf32>
        %swap3A_559 = arith.index_cast %add3A_553 : i32 to index
        %swap3A_560 = arith.constant 0 : index
        %swap3A_561 = tpu.vector_load %arg16[%swap3A_559, %swap3A_560] {strides = array<i32>} : memref<80x128xf32, #tpu.memory_space<vmem>>, vector<16xf32>,
        tpu.vector_store %arg16[%swap3A_559, %swap3A_560], %mul3A_558 {strides = array<i32>} : memref<80x128xf32, #tpu.memory_space<vmem>>, vector<16xf32>,
        %get3A_562 = arith.index_cast %add3A_553 : i32 to index
        %get3A_563 = arith.constant 16 : index
        %get3A_564 = tpu.vector_load %arg16[%get3A_562, %get3A_563] {strides = array<i32>} : memref<80x128xf32, #tpu.memory_space<vmem>>, vector<16xf32>,
        %mul3A_565 = vector.broadcast %squeeze3A_549 : f32 to vector<16xf32>
        %mul3A_566 = arith.mulf %get3A_564, %mul3A_565 : vector<16xf32>
        %swap3A_567 = arith.index_cast %add3A_553 : i32 to index
        %swap3A_568 = arith.constant 16 : index
        %swap3A_569 = tpu.vector_load %arg16[%swap3A_567, %swap3A_568] {strides = array<i32>} : memref<80x128xf32, #tpu.memory_space<vmem>>, vector<16xf32>,
        tpu.vector_store %arg16[%swap3A_567, %swap3A_568], %mul3A_566 {strides = array<i32>} : memref<80x128xf32, #tpu.memory_space<vmem>>, vector<16xf32>,
        %get3A_570 = arith.index_cast %add3A_553 : i32 to index
        %get3A_571 = arith.constant 32 : index
        %get3A_572 = tpu.vector_load %arg16[%get3A_570, %get3A_571] {strides = array<i32>} : memref<80x128xf32, #tpu.memory_space<vmem>>, vector<16xf32>,
        %mul3A_573 = vector.broadcast %squeeze3A_549 : f32 to vector<16xf32>
        %mul3A_574 = arith.mulf %get3A_572, %mul3A_573 : vector<16xf32>
        %swap3A_575 = arith.index_cast %add3A_553 : i32 to index
        %swap3A_576 = arith.constant 32 : index
        %swap3A_577 = tpu.vector_load %arg16[%swap3A_575, %swap3A_576] {strides = array<i32>} : memref<80x128xf32, #tpu.memory_space<vmem>>, vector<16xf32>,
        tpu.vector_store %arg16[%swap3A_575, %swap3A_576], %mul3A_574 {strides = array<i32>} : memref<80x128xf32, #tpu.memory_space<vmem>>, vector<16xf32>,
        %get3A_578 = arith.index_cast %add3A_553 : i32 to index
        %get3A_579 = arith.constant 48 : index
        %get3A_580 = tpu.vector_load %arg16[%get3A_578, %get3A_579] {strides = array<i32>} : memref<80x128xf32, #tpu.memory_space<vmem>>, vector<16xf32>,
        %mul3A_581 = vector.broadcast %squeeze3A_549 : f32 to vector<16xf32>
        %mul3A_582 = arith.mulf %get3A_580, %mul3A_581 : vector<16xf32>
        %swap3A_583 = arith.index_cast %add3A_553 : i32 to index
        %swap3A_584 = arith.constant 48 : index
        %swap3A_585 = tpu.vector_load %arg16[%swap3A_583, %swap3A_584] {strides = array<i32>} : memref<80x128xf32, #tpu.memory_space<vmem>>, vector<16xf32>,
        tpu.vector_store %arg16[%swap3A_583, %swap3A_584], %mul3A_582 {strides = array<i32>} : memref<80x128xf32, #tpu.memory_space<vmem>>, vector<16xf32>,
        %get3A_586 = arith.index_cast %add3A_553 : i32 to index
        %get3A_587 = arith.constant 64 : index
        %get3A_588 = tpu.vector_load %arg16[%get3A_586, %get3A_587] {strides = array<i32>} : memref<80x128xf32, #tpu.memory_space<vmem>>, vector<16xf32>,
        %mul3A_589 = vector.broadcast %squeeze3A_549 : f32 to vector<16xf32>
        %mul3A_590 = arith.mulf %get3A_588, %mul3A_589 : vector<16xf32>
        %swap3A_591 = arith.index_cast %add3A_553 : i32 to index
        %swap3A_592 = arith.constant 64 : index
        %swap3A_593 = tpu.vector_load %arg16[%swap3A_591, %swap3A_592] {strides = array<i32>} : memref<80x128xf32, #tpu.memory_space<vmem>>, vector<16xf32>,
        tpu.vector_store %arg16[%swap3A_591, %swap3A_592], %mul3A_590 {strides = array<i32>} : memref<80x128xf32, #tpu.memory_space<vmem>>, vector<16xf32>,
        %get3A_594 = arith.index_cast %add3A_553 : i32 to index
        %get3A_595 = arith.constant 80 : index
        %get3A_596 = tpu.vector_load %arg16[%get3A_594, %get3A_595] {strides = array<i32>} : memref<80x128xf32, #tpu.memory_space<vmem>>, vector<16xf32>,
        %mul3A_597 = vector.broadcast %squeeze3A_549 : f32 to vector<16xf32>
        %mul3A_598 = arith.mulf %get3A_596, %mul3A_597 : vector<16xf32>
        %swap3A_599 = arith.index_cast %add3A_553 : i32 to index
        %swap3A_600 = arith.constant 80 : index
        %swap3A_601 = tpu.vector_load %arg16[%swap3A_599, %swap3A_600] {strides = array<i32>} : memref<80x128xf32, #tpu.memory_space<vmem>>, vector<16xf32>,
        tpu.vector_store %arg16[%swap3A_599, %swap3A_600], %mul3A_598 {strides = array<i32>} : memref<80x128xf32, #tpu.memory_space<vmem>>, vector<16xf32>,
        %get3A_602 = arith.index_cast %add3A_553 : i32 to index
        %get3A_603 = arith.constant 96 : index
        %get3A_604 = tpu.vector_load %arg16[%get3A_602, %get3A_603] {strides = array<i32>} : memref<80x128xf32, #tpu.memory_space<vmem>>, vector<16xf32>,
        %mul3A_605 = vector.broadcast %squeeze3A_549 : f32 to vector<16xf32>
        %mul3A_606 = arith.mulf %get3A_604, %mul3A_605 : vector<16xf32>
        %swap3A_607 = arith.index_cast %add3A_553 : i32 to index
        %swap3A_608 = arith.constant 96 : index
        %swap3A_609 = tpu.vector_load %arg16[%swap3A_607, %swap3A_608] {strides = array<i32>} : memref<80x128xf32, #tpu.memory_space<vmem>>, vector<16xf32>,
        tpu.vector_store %arg16[%swap3A_607, %swap3A_608], %mul3A_606 {strides = array<i32>} : memref<80x128xf32, #tpu.memory_space<vmem>>, vector<16xf32>,
        %get3A_610 = arith.index_cast %add3A_553 : i32 to index
        %get3A_611 = arith.constant 112 : index
        %get3A_612 = tpu.vector_load %arg16[%get3A_610, %get3A_611] {strides = array<i32>} : memref<80x128xf32, #tpu.memory_space<vmem>>, vector<16xf32>,
        %mul3A_613 = vector.broadcast %squeeze3A_549 : f32 to vector<16xf32>
        %mul3A_614 = arith.mulf %get3A_612, %mul3A_613 : vector<16xf32>
        %swap3A_615 = arith.index_cast %add3A_553 : i32 to index
        %swap3A_616 = arith.constant 112 : index
        %swap3A_617 = tpu.vector_load %arg16[%swap3A_615, %swap3A_616] {strides = array<i32>} : memref<80x128xf32, #tpu.memory_space<vmem>>, vector<16xf32>,
        tpu.vector_store %arg16[%swap3A_615, %swap3A_616], %mul3A_614 {strides = array<i32>} : memref<80x128xf32, #tpu.memory_space<vmem>>, vector<16xf32>,
        %slice3A_618 = vector.extract_strided_slice %get3A_269 {offsets = [5], sizes = [1], strides = [1]} : vector<16xf32> to vector<1xf32>
        %squeeze3A_619 = vector.extract %slice3A_618[0] : f32 from vector<1xf32>
        %mul3A_620 = arith.constant 16 : i32
        %mul3A_621 = arith.muli %mul3A_620, %scan3A_265 : i32
        %add3A_622 = arith.constant 5 : i32
        %add3A_623 = arith.addi %mul3A_621, %add3A_622 : i32
        %get3A_624 = arith.index_cast %add3A_623 : i32 to index
        %get3A_625 = arith.constant 0 : index
        %get3A_626 = tpu.vector_load %arg16[%get3A_624, %get3A_625] {strides = array<i32>} : memref<80x128xf32, #tpu.memory_space<vmem>>, vector<16xf32>,
        %mul3A_627 = vector.broadcast %squeeze3A_619 : f32 to vector<16xf32>
        %mul3A_628 = arith.mulf %get3A_626, %mul3A_627 : vector<16xf32>
        %swap3A_629 = arith.index_cast %add3A_623 : i32 to index
        %swap3A_630 = arith.constant 0 : index
        %swap3A_631 = tpu.vector_load %arg16[%swap3A_629, %swap3A_630] {strides = array<i32>} : memref<80x128xf32, #tpu.memory_space<vmem>>, vector<16xf32>,
        tpu.vector_store %arg16[%swap3A_629, %swap3A_630], %mul3A_628 {strides = array<i32>} : memref<80x128xf32, #tpu.memory_space<vmem>>, vector<16xf32>,
        %get3A_632 = arith.index_cast %add3A_623 : i32 to index
        %get3A_633 = arith.constant 16 : index
        %get3A_634 = tpu.vector_load %arg16[%get3A_632, %get3A_633] {strides = array<i32>} : memref<80x128xf32, #tpu.memory_space<vmem>>, vector<16xf32>,
        %mul3A_635 = vector.broadcast %squeeze3A_619 : f32 to vector<16xf32>
        %mul3A_636 = arith.mulf %get3A_634, %mul3A_635 : vector<16xf32>
        %swap3A_637 = arith.index_cast %add3A_623 : i32 to index
        %swap3A_638 = arith.constant 16 : index
        %swap3A_639 = tpu.vector_load %arg16[%swap3A_637, %swap3A_638] {strides = array<i32>} : memref<80x128xf32, #tpu.memory_space<vmem>>, vector<16xf32>,
        tpu.vector_store %arg16[%swap3A_637, %swap3A_638], %mul3A_636 {strides = array<i32>} : memref<80x128xf32, #tpu.memory_space<vmem>>, vector<16xf32>,
        %get3A_640 = arith.index_cast %add3A_623 : i32 to index
        %get3A_641 = arith.constant 32 : index
        %get3A_642 = tpu.vector_load %arg16[%get3A_640, %get3A_641] {strides = array<i32>} : memref<80x128xf32, #tpu.memory_space<vmem>>, vector<16xf32>,
        %mul3A_643 = vector.broadcast %squeeze3A_619 : f32 to vector<16xf32>
        %mul3A_644 = arith.mulf %get3A_642, %mul3A_643 : vector<16xf32>
        %swap3A_645 = arith.index_cast %add3A_623 : i32 to index
        %swap3A_646 = arith.constant 32 : index
        %swap3A_647 = tpu.vector_load %arg16[%swap3A_645, %swap3A_646] {strides = array<i32>} : memref<80x128xf32, #tpu.memory_space<vmem>>, vector<16xf32>,
        tpu.vector_store %arg16[%swap3A_645, %swap3A_646], %mul3A_644 {strides = array<i32>} : memref<80x128xf32, #tpu.memory_space<vmem>>, vector<16xf32>,
        %get3A_648 = arith.index_cast %add3A_623 : i32 to index
        %get3A_649 = arith.constant 48 : index
        %get3A_650 = tpu.vector_load %arg16[%get3A_648, %get3A_649] {strides = array<i32>} : memref<80x128xf32, #tpu.memory_space<vmem>>, vector<16xf32>,
        %mul3A_651 = vector.broadcast %squeeze3A_619 : f32 to vector<16xf32>
        %mul3A_652 = arith.mulf %get3A_650, %mul3A_651 : vector<16xf32>
        %swap3A_653 = arith.index_cast %add3A_623 : i32 to index
        %swap3A_654 = arith.constant 48 : index
        %swap3A_655 = tpu.vector_load %arg16[%swap3A_653, %swap3A_654] {strides = array<i32>} : memref<80x128xf32, #tpu.memory_space<vmem>>, vector<16xf32>,
        tpu.vector_store %arg16[%swap3A_653, %swap3A_654], %mul3A_652 {strides = array<i32>} : memref<80x128xf32, #tpu.memory_space<vmem>>, vector<16xf32>,
        %get3A_656 = arith.index_cast %add3A_623 : i32 to index
        %get3A_657 = arith.constant 64 : index
        %get3A_658 = tpu.vector_load %arg16[%get3A_656, %get3A_657] {strides = array<i32>} : memref<80x128xf32, #tpu.memory_space<vmem>>, vector<16xf32>,
        %mul3A_659 = vector.broadcast %squeeze3A_619 : f32 to vector<16xf32>
        %mul3A_660 = arith.mulf %get3A_658, %mul3A_659 : vector<16xf32>
        %swap3A_661 = arith.index_cast %add3A_623 : i32 to index
        %swap3A_662 = arith.constant 64 : index
        %swap3A_663 = tpu.vector_load %arg16[%swap3A_661, %swap3A_662] {strides = array<i32>} : memref<80x128xf32, #tpu.memory_space<vmem>>, vector<16xf32>,
        tpu.vector_store %arg16[%swap3A_661, %swap3A_662], %mul3A_660 {strides = array<i32>} : memref<80x128xf32, #tpu.memory_space<vmem>>, vector<16xf32>,
        %get3A_664 = arith.index_cast %add3A_623 : i32 to index
        %get3A_665 = arith.constant 80 : index
        %get3A_666 = tpu.vector_load %arg16[%get3A_664, %get3A_665] {strides = array<i32>} : memref<80x128xf32, #tpu.memory_space<vmem>>, vector<16xf32>,
        %mul3A_667 = vector.broadcast %squeeze3A_619 : f32 to vector<16xf32>
        %mul3A_668 = arith.mulf %get3A_666, %mul3A_667 : vector<16xf32>
        %swap3A_669 = arith.index_cast %add3A_623 : i32 to index
        %swap3A_670 = arith.constant 80 : index
        %swap3A_671 = tpu.vector_load %arg16[%swap3A_669, %swap3A_670] {strides = array<i32>} : memref<80x128xf32, #tpu.memory_space<vmem>>, vector<16xf32>,
        tpu.vector_store %arg16[%swap3A_669, %swap3A_670], %mul3A_668 {strides = array<i32>} : memref<80x128xf32, #tpu.memory_space<vmem>>, vector<16xf32>,
        %get3A_672 = arith.index_cast %add3A_623 : i32 to index
        %get3A_673 = arith.constant 96 : index
        %get3A_674 = tpu.vector_load %arg16[%get3A_672, %get3A_673] {strides = array<i32>} : memref<80x128xf32, #tpu.memory_space<vmem>>, vector<16xf32>,
        %mul3A_675 = vector.broadcast %squeeze3A_619 : f32 to vector<16xf32>
        %mul3A_676 = arith.mulf %get3A_674, %mul3A_675 : vector<16xf32>
        %swap3A_677 = arith.index_cast %add3A_623 : i32 to index
        %swap3A_678 = arith.constant 96 : index
        %swap3A_679 = tpu.vector_load %arg16[%swap3A_677, %swap3A_678] {strides = array<i32>} : memref<80x128xf32, #tpu.memory_space<vmem>>, vector<16xf32>,
        tpu.vector_store %arg16[%swap3A_677, %swap3A_678], %mul3A_676 {strides = array<i32>} : memref<80x128xf32, #tpu.memory_space<vmem>>, vector<16xf32>,
        %get3A_680 = arith.index_cast %add3A_623 : i32 to index
        %get3A_681 = arith.constant 112 : index
        %get3A_682 = tpu.vector_load %arg16[%get3A_680, %get3A_681] {strides = array<i32>} : memref<80x128xf32, #tpu.memory_space<vmem>>, vector<16xf32>,
        %mul3A_683 = vector.broadcast %squeeze3A_619 : f32 to vector<16xf32>
        %mul3A_684 = arith.mulf %get3A_682, %mul3A_683 : vector<16xf32>
        %swap3A_685 = arith.index_cast %add3A_623 : i32 to index
        %swap3A_686 = arith.constant 112 : index
        %swap3A_687 = tpu.vector_load %arg16[%swap3A_685, %swap3A_686] {strides = array<i32>} : memref<80x128xf32, #tpu.memory_space<vmem>>, vector<16xf32>,
        tpu.vector_store %arg16[%swap3A_685, %swap3A_686], %mul3A_684 {strides = array<i32>} : memref<80x128xf32, #tpu.memory_space<vmem>>, vector<16xf32>,
        %slice3A_688 = vector.extract_strided_slice %get3A_269 {offsets = [6], sizes = [1], strides = [1]} : vector<16xf32> to vector<1xf32>
        %squeeze3A_689 = vector.extract %slice3A_688[0] : f32 from vector<1xf32>
        %mul3A_690 = arith.constant 16 : i32
        %mul3A_691 = arith.muli %mul3A_690, %scan3A_265 : i32
        %add3A_692 = arith.constant 6 : i32
        %add3A_693 = arith.addi %mul3A_691, %add3A_692 : i32
        %get3A_694 = arith.index_cast %add3A_693 : i32 to index
        %get3A_695 = arith.constant 0 : index
        %get3A_696 = tpu.vector_load %arg16[%get3A_694, %get3A_695] {strides = array<i32>} : memref<80x128xf32, #tpu.memory_space<vmem>>, vector<16xf32>,
        %mul3A_697 = vector.broadcast %squeeze3A_689 : f32 to vector<16xf32>
        %mul3A_698 = arith.mulf %get3A_696, %mul3A_697 : vector<16xf32>
        %swap3A_699 = arith.index_cast %add3A_693 : i32 to index
        %swap3A_700 = arith.constant 0 : index
        %swap3A_701 = tpu.vector_load %arg16[%swap3A_699, %swap3A_700] {strides = array<i32>} : memref<80x128xf32, #tpu.memory_space<vmem>>, vector<16xf32>,
        tpu.vector_store %arg16[%swap3A_699, %swap3A_700], %mul3A_698 {strides = array<i32>} : memref<80x128xf32, #tpu.memory_space<vmem>>, vector<16xf32>,
        %get3A_702 = arith.index_cast %add3A_693 : i32 to index
        %get3A_703 = arith.constant 16 : index
        %get3A_704 = tpu.vector_load %arg16[%get3A_702, %get3A_703] {strides = array<i32>} : memref<80x128xf32, #tpu.memory_space<vmem>>, vector<16xf32>,
        %mul3A_705 = vector.broadcast %squeeze3A_689 : f32 to vector<16xf32>
        %mul3A_706 = arith.mulf %get3A_704, %mul3A_705 : vector<16xf32>
        %swap3A_707 = arith.index_cast %add3A_693 : i32 to index
        %swap3A_708 = arith.constant 16 : index
        %swap3A_709 = tpu.vector_load %arg16[%swap3A_707, %swap3A_708] {strides = array<i32>} : memref<80x128xf32, #tpu.memory_space<vmem>>, vector<16xf32>,
        tpu.vector_store %arg16[%swap3A_707, %swap3A_708], %mul3A_706 {strides = array<i32>} : memref<80x128xf32, #tpu.memory_space<vmem>>, vector<16xf32>,
        %get3A_710 = arith.index_cast %add3A_693 : i32 to index
        %get3A_711 = arith.constant 32 : index
        %get3A_712 = tpu.vector_load %arg16[%get3A_710, %get3A_711] {strides = array<i32>} : memref<80x128xf32, #tpu.memory_space<vmem>>, vector<16xf32>,
        %mul3A_713 = vector.broadcast %squeeze3A_689 : f32 to vector<16xf32>
        %mul3A_714 = arith.mulf %get3A_712, %mul3A_713 : vector<16xf32>
        %swap3A_715 = arith.index_cast %add3A_693 : i32 to index
        %swap3A_716 = arith.constant 32 : index
        %swap3A_717 = tpu.vector_load %arg16[%swap3A_715, %swap3A_716] {strides = array<i32>} : memref<80x128xf32, #tpu.memory_space<vmem>>, vector<16xf32>,
        tpu.vector_store %arg16[%swap3A_715, %swap3A_716], %mul3A_714 {strides = array<i32>} : memref<80x128xf32, #tpu.memory_space<vmem>>, vector<16xf32>,
        %get3A_718 = arith.index_cast %add3A_693 : i32 to index
        %get3A_719 = arith.constant 48 : index
        %get3A_720 = tpu.vector_load %arg16[%get3A_718, %get3A_719] {strides = array<i32>} : memref<80x128xf32, #tpu.memory_space<vmem>>, vector<16xf32>,
        %mul3A_721 = vector.broadcast %squeeze3A_689 : f32 to vector<16xf32>
        %mul3A_722 = arith.mulf %get3A_720, %mul3A_721 : vector<16xf32>
        %swap3A_723 = arith.index_cast %add3A_693 : i32 to index
        %swap3A_724 = arith.constant 48 : index
        %swap3A_725 = tpu.vector_load %arg16[%swap3A_723, %swap3A_724] {strides = array<i32>} : memref<80x128xf32, #tpu.memory_space<vmem>>, vector<16xf32>,
        tpu.vector_store %arg16[%swap3A_723, %swap3A_724], %mul3A_722 {strides = array<i32>} : memref<80x128xf32, #tpu.memory_space<vmem>>, vector<16xf32>,
        %get3A_726 = arith.index_cast %add3A_693 : i32 to index
        %get3A_727 = arith.constant 64 : index
        %get3A_728 = tpu.vector_load %arg16[%get3A_726, %get3A_727] {strides = array<i32>} : memref<80x128xf32, #tpu.memory_space<vmem>>, vector<16xf32>,
        %mul3A_729 = vector.broadcast %squeeze3A_689 : f32 to vector<16xf32>
        %mul3A_730 = arith.mulf %get3A_728, %mul3A_729 : vector<16xf32>
        %swap3A_731 = arith.index_cast %add3A_693 : i32 to index
        %swap3A_732 = arith.constant 64 : index
        %swap3A_733 = tpu.vector_load %arg16[%swap3A_731, %swap3A_732] {strides = array<i32>} : memref<80x128xf32, #tpu.memory_space<vmem>>, vector<16xf32>,
        tpu.vector_store %arg16[%swap3A_731, %swap3A_732], %mul3A_730 {strides = array<i32>} : memref<80x128xf32, #tpu.memory_space<vmem>>, vector<16xf32>,
        %get3A_734 = arith.index_cast %add3A_693 : i32 to index
        %get3A_735 = arith.constant 80 : index
        %get3A_736 = tpu.vector_load %arg16[%get3A_734, %get3A_735] {strides = array<i32>} : memref<80x128xf32, #tpu.memory_space<vmem>>, vector<16xf32>,
        %mul3A_737 = vector.broadcast %squeeze3A_689 : f32 to vector<16xf32>
        %mul3A_738 = arith.mulf %get3A_736, %mul3A_737 : vector<16xf32>
        %swap3A_739 = arith.index_cast %add3A_693 : i32 to index
        %swap3A_740 = arith.constant 80 : index
        %swap3A_741 = tpu.vector_load %arg16[%swap3A_739, %swap3A_740] {strides = array<i32>} : memref<80x128xf32, #tpu.memory_space<vmem>>, vector<16xf32>,
        tpu.vector_store %arg16[%swap3A_739, %swap3A_740], %mul3A_738 {strides = array<i32>} : memref<80x128xf32, #tpu.memory_space<vmem>>, vector<16xf32>,
        %get3A_742 = arith.index_cast %add3A_693 : i32 to index
        %get3A_743 = arith.constant 96 : index
        %get3A_744 = tpu.vector_load %arg16[%get3A_742, %get3A_743] {strides = array<i32>} : memref<80x128xf32, #tpu.memory_space<vmem>>, vector<16xf32>,
        %mul3A_745 = vector.broadcast %squeeze3A_689 : f32 to vector<16xf32>
        %mul3A_746 = arith.mulf %get3A_744, %mul3A_745 : vector<16xf32>
        %swap3A_747 = arith.index_cast %add3A_693 : i32 to index
        %swap3A_748 = arith.constant 96 : index
        %swap3A_749 = tpu.vector_load %arg16[%swap3A_747, %swap3A_748] {strides = array<i32>} : memref<80x128xf32, #tpu.memory_space<vmem>>, vector<16xf32>,
        tpu.vector_store %arg16[%swap3A_747, %swap3A_748], %mul3A_746 {strides = array<i32>} : memref<80x128xf32, #tpu.memory_space<vmem>>, vector<16xf32>,
        %get3A_750 = arith.index_cast %add3A_693 : i32 to index
        %get3A_751 = arith.constant 112 : index
        %get3A_752 = tpu.vector_load %arg16[%get3A_750, %get3A_751] {strides = array<i32>} : memref<80x128xf32, #tpu.memory_space<vmem>>, vector<16xf32>,
        %mul3A_753 = vector.broadcast %squeeze3A_689 : f32 to vector<16xf32>
        %mul3A_754 = arith.mulf %get3A_752, %mul3A_753 : vector<16xf32>
        %swap3A_755 = arith.index_cast %add3A_693 : i32 to index
        %swap3A_756 = arith.constant 112 : index
        %swap3A_757 = tpu.vector_load %arg16[%swap3A_755, %swap3A_756] {strides = array<i32>} : memref<80x128xf32, #tpu.memory_space<vmem>>, vector<16xf32>,
        tpu.vector_store %arg16[%swap3A_755, %swap3A_756], %mul3A_754 {strides = array<i32>} : memref<80x128xf32, #tpu.memory_space<vmem>>, vector<16xf32>,
        %slice3A_758 = vector.extract_strided_slice %get3A_269 {offsets = [7], sizes = [1], strides = [1]} : vector<16xf32> to vector<1xf32>
        %squeeze3A_759 = vector.extract %slice3A_758[0] : f32 from vector<1xf32>
        %mul3A_760 = arith.constant 16 : i32
        %mul3A_761 = arith.muli %mul3A_760, %scan3A_265 : i32
        %add3A_762 = arith.constant 7 : i32
        %add3A_763 = arith.addi %mul3A_761, %add3A_762 : i32
        %get3A_764 = arith.index_cast %add3A_763 : i32 to index
        %get3A_765 = arith.constant 0 : index
        %get3A_766 = tpu.vector_load %arg16[%get3A_764, %get3A_765] {strides = array<i32>} : memref<80x128xf32, #tpu.memory_space<vmem>>, vector<16xf32>,
        %mul3A_767 = vector.broadcast %squeeze3A_759 : f32 to vector<16xf32>
        %mul3A_768 = arith.mulf %get3A_766, %mul3A_767 : vector<16xf32>
        %swap3A_769 = arith.index_cast %add3A_763 : i32 to index
        %swap3A_770 = arith.constant 0 : index
        %swap3A_771 = tpu.vector_load %arg16[%swap3A_769, %swap3A_770] {strides = array<i32>} : memref<80x128xf32, #tpu.memory_space<vmem>>, vector<16xf32>,
        tpu.vector_store %arg16[%swap3A_769, %swap3A_770], %mul3A_768 {strides = array<i32>} : memref<80x128xf32, #tpu.memory_space<vmem>>, vector<16xf32>,
        %get3A_772 = arith.index_cast %add3A_763 : i32 to index
        %get3A_773 = arith.constant 16 : index
        %get3A_774 = tpu.vector_load %arg16[%get3A_772, %get3A_773] {strides = array<i32>} : memref<80x128xf32, #tpu.memory_space<vmem>>, vector<16xf32>,
        %mul3A_775 = vector.broadcast %squeeze3A_759 : f32 to vector<16xf32>
        %mul3A_776 = arith.mulf %get3A_774, %mul3A_775 : vector<16xf32>
        %swap3A_777 = arith.index_cast %add3A_763 : i32 to index
        %swap3A_778 = arith.constant 16 : index
        %swap3A_779 = tpu.vector_load %arg16[%swap3A_777, %swap3A_778] {strides = array<i32>} : memref<80x128xf32, #tpu.memory_space<vmem>>, vector<16xf32>,
        tpu.vector_store %arg16[%swap3A_777, %swap3A_778], %mul3A_776 {strides = array<i32>} : memref<80x128xf32, #tpu.memory_space<vmem>>, vector<16xf32>,
        %get3A_780 = arith.index_cast %add3A_763 : i32 to index
        %get3A_781 = arith.constant 32 : index
        %get3A_782 = tpu.vector_load %arg16[%get3A_780, %get3A_781] {strides = array<i32>} : memref<80x128xf32, #tpu.memory_space<vmem>>, vector<16xf32>,
        %mul3A_783 = vector.broadcast %squeeze3A_759 : f32 to vector<16xf32>
        %mul3A_784 = arith.mulf %get3A_782, %mul3A_783 : vector<16xf32>
        %swap3A_785 = arith.index_cast %add3A_763 : i32 to index
        %swap3A_786 = arith.constant 32 : index
        %swap3A_787 = tpu.vector_load %arg16[%swap3A_785, %swap3A_786] {strides = array<i32>} : memref<80x128xf32, #tpu.memory_space<vmem>>, vector<16xf32>,
        tpu.vector_store %arg16[%swap3A_785, %swap3A_786], %mul3A_784 {strides = array<i32>} : memref<80x128xf32, #tpu.memory_space<vmem>>, vector<16xf32>,
        %get3A_788 = arith.index_cast %add3A_763 : i32 to index
        %get3A_789 = arith.constant 48 : index
        %get3A_790 = tpu.vector_load %arg16[%get3A_788, %get3A_789] {strides = array<i32>} : memref<80x128xf32, #tpu.memory_space<vmem>>, vector<16xf32>,
        %mul3A_791 = vector.broadcast %squeeze3A_759 : f32 to vector<16xf32>
        %mul3A_792 = arith.mulf %get3A_790, %mul3A_791 : vector<16xf32>
        %swap3A_793 = arith.index_cast %add3A_763 : i32 to index
        %swap3A_794 = arith.constant 48 : index
        %swap3A_795 = tpu.vector_load %arg16[%swap3A_793, %swap3A_794] {strides = array<i32>} : memref<80x128xf32, #tpu.memory_space<vmem>>, vector<16xf32>,
        tpu.vector_store %arg16[%swap3A_793, %swap3A_794], %mul3A_792 {strides = array<i32>} : memref<80x128xf32, #tpu.memory_space<vmem>>, vector<16xf32>,
        %get3A_796 = arith.index_cast %add3A_763 : i32 to index
        %get3A_797 = arith.constant 64 : index
        %get3A_798 = tpu.vector_load %arg16[%get3A_796, %get3A_797] {strides = array<i32>} : memref<80x128xf32, #tpu.memory_space<vmem>>, vector<16xf32>,
        %mul3A_799 = vector.broadcast %squeeze3A_759 : f32 to vector<16xf32>
        %mul3A_800 = arith.mulf %get3A_798, %mul3A_799 : vector<16xf32>
        %swap3A_801 = arith.index_cast %add3A_763 : i32 to index
        %swap3A_802 = arith.constant 64 : index
        %swap3A_803 = tpu.vector_load %arg16[%swap3A_801, %swap3A_802] {strides = array<i32>} : memref<80x128xf32, #tpu.memory_space<vmem>>, vector<16xf32>,
        tpu.vector_store %arg16[%swap3A_801, %swap3A_802], %mul3A_800 {strides = array<i32>} : memref<80x128xf32, #tpu.memory_space<vmem>>, vector<16xf32>,
        %get3A_804 = arith.index_cast %add3A_763 : i32 to index
        %get3A_805 = arith.constant 80 : index
        %get3A_806 = tpu.vector_load %arg16[%get3A_804, %get3A_805] {strides = array<i32>} : memref<80x128xf32, #tpu.memory_space<vmem>>, vector<16xf32>,
        %mul3A_807 = vector.broadcast %squeeze3A_759 : f32 to vector<16xf32>
        %mul3A_808 = arith.mulf %get3A_806, %mul3A_807 : vector<16xf32>
        %swap3A_809 = arith.index_cast %add3A_763 : i32 to index
        %swap3A_810 = arith.constant 80 : index
        %swap3A_811 = tpu.vector_load %arg16[%swap3A_809, %swap3A_810] {strides = array<i32>} : memref<80x128xf32, #tpu.memory_space<vmem>>, vector<16xf32>,
        tpu.vector_store %arg16[%swap3A_809, %swap3A_810], %mul3A_808 {strides = array<i32>} : memref<80x128xf32, #tpu.memory_space<vmem>>, vector<16xf32>,
        %get3A_812 = arith.index_cast %add3A_763 : i32 to index
        %get3A_813 = arith.constant 96 : index
        %get3A_814 = tpu.vector_load %arg16[%get3A_812, %get3A_813] {strides = array<i32>} : memref<80x128xf32, #tpu.memory_space<vmem>>, vector<16xf32>,
        %mul3A_815 = vector.broadcast %squeeze3A_759 : f32 to vector<16xf32>
        %mul3A_816 = arith.mulf %get3A_814, %mul3A_815 : vector<16xf32>
        %swap3A_817 = arith.index_cast %add3A_763 : i32 to index
        %swap3A_818 = arith.constant 96 : index
        %swap3A_819 = tpu.vector_load %arg16[%swap3A_817, %swap3A_818] {strides = array<i32>} : memref<80x128xf32, #tpu.memory_space<vmem>>, vector<16xf32>,
        tpu.vector_store %arg16[%swap3A_817, %swap3A_818], %mul3A_816 {strides = array<i32>} : memref<80x128xf32, #tpu.memory_space<vmem>>, vector<16xf32>,
        %get3A_820 = arith.index_cast %add3A_763 : i32 to index
        %get3A_821 = arith.constant 112 : index
        %get3A_822 = tpu.vector_load %arg16[%get3A_820, %get3A_821] {strides = array<i32>} : memref<80x128xf32, #tpu.memory_space<vmem>>, vector<16xf32>,
        %mul3A_823 = vector.broadcast %squeeze3A_759 : f32 to vector<16xf32>
        %mul3A_824 = arith.mulf %get3A_822, %mul3A_823 : vector<16xf32>
        %swap3A_825 = arith.index_cast %add3A_763 : i32 to index
        %swap3A_826 = arith.constant 112 : index
        %swap3A_827 = tpu.vector_load %arg16[%swap3A_825, %swap3A_826] {strides = array<i32>} : memref<80x128xf32, #tpu.memory_space<vmem>>, vector<16xf32>,
        tpu.vector_store %arg16[%swap3A_825, %swap3A_826], %mul3A_824 {strides = array<i32>} : memref<80x128xf32, #tpu.memory_space<vmem>>, vector<16xf32>,
        %slice3A_828 = vector.extract_strided_slice %get3A_269 {offsets = [8], sizes = [1], strides = [1]} : vector<16xf32> to vector<1xf32>
        %squeeze3A_829 = vector.extract %slice3A_828[0] : f32 from vector<1xf32>
        %mul3A_830 = arith.constant 16 : i32
        %mul3A_831 = arith.muli %mul3A_830, %scan3A_265 : i32
        %add3A_832 = arith.constant 8 : i32
        %add3A_833 = arith.addi %mul3A_831, %add3A_832 : i32
        %get3A_834 = arith.index_cast %add3A_833 : i32 to index
        %get3A_835 = arith.constant 0 : index
        %get3A_836 = tpu.vector_load %arg16[%get3A_834, %get3A_835] {strides = array<i32>} : memref<80x128xf32, #tpu.memory_space<vmem>>, vector<16xf32>,
        %mul3A_837 = vector.broadcast %squeeze3A_829 : f32 to vector<16xf32>
        %mul3A_838 = arith.mulf %get3A_836, %mul3A_837 : vector<16xf32>
        %swap3A_839 = arith.index_cast %add3A_833 : i32 to index
        %swap3A_840 = arith.constant 0 : index
        %swap3A_841 = tpu.vector_load %arg16[%swap3A_839, %swap3A_840] {strides = array<i32>} : memref<80x128xf32, #tpu.memory_space<vmem>>, vector<16xf32>,
        tpu.vector_store %arg16[%swap3A_839, %swap3A_840], %mul3A_838 {strides = array<i32>} : memref<80x128xf32, #tpu.memory_space<vmem>>, vector<16xf32>,
        %get3A_842 = arith.index_cast %add3A_833 : i32 to index
        %get3A_843 = arith.constant 16 : index
        %get3A_844 = tpu.vector_load %arg16[%get3A_842, %get3A_843] {strides = array<i32>} : memref<80x128xf32, #tpu.memory_space<vmem>>, vector<16xf32>,
        %mul3A_845 = vector.broadcast %squeeze3A_829 : f32 to vector<16xf32>
        %mul3A_846 = arith.mulf %get3A_844, %mul3A_845 : vector<16xf32>
        %swap3A_847 = arith.index_cast %add3A_833 : i32 to index
        %swap3A_848 = arith.constant 16 : index
        %swap3A_849 = tpu.vector_load %arg16[%swap3A_847, %swap3A_848] {strides = array<i32>} : memref<80x128xf32, #tpu.memory_space<vmem>>, vector<16xf32>,
        tpu.vector_store %arg16[%swap3A_847, %swap3A_848], %mul3A_846 {strides = array<i32>} : memref<80x128xf32, #tpu.memory_space<vmem>>, vector<16xf32>,
        %get3A_850 = arith.index_cast %add3A_833 : i32 to index
        %get3A_851 = arith.constant 32 : index
        %get3A_852 = tpu.vector_load %arg16[%get3A_850, %get3A_851] {strides = array<i32>} : memref<80x128xf32, #tpu.memory_space<vmem>>, vector<16xf32>,
        %mul3A_853 = vector.broadcast %squeeze3A_829 : f32 to vector<16xf32>
        %mul3A_854 = arith.mulf %get3A_852, %mul3A_853 : vector<16xf32>
        %swap3A_855 = arith.index_cast %add3A_833 : i32 to index
        %swap3A_856 = arith.constant 32 : index
        %swap3A_857 = tpu.vector_load %arg16[%swap3A_855, %swap3A_856] {strides = array<i32>} : memref<80x128xf32, #tpu.memory_space<vmem>>, vector<16xf32>,
        tpu.vector_store %arg16[%swap3A_855, %swap3A_856], %mul3A_854 {strides = array<i32>} : memref<80x128xf32, #tpu.memory_space<vmem>>, vector<16xf32>,
        %get3A_858 = arith.index_cast %add3A_833 : i32 to index
        %get3A_859 = arith.constant 48 : index
        %get3A_860 = tpu.vector_load %arg16[%get3A_858, %get3A_859] {strides = array<i32>} : memref<80x128xf32, #tpu.memory_space<vmem>>, vector<16xf32>,
        %mul3A_861 = vector.broadcast %squeeze3A_829 : f32 to vector<16xf32>
        %mul3A_862 = arith.mulf %get3A_860, %mul3A_861 : vector<16xf32>
        %swap3A_863 = arith.index_cast %add3A_833 : i32 to index
        %swap3A_864 = arith.constant 48 : index
        %swap3A_865 = tpu.vector_load %arg16[%swap3A_863, %swap3A_864] {strides = array<i32>} : memref<80x128xf32, #tpu.memory_space<vmem>>, vector<16xf32>,
        tpu.vector_store %arg16[%swap3A_863, %swap3A_864], %mul3A_862 {strides = array<i32>} : memref<80x128xf32, #tpu.memory_space<vmem>>, vector<16xf32>,
        %get3A_866 = arith.index_cast %add3A_833 : i32 to index
        %get3A_867 = arith.constant 64 : index
        %get3A_868 = tpu.vector_load %arg16[%get3A_866, %get3A_867] {strides = array<i32>} : memref<80x128xf32, #tpu.memory_space<vmem>>, vector<16xf32>,
        %mul3A_869 = vector.broadcast %squeeze3A_829 : f32 to vector<16xf32>
        %mul3A_870 = arith.mulf %get3A_868, %mul3A_869 : vector<16xf32>
        %swap3A_871 = arith.index_cast %add3A_833 : i32 to index
        %swap3A_872 = arith.constant 64 : index
        %swap3A_873 = tpu.vector_load %arg16[%swap3A_871, %swap3A_872] {strides = array<i32>} : memref<80x128xf32, #tpu.memory_space<vmem>>, vector<16xf32>,
        tpu.vector_store %arg16[%swap3A_871, %swap3A_872], %mul3A_870 {strides = array<i32>} : memref<80x128xf32, #tpu.memory_space<vmem>>, vector<16xf32>,
        %get3A_874 = arith.index_cast %add3A_833 : i32 to index
        %get3A_875 = arith.constant 80 : index
        %get3A_876 = tpu.vector_load %arg16[%get3A_874, %get3A_875] {strides = array<i32>} : memref<80x128xf32, #tpu.memory_space<vmem>>, vector<16xf32>,
        %mul3A_877 = vector.broadcast %squeeze3A_829 : f32 to vector<16xf32>
        %mul3A_878 = arith.mulf %get3A_876, %mul3A_877 : vector<16xf32>
        %swap3A_879 = arith.index_cast %add3A_833 : i32 to index
        %swap3A_880 = arith.constant 80 : index
        %swap3A_881 = tpu.vector_load %arg16[%swap3A_879, %swap3A_880] {strides = array<i32>} : memref<80x128xf32, #tpu.memory_space<vmem>>, vector<16xf32>,
        tpu.vector_store %arg16[%swap3A_879, %swap3A_880], %mul3A_878 {strides = array<i32>} : memref<80x128xf32, #tpu.memory_space<vmem>>, vector<16xf32>,
        %get3A_882 = arith.index_cast %add3A_833 : i32 to index
        %get3A_883 = arith.constant 96 : index
        %get3A_884 = tpu.vector_load %arg16[%get3A_882, %get3A_883] {strides = array<i32>} : memref<80x128xf32, #tpu.memory_space<vmem>>, vector<16xf32>,
        %mul3A_885 = vector.broadcast %squeeze3A_829 : f32 to vector<16xf32>
        %mul3A_886 = arith.mulf %get3A_884, %mul3A_885 : vector<16xf32>
        %swap3A_887 = arith.index_cast %add3A_833 : i32 to index
        %swap3A_888 = arith.constant 96 : index
        %swap3A_889 = tpu.vector_load %arg16[%swap3A_887, %swap3A_888] {strides = array<i32>} : memref<80x128xf32, #tpu.memory_space<vmem>>, vector<16xf32>,
        tpu.vector_store %arg16[%swap3A_887, %swap3A_888], %mul3A_886 {strides = array<i32>} : memref<80x128xf32, #tpu.memory_space<vmem>>, vector<16xf32>,
        %get3A_890 = arith.index_cast %add3A_833 : i32 to index
        %get3A_891 = arith.constant 112 : index
        %get3A_892 = tpu.vector_load %arg16[%get3A_890, %get3A_891] {strides = array<i32>} : memref<80x128xf32, #tpu.memory_space<vmem>>, vector<16xf32>,
        %mul3A_893 = vector.broadcast %squeeze3A_829 : f32 to vector<16xf32>
        %mul3A_894 = arith.mulf %get3A_892, %mul3A_893 : vector<16xf32>
        %swap3A_895 = arith.index_cast %add3A_833 : i32 to index
        %swap3A_896 = arith.constant 112 : index
        %swap3A_897 = tpu.vector_load %arg16[%swap3A_895, %swap3A_896] {strides = array<i32>} : memref<80x128xf32, #tpu.memory_space<vmem>>, vector<16xf32>,
        tpu.vector_store %arg16[%swap3A_895, %swap3A_896], %mul3A_894 {strides = array<i32>} : memref<80x128xf32, #tpu.memory_space<vmem>>, vector<16xf32>,
        %slice3A_898 = vector.extract_strided_slice %get3A_269 {offsets = [9], sizes = [1], strides = [1]} : vector<16xf32> to vector<1xf32>
        %squeeze3A_899 = vector.extract %slice3A_898[0] : f32 from vector<1xf32>
        %mul3A_900 = arith.constant 16 : i32
        %mul3A_901 = arith.muli %mul3A_900, %scan3A_265 : i32
        %add3A_902 = arith.constant 9 : i32
        %add3A_903 = arith.addi %mul3A_901, %add3A_902 : i32
        %get3A_904 = arith.index_cast %add3A_903 : i32 to index
        %get3A_905 = arith.constant 0 : index
        %get3A_906 = tpu.vector_load %arg16[%get3A_904, %get3A_905] {strides = array<i32>} : memref<80x128xf32, #tpu.memory_space<vmem>>, vector<16xf32>,
        %mul3A_907 = vector.broadcast %squeeze3A_899 : f32 to vector<16xf32>
        %mul3A_908 = arith.mulf %get3A_906, %mul3A_907 : vector<16xf32>
        %swap3A_909 = arith.index_cast %add3A_903 : i32 to index
        %swap3A_910 = arith.constant 0 : index
        %swap3A_911 = tpu.vector_load %arg16[%swap3A_909, %swap3A_910] {strides = array<i32>} : memref<80x128xf32, #tpu.memory_space<vmem>>, vector<16xf32>,
        tpu.vector_store %arg16[%swap3A_909, %swap3A_910], %mul3A_908 {strides = array<i32>} : memref<80x128xf32, #tpu.memory_space<vmem>>, vector<16xf32>,
        %get3A_912 = arith.index_cast %add3A_903 : i32 to index
        %get3A_913 = arith.constant 16 : index
        %get3A_914 = tpu.vector_load %arg16[%get3A_912, %get3A_913] {strides = array<i32>} : memref<80x128xf32, #tpu.memory_space<vmem>>, vector<16xf32>,
        %mul3A_915 = vector.broadcast %squeeze3A_899 : f32 to vector<16xf32>
        %mul3A_916 = arith.mulf %get3A_914, %mul3A_915 : vector<16xf32>
        %swap3A_917 = arith.index_cast %add3A_903 : i32 to index
        %swap3A_918 = arith.constant 16 : index
        %swap3A_919 = tpu.vector_load %arg16[%swap3A_917, %swap3A_918] {strides = array<i32>} : memref<80x128xf32, #tpu.memory_space<vmem>>, vector<16xf32>,
        tpu.vector_store %arg16[%swap3A_917, %swap3A_918], %mul3A_916 {strides = array<i32>} : memref<80x128xf32, #tpu.memory_space<vmem>>, vector<16xf32>,
        %get3A_920 = arith.index_cast %add3A_903 : i32 to index
        %get3A_921 = arith.constant 32 : index
        %get3A_922 = tpu.vector_load %arg16[%get3A_920, %get3A_921] {strides = array<i32>} : memref<80x128xf32, #tpu.memory_space<vmem>>, vector<16xf32>,
        %mul3A_923 = vector.broadcast %squeeze3A_899 : f32 to vector<16xf32>
        %mul3A_924 = arith.mulf %get3A_922, %mul3A_923 : vector<16xf32>
        %swap3A_925 = arith.index_cast %add3A_903 : i32 to index
        %swap3A_926 = arith.constant 32 : index
        %swap3A_927 = tpu.vector_load %arg16[%swap3A_925, %swap3A_926] {strides = array<i32>} : memref<80x128xf32, #tpu.memory_space<vmem>>, vector<16xf32>,
        tpu.vector_store %arg16[%swap3A_925, %swap3A_926], %mul3A_924 {strides = array<i32>} : memref<80x128xf32, #tpu.memory_space<vmem>>, vector<16xf32>,
        %get3A_928 = arith.index_cast %add3A_903 : i32 to index
        %get3A_929 = arith.constant 48 : index
        %get3A_930 = tpu.vector_load %arg16[%get3A_928, %get3A_929] {strides = array<i32>} : memref<80x128xf32, #tpu.memory_space<vmem>>, vector<16xf32>,
        %mul3A_931 = vector.broadcast %squeeze3A_899 : f32 to vector<16xf32>
        %mul3A_932 = arith.mulf %get3A_930, %mul3A_931 : vector<16xf32>
        %swap3A_933 = arith.index_cast %add3A_903 : i32 to index
        %swap3A_934 = arith.constant 48 : index
        %swap3A_935 = tpu.vector_load %arg16[%swap3A_933, %swap3A_934] {strides = array<i32>} : memref<80x128xf32, #tpu.memory_space<vmem>>, vector<16xf32>,
        tpu.vector_store %arg16[%swap3A_933, %swap3A_934], %mul3A_932 {strides = array<i32>} : memref<80x128xf32, #tpu.memory_space<vmem>>, vector<16xf32>,
        %get3A_936 = arith.index_cast %add3A_903 : i32 to index
        %get3A_937 = arith.constant 64 : index
        %get3A_938 = tpu.vector_load %arg16[%get3A_936, %get3A_937] {strides = array<i32>} : memref<80x128xf32, #tpu.memory_space<vmem>>, vector<16xf32>,
        %mul3A_939 = vector.broadcast %squeeze3A_899 : f32 to vector<16xf32>
        %mul3A_940 = arith.mulf %get3A_938, %mul3A_939 : vector<16xf32>
        %swap3A_941 = arith.index_cast %add3A_903 : i32 to index
        %swap3A_942 = arith.constant 64 : index
        %swap3A_943 = tpu.vector_load %arg16[%swap3A_941, %swap3A_942] {strides = array<i32>} : memref<80x128xf32, #tpu.memory_space<vmem>>, vector<16xf32>,
        tpu.vector_store %arg16[%swap3A_941, %swap3A_942], %mul3A_940 {strides = array<i32>} : memref<80x128xf32, #tpu.memory_space<vmem>>, vector<16xf32>,
        %get3A_944 = arith.index_cast %add3A_903 : i32 to index
        %get3A_945 = arith.constant 80 : index
        %get3A_946 = tpu.vector_load %arg16[%get3A_944, %get3A_945] {strides = array<i32>} : memref<80x128xf32, #tpu.memory_space<vmem>>, vector<16xf32>,
        %mul3A_947 = vector.broadcast %squeeze3A_899 : f32 to vector<16xf32>
        %mul3A_948 = arith.mulf %get3A_946, %mul3A_947 : vector<16xf32>
        %swap3A_949 = arith.index_cast %add3A_903 : i32 to index
        %swap3A_950 = arith.constant 80 : index
        %swap3A_951 = tpu.vector_load %arg16[%swap3A_949, %swap3A_950] {strides = array<i32>} : memref<80x128xf32, #tpu.memory_space<vmem>>, vector<16xf32>,
        tpu.vector_store %arg16[%swap3A_949, %swap3A_950], %mul3A_948 {strides = array<i32>} : memref<80x128xf32, #tpu.memory_space<vmem>>, vector<16xf32>,
        %get3A_952 = arith.index_cast %add3A_903 : i32 to index
        %get3A_953 = arith.constant 96 : index
        %get3A_954 = tpu.vector_load %arg16[%get3A_952, %get3A_953] {strides = array<i32>} : memref<80x128xf32, #tpu.memory_space<vmem>>, vector<16xf32>,
        %mul3A_955 = vector.broadcast %squeeze3A_899 : f32 to vector<16xf32>
        %mul3A_956 = arith.mulf %get3A_954, %mul3A_955 : vector<16xf32>
        %swap3A_957 = arith.index_cast %add3A_903 : i32 to index
        %swap3A_958 = arith.constant 96 : index
        %swap3A_959 = tpu.vector_load %arg16[%swap3A_957, %swap3A_958] {strides = array<i32>} : memref<80x128xf32, #tpu.memory_space<vmem>>, vector<16xf32>,
        tpu.vector_store %arg16[%swap3A_957, %swap3A_958], %mul3A_956 {strides = array<i32>} : memref<80x128xf32, #tpu.memory_space<vmem>>, vector<16xf32>,
        %get3A_960 = arith.index_cast %add3A_903 : i32 to index
        %get3A_961 = arith.constant 112 : index
        %get3A_962 = tpu.vector_load %arg16[%get3A_960, %get3A_961] {strides = array<i32>} : memref<80x128xf32, #tpu.memory_space<vmem>>, vector<16xf32>,
        %mul3A_963 = vector.broadcast %squeeze3A_899 : f32 to vector<16xf32>
        %mul3A_964 = arith.mulf %get3A_962, %mul3A_963 : vector<16xf32>
        %swap3A_965 = arith.index_cast %add3A_903 : i32 to index
        %swap3A_966 = arith.constant 112 : index
        %swap3A_967 = tpu.vector_load %arg16[%swap3A_965, %swap3A_966] {strides = array<i32>} : memref<80x128xf32, #tpu.memory_space<vmem>>, vector<16xf32>,
        tpu.vector_store %arg16[%swap3A_965, %swap3A_966], %mul3A_964 {strides = array<i32>} : memref<80x128xf32, #tpu.memory_space<vmem>>, vector<16xf32>,
        %slice3A_968 = vector.extract_strided_slice %get3A_269 {offsets = [10], sizes = [1], strides = [1]} : vector<16xf32> to vector<1xf32>
        %squeeze3A_969 = vector.extract %slice3A_968[0] : f32 from vector<1xf32>
        %mul3A_970 = arith.constant 16 : i32
        %mul3A_971 = arith.muli %mul3A_970, %scan3A_265 : i32
        %add3A_972 = arith.constant 10 : i32
        %add3A_973 = arith.addi %mul3A_971, %add3A_972 : i32
        %get3A_974 = arith.index_cast %add3A_973 : i32 to index
        %get3A_975 = arith.constant 0 : index
        %get3A_976 = tpu.vector_load %arg16[%get3A_974, %get3A_975] {strides = array<i32>} : memref<80x128xf32, #tpu.memory_space<vmem>>, vector<16xf32>,
        %mul3A_977 = vector.broadcast %squeeze3A_969 : f32 to vector<16xf32>
        %mul3A_978 = arith.mulf %get3A_976, %mul3A_977 : vector<16xf32>
        %swap3A_979 = arith.index_cast %add3A_973 : i32 to index
        %swap3A_980 = arith.constant 0 : index
        %swap3A_981 = tpu.vector_load %arg16[%swap3A_979, %swap3A_980] {strides = array<i32>} : memref<80x128xf32, #tpu.memory_space<vmem>>, vector<16xf32>,
        tpu.vector_store %arg16[%swap3A_979, %swap3A_980], %mul3A_978 {strides = array<i32>} : memref<80x128xf32, #tpu.memory_space<vmem>>, vector<16xf32>,
        %get3A_982 = arith.index_cast %add3A_973 : i32 to index
        %get3A_983 = arith.constant 16 : index
        %get3A_984 = tpu.vector_load %arg16[%get3A_982, %get3A_983] {strides = array<i32>} : memref<80x128xf32, #tpu.memory_space<vmem>>, vector<16xf32>,
        %mul3A_985 = vector.broadcast %squeeze3A_969 : f32 to vector<16xf32>
        %mul3A_986 = arith.mulf %get3A_984, %mul3A_985 : vector<16xf32>
        %swap3A_987 = arith.index_cast %add3A_973 : i32 to index
        %swap3A_988 = arith.constant 16 : index
        %swap3A_989 = tpu.vector_load %arg16[%swap3A_987, %swap3A_988] {strides = array<i32>} : memref<80x128xf32, #tpu.memory_space<vmem>>, vector<16xf32>,
        tpu.vector_store %arg16[%swap3A_987, %swap3A_988], %mul3A_986 {strides = array<i32>} : memref<80x128xf32, #tpu.memory_space<vmem>>, vector<16xf32>,
        %get3A_990 = arith.index_cast %add3A_973 : i32 to index
        %get3A_991 = arith.constant 32 : index
        %get3A_992 = tpu.vector_load %arg16[%get3A_990, %get3A_991] {strides = array<i32>} : memref<80x128xf32, #tpu.memory_space<vmem>>, vector<16xf32>,
        %mul3A_993 = vector.broadcast %squeeze3A_969 : f32 to vector<16xf32>
        %mul3A_994 = arith.mulf %get3A_992, %mul3A_993 : vector<16xf32>
        %swap3A_995 = arith.index_cast %add3A_973 : i32 to index
        %swap3A_996 = arith.constant 32 : index
        %swap3A_997 = tpu.vector_load %arg16[%swap3A_995, %swap3A_996] {strides = array<i32>} : memref<80x128xf32, #tpu.memory_space<vmem>>, vector<16xf32>,
        tpu.vector_store %arg16[%swap3A_995, %swap3A_996], %mul3A_994 {strides = array<i32>} : memref<80x128xf32, #tpu.memory_space<vmem>>, vector<16xf32>,
        %get3A_998 = arith.index_cast %add3A_973 : i32 to index
        %get3A_999 = arith.constant 48 : index
        %get3A_1000 = tpu.vector_load %arg16[%get3A_998, %get3A_999] {strides = array<i32>} : memref<80x128xf32, #tpu.memory_space<vmem>>, vector<16xf32>,
        %mul3A_1001 = vector.broadcast %squeeze3A_969 : f32 to vector<16xf32>
        %mul3A_1002 = arith.mulf %get3A_1000, %mul3A_1001 : vector<16xf32>
        %swap3A_1003 = arith.index_cast %add3A_973 : i32 to index
        %swap3A_1004 = arith.constant 48 : index
        %swap3A_1005 = tpu.vector_load %arg16[%swap3A_1003, %swap3A_1004] {strides = array<i32>} : memref<80x128xf32, #tpu.memory_space<vmem>>, vector<16xf32>,
        tpu.vector_store %arg16[%swap3A_1003, %swap3A_1004], %mul3A_1002 {strides = array<i32>} : memref<80x128xf32, #tpu.memory_space<vmem>>, vector<16xf32>,
        %get3A_1006 = arith.index_cast %add3A_973 : i32 to index
        %get3A_1007 = arith.constant 64 : index
        %get3A_1008 = tpu.vector_load %arg16[%get3A_1006, %get3A_1007] {strides = array<i32>} : memref<80x128xf32, #tpu.memory_space<vmem>>, vector<16xf32>,
        %mul3A_1009 = vector.broadcast %squeeze3A_969 : f32 to vector<16xf32>
        %mul3A_1010 = arith.mulf %get3A_1008, %mul3A_1009 : vector<16xf32>
        %swap3A_1011 = arith.index_cast %add3A_973 : i32 to index
        %swap3A_1012 = arith.constant 64 : index
        %swap3A_1013 = tpu.vector_load %arg16[%swap3A_1011, %swap3A_1012] {strides = array<i32>} : memref<80x128xf32, #tpu.memory_space<vmem>>, vector<16xf32>,
        tpu.vector_store %arg16[%swap3A_1011, %swap3A_1012], %mul3A_1010 {strides = array<i32>} : memref<80x128xf32, #tpu.memory_space<vmem>>, vector<16xf32>,
        %get3A_1014 = arith.index_cast %add3A_973 : i32 to index
        %get3A_1015 = arith.constant 80 : index
        %get3A_1016 = tpu.vector_load %arg16[%get3A_1014, %get3A_1015] {strides = array<i32>} : memref<80x128xf32, #tpu.memory_space<vmem>>, vector<16xf32>,
        %mul3A_1017 = vector.broadcast %squeeze3A_969 : f32 to vector<16xf32>
        %mul3A_1018 = arith.mulf %get3A_1016, %mul3A_1017 : vector<16xf32>
        %swap3A_1019 = arith.index_cast %add3A_973 : i32 to index
        %swap3A_1020 = arith.constant 80 : index
        %swap3A_1021 = tpu.vector_load %arg16[%swap3A_1019, %swap3A_1020] {strides = array<i32>} : memref<80x128xf32, #tpu.memory_space<vmem>>, vector<16xf32>,
        tpu.vector_store %arg16[%swap3A_1019, %swap3A_1020], %mul3A_1018 {strides = array<i32>} : memref<80x128xf32, #tpu.memory_space<vmem>>, vector<16xf32>,
        %get3A_1022 = arith.index_cast %add3A_973 : i32 to index
        %get3A_1023 = arith.constant 96 : index
        %get3A_1024 = tpu.vector_load %arg16[%get3A_1022, %get3A_1023] {strides = array<i32>} : memref<80x128xf32, #tpu.memory_space<vmem>>, vector<16xf32>,
        %mul3A_1025 = vector.broadcast %squeeze3A_969 : f32 to vector<16xf32>
        %mul3A_1026 = arith.mulf %get3A_1024, %mul3A_1025 : vector<16xf32>
        %swap3A_1027 = arith.index_cast %add3A_973 : i32 to index
        %swap3A_1028 = arith.constant 96 : index
        %swap3A_1029 = tpu.vector_load %arg16[%swap3A_1027, %swap3A_1028] {strides = array<i32>} : memref<80x128xf32, #tpu.memory_space<vmem>>, vector<16xf32>,
        tpu.vector_store %arg16[%swap3A_1027, %swap3A_1028], %mul3A_1026 {strides = array<i32>} : memref<80x128xf32, #tpu.memory_space<vmem>>, vector<16xf32>,
        %get3A_1030 = arith.index_cast %add3A_973 : i32 to index
        %get3A_1031 = arith.constant 112 : index
        %get3A_1032 = tpu.vector_load %arg16[%get3A_1030, %get3A_1031] {strides = array<i32>} : memref<80x128xf32, #tpu.memory_space<vmem>>, vector<16xf32>,
        %mul3A_1033 = vector.broadcast %squeeze3A_969 : f32 to vector<16xf32>
        %mul3A_1034 = arith.mulf %get3A_1032, %mul3A_1033 : vector<16xf32>
        %swap3A_1035 = arith.index_cast %add3A_973 : i32 to index
        %swap3A_1036 = arith.constant 112 : index
        %swap3A_1037 = tpu.vector_load %arg16[%swap3A_1035, %swap3A_1036] {strides = array<i32>} : memref<80x128xf32, #tpu.memory_space<vmem>>, vector<16xf32>,
        tpu.vector_store %arg16[%swap3A_1035, %swap3A_1036], %mul3A_1034 {strides = array<i32>} : memref<80x128xf32, #tpu.memory_space<vmem>>, vector<16xf32>,
        %slice3A_1038 = vector.extract_strided_slice %get3A_269 {offsets = [11], sizes = [1], strides = [1]} : vector<16xf32> to vector<1xf32>
        %squeeze3A_1039 = vector.extract %slice3A_1038[0] : f32 from vector<1xf32>
        %mul3A_1040 = arith.constant 16 : i32
        %mul3A_1041 = arith.muli %mul3A_1040, %scan3A_265 : i32
        %add3A_1042 = arith.constant 11 : i32
        %add3A_1043 = arith.addi %mul3A_1041, %add3A_1042 : i32
        %get3A_1044 = arith.index_cast %add3A_1043 : i32 to index
        %get3A_1045 = arith.constant 0 : index
        %get3A_1046 = tpu.vector_load %arg16[%get3A_1044, %get3A_1045] {strides = array<i32>} : memref<80x128xf32, #tpu.memory_space<vmem>>, vector<16xf32>,
        %mul3A_1047 = vector.broadcast %squeeze3A_1039 : f32 to vector<16xf32>
        %mul3A_1048 = arith.mulf %get3A_1046, %mul3A_1047 : vector<16xf32>
        %swap3A_1049 = arith.index_cast %add3A_1043 : i32 to index
        %swap3A_1050 = arith.constant 0 : index
        %swap3A_1051 = tpu.vector_load %arg16[%swap3A_1049, %swap3A_1050] {strides = array<i32>} : memref<80x128xf32, #tpu.memory_space<vmem>>, vector<16xf32>,
        tpu.vector_store %arg16[%swap3A_1049, %swap3A_1050], %mul3A_1048 {strides = array<i32>} : memref<80x128xf32, #tpu.memory_space<vmem>>, vector<16xf32>,
        %get3A_1052 = arith.index_cast %add3A_1043 : i32 to index
        %get3A_1053 = arith.constant 16 : index
        %get3A_1054 = tpu.vector_load %arg16[%get3A_1052, %get3A_1053] {strides = array<i32>} : memref<80x128xf32, #tpu.memory_space<vmem>>, vector<16xf32>,
        %mul3A_1055 = vector.broadcast %squeeze3A_1039 : f32 to vector<16xf32>
        %mul3A_1056 = arith.mulf %get3A_1054, %mul3A_1055 : vector<16xf32>
        %swap3A_1057 = arith.index_cast %add3A_1043 : i32 to index
        %swap3A_1058 = arith.constant 16 : index
        %swap3A_1059 = tpu.vector_load %arg16[%swap3A_1057, %swap3A_1058] {strides = array<i32>} : memref<80x128xf32, #tpu.memory_space<vmem>>, vector<16xf32>,
        tpu.vector_store %arg16[%swap3A_1057, %swap3A_1058], %mul3A_1056 {strides = array<i32>} : memref<80x128xf32, #tpu.memory_space<vmem>>, vector<16xf32>,
        %get3A_1060 = arith.index_cast %add3A_1043 : i32 to index
        %get3A_1061 = arith.constant 32 : index
        %get3A_1062 = tpu.vector_load %arg16[%get3A_1060, %get3A_1061] {strides = array<i32>} : memref<80x128xf32, #tpu.memory_space<vmem>>, vector<16xf32>,
        %mul3A_1063 = vector.broadcast %squeeze3A_1039 : f32 to vector<16xf32>
        %mul3A_1064 = arith.mulf %get3A_1062, %mul3A_1063 : vector<16xf32>
        %swap3A_1065 = arith.index_cast %add3A_1043 : i32 to index
        %swap3A_1066 = arith.constant 32 : index
        %swap3A_1067 = tpu.vector_load %arg16[%swap3A_1065, %swap3A_1066] {strides = array<i32>} : memref<80x128xf32, #tpu.memory_space<vmem>>, vector<16xf32>,
        tpu.vector_store %arg16[%swap3A_1065, %swap3A_1066], %mul3A_1064 {strides = array<i32>} : memref<80x128xf32, #tpu.memory_space<vmem>>, vector<16xf32>,
        %get3A_1068 = arith.index_cast %add3A_1043 : i32 to index
        %get3A_1069 = arith.constant 48 : index
        %get3A_1070 = tpu.vector_load %arg16[%get3A_1068, %get3A_1069] {strides = array<i32>} : memref<80x128xf32, #tpu.memory_space<vmem>>, vector<16xf32>,
        %mul3A_1071 = vector.broadcast %squeeze3A_1039 : f32 to vector<16xf32>
        %mul3A_1072 = arith.mulf %get3A_1070, %mul3A_1071 : vector<16xf32>
        %swap3A_1073 = arith.index_cast %add3A_1043 : i32 to index
        %swap3A_1074 = arith.constant 48 : index
        %swap3A_1075 = tpu.vector_load %arg16[%swap3A_1073, %swap3A_1074] {strides = array<i32>} : memref<80x128xf32, #tpu.memory_space<vmem>>, vector<16xf32>,
        tpu.vector_store %arg16[%swap3A_1073, %swap3A_1074], %mul3A_1072 {strides = array<i32>} : memref<80x128xf32, #tpu.memory_space<vmem>>, vector<16xf32>,
        %get3A_1076 = arith.index_cast %add3A_1043 : i32 to index
        %get3A_1077 = arith.constant 64 : index
        %get3A_1078 = tpu.vector_load %arg16[%get3A_1076, %get3A_1077] {strides = array<i32>} : memref<80x128xf32, #tpu.memory_space<vmem>>, vector<16xf32>,
        %mul3A_1079 = vector.broadcast %squeeze3A_1039 : f32 to vector<16xf32>
        %mul3A_1080 = arith.mulf %get3A_1078, %mul3A_1079 : vector<16xf32>
        %swap3A_1081 = arith.index_cast %add3A_1043 : i32 to index
        %swap3A_1082 = arith.constant 64 : index
        %swap3A_1083 = tpu.vector_load %arg16[%swap3A_1081, %swap3A_1082] {strides = array<i32>} : memref<80x128xf32, #tpu.memory_space<vmem>>, vector<16xf32>,
        tpu.vector_store %arg16[%swap3A_1081, %swap3A_1082], %mul3A_1080 {strides = array<i32>} : memref<80x128xf32, #tpu.memory_space<vmem>>, vector<16xf32>,
        %get3A_1084 = arith.index_cast %add3A_1043 : i32 to index
        %get3A_1085 = arith.constant 80 : index
        %get3A_1086 = tpu.vector_load %arg16[%get3A_1084, %get3A_1085] {strides = array<i32>} : memref<80x128xf32, #tpu.memory_space<vmem>>, vector<16xf32>,
        %mul3A_1087 = vector.broadcast %squeeze3A_1039 : f32 to vector<16xf32>
        %mul3A_1088 = arith.mulf %get3A_1086, %mul3A_1087 : vector<16xf32>
        %swap3A_1089 = arith.index_cast %add3A_1043 : i32 to index
        %swap3A_1090 = arith.constant 80 : index
        %swap3A_1091 = tpu.vector_load %arg16[%swap3A_1089, %swap3A_1090] {strides = array<i32>} : memref<80x128xf32, #tpu.memory_space<vmem>>, vector<16xf32>,
        tpu.vector_store %arg16[%swap3A_1089, %swap3A_1090], %mul3A_1088 {strides = array<i32>} : memref<80x128xf32, #tpu.memory_space<vmem>>, vector<16xf32>,
        %get3A_1092 = arith.index_cast %add3A_1043 : i32 to index
        %get3A_1093 = arith.constant 96 : index
        %get3A_1094 = tpu.vector_load %arg16[%get3A_1092, %get3A_1093] {strides = array<i32>} : memref<80x128xf32, #tpu.memory_space<vmem>>, vector<16xf32>,
        %mul3A_1095 = vector.broadcast %squeeze3A_1039 : f32 to vector<16xf32>
        %mul3A_1096 = arith.mulf %get3A_1094, %mul3A_1095 : vector<16xf32>
        %swap3A_1097 = arith.index_cast %add3A_1043 : i32 to index
        %swap3A_1098 = arith.constant 96 : index
        %swap3A_1099 = tpu.vector_load %arg16[%swap3A_1097, %swap3A_1098] {strides = array<i32>} : memref<80x128xf32, #tpu.memory_space<vmem>>, vector<16xf32>,
        tpu.vector_store %arg16[%swap3A_1097, %swap3A_1098], %mul3A_1096 {strides = array<i32>} : memref<80x128xf32, #tpu.memory_space<vmem>>, vector<16xf32>,
        %get3A_1100 = arith.index_cast %add3A_1043 : i32 to index
        %get3A_1101 = arith.constant 112 : index
        %get3A_1102 = tpu.vector_load %arg16[%get3A_1100, %get3A_1101] {strides = array<i32>} : memref<80x128xf32, #tpu.memory_space<vmem>>, vector<16xf32>,
        %mul3A_1103 = vector.broadcast %squeeze3A_1039 : f32 to vector<16xf32>
        %mul3A_1104 = arith.mulf %get3A_1102, %mul3A_1103 : vector<16xf32>
        %swap3A_1105 = arith.index_cast %add3A_1043 : i32 to index
        %swap3A_1106 = arith.constant 112 : index
        %swap3A_1107 = tpu.vector_load %arg16[%swap3A_1105, %swap3A_1106] {strides = array<i32>} : memref<80x128xf32, #tpu.memory_space<vmem>>, vector<16xf32>,
        tpu.vector_store %arg16[%swap3A_1105, %swap3A_1106], %mul3A_1104 {strides = array<i32>} : memref<80x128xf32, #tpu.memory_space<vmem>>, vector<16xf32>,
        %slice3A_1108 = vector.extract_strided_slice %get3A_269 {offsets = [12], sizes = [1], strides = [1]} : vector<16xf32> to vector<1xf32>
        %squeeze3A_1109 = vector.extract %slice3A_1108[0] : f32 from vector<1xf32>
        %mul3A_1110 = arith.constant 16 : i32
        %mul3A_1111 = arith.muli %mul3A_1110, %scan3A_265 : i32
        %add3A_1112 = arith.constant 12 : i32
        %add3A_1113 = arith.addi %mul3A_1111, %add3A_1112 : i32
        %get3A_1114 = arith.index_cast %add3A_1113 : i32 to index
        %get3A_1115 = arith.constant 0 : index
        %get3A_1116 = tpu.vector_load %arg16[%get3A_1114, %get3A_1115] {strides = array<i32>} : memref<80x128xf32, #tpu.memory_space<vmem>>, vector<16xf32>,
        %mul3A_1117 = vector.broadcast %squeeze3A_1109 : f32 to vector<16xf32>
        %mul3A_1118 = arith.mulf %get3A_1116, %mul3A_1117 : vector<16xf32>
        %swap3A_1119 = arith.index_cast %add3A_1113 : i32 to index
        %swap3A_1120 = arith.constant 0 : index
        %swap3A_1121 = tpu.vector_load %arg16[%swap3A_1119, %swap3A_1120] {strides = array<i32>} : memref<80x128xf32, #tpu.memory_space<vmem>>, vector<16xf32>,
        tpu.vector_store %arg16[%swap3A_1119, %swap3A_1120], %mul3A_1118 {strides = array<i32>} : memref<80x128xf32, #tpu.memory_space<vmem>>, vector<16xf32>,
        %get3A_1122 = arith.index_cast %add3A_1113 : i32 to index
        %get3A_1123 = arith.constant 16 : index
        %get3A_1124 = tpu.vector_load %arg16[%get3A_1122, %get3A_1123] {strides = array<i32>} : memref<80x128xf32, #tpu.memory_space<vmem>>, vector<16xf32>,
        %mul3A_1125 = vector.broadcast %squeeze3A_1109 : f32 to vector<16xf32>
        %mul3A_1126 = arith.mulf %get3A_1124, %mul3A_1125 : vector<16xf32>
        %swap3A_1127 = arith.index_cast %add3A_1113 : i32 to index
        %swap3A_1128 = arith.constant 16 : index
        %swap3A_1129 = tpu.vector_load %arg16[%swap3A_1127, %swap3A_1128] {strides = array<i32>} : memref<80x128xf32, #tpu.memory_space<vmem>>, vector<16xf32>,
        tpu.vector_store %arg16[%swap3A_1127, %swap3A_1128], %mul3A_1126 {strides = array<i32>} : memref<80x128xf32, #tpu.memory_space<vmem>>, vector<16xf32>,
        %get3A_1130 = arith.index_cast %add3A_1113 : i32 to index
        %get3A_1131 = arith.constant 32 : index
        %get3A_1132 = tpu.vector_load %arg16[%get3A_1130, %get3A_1131] {strides = array<i32>} : memref<80x128xf32, #tpu.memory_space<vmem>>, vector<16xf32>,
        %mul3A_1133 = vector.broadcast %squeeze3A_1109 : f32 to vector<16xf32>
        %mul3A_1134 = arith.mulf %get3A_1132, %mul3A_1133 : vector<16xf32>
        %swap3A_1135 = arith.index_cast %add3A_1113 : i32 to index
        %swap3A_1136 = arith.constant 32 : index
        %swap3A_1137 = tpu.vector_load %arg16[%swap3A_1135, %swap3A_1136] {strides = array<i32>} : memref<80x128xf32, #tpu.memory_space<vmem>>, vector<16xf32>,
        tpu.vector_store %arg16[%swap3A_1135, %swap3A_1136], %mul3A_1134 {strides = array<i32>} : memref<80x128xf32, #tpu.memory_space<vmem>>, vector<16xf32>,
        %get3A_1138 = arith.index_cast %add3A_1113 : i32 to index
        %get3A_1139 = arith.constant 48 : index
        %get3A_1140 = tpu.vector_load %arg16[%get3A_1138, %get3A_1139] {strides = array<i32>} : memref<80x128xf32, #tpu.memory_space<vmem>>, vector<16xf32>,
        %mul3A_1141 = vector.broadcast %squeeze3A_1109 : f32 to vector<16xf32>
        %mul3A_1142 = arith.mulf %get3A_1140, %mul3A_1141 : vector<16xf32>
        %swap3A_1143 = arith.index_cast %add3A_1113 : i32 to index
        %swap3A_1144 = arith.constant 48 : index
        %swap3A_1145 = tpu.vector_load %arg16[%swap3A_1143, %swap3A_1144] {strides = array<i32>} : memref<80x128xf32, #tpu.memory_space<vmem>>, vector<16xf32>,
        tpu.vector_store %arg16[%swap3A_1143, %swap3A_1144], %mul3A_1142 {strides = array<i32>} : memref<80x128xf32, #tpu.memory_space<vmem>>, vector<16xf32>,
        %get3A_1146 = arith.index_cast %add3A_1113 : i32 to index
        %get3A_1147 = arith.constant 64 : index
        %get3A_1148 = tpu.vector_load %arg16[%get3A_1146, %get3A_1147] {strides = array<i32>} : memref<80x128xf32, #tpu.memory_space<vmem>>, vector<16xf32>,
        %mul3A_1149 = vector.broadcast %squeeze3A_1109 : f32 to vector<16xf32>
        %mul3A_1150 = arith.mulf %get3A_1148, %mul3A_1149 : vector<16xf32>
        %swap3A_1151 = arith.index_cast %add3A_1113 : i32 to index
        %swap3A_1152 = arith.constant 64 : index
        %swap3A_1153 = tpu.vector_load %arg16[%swap3A_1151, %swap3A_1152] {strides = array<i32>} : memref<80x128xf32, #tpu.memory_space<vmem>>, vector<16xf32>,
        tpu.vector_store %arg16[%swap3A_1151, %swap3A_1152], %mul3A_1150 {strides = array<i32>} : memref<80x128xf32, #tpu.memory_space<vmem>>, vector<16xf32>,
        %get3A_1154 = arith.index_cast %add3A_1113 : i32 to index
        %get3A_1155 = arith.constant 80 : index
        %get3A_1156 = tpu.vector_load %arg16[%get3A_1154, %get3A_1155] {strides = array<i32>} : memref<80x128xf32, #tpu.memory_space<vmem>>, vector<16xf32>,
        %mul3A_1157 = vector.broadcast %squeeze3A_1109 : f32 to vector<16xf32>
        %mul3A_1158 = arith.mulf %get3A_1156, %mul3A_1157 : vector<16xf32>
        %swap3A_1159 = arith.index_cast %add3A_1113 : i32 to index
        %swap3A_1160 = arith.constant 80 : index
        %swap3A_1161 = tpu.vector_load %arg16[%swap3A_1159, %swap3A_1160] {strides = array<i32>} : memref<80x128xf32, #tpu.memory_space<vmem>>, vector<16xf32>,
        tpu.vector_store %arg16[%swap3A_1159, %swap3A_1160], %mul3A_1158 {strides = array<i32>} : memref<80x128xf32, #tpu.memory_space<vmem>>, vector<16xf32>,
        %get3A_1162 = arith.index_cast %add3A_1113 : i32 to index
        %get3A_1163 = arith.constant 96 : index
        %get3A_1164 = tpu.vector_load %arg16[%get3A_1162, %get3A_1163] {strides = array<i32>} : memref<80x128xf32, #tpu.memory_space<vmem>>, vector<16xf32>,
        %mul3A_1165 = vector.broadcast %squeeze3A_1109 : f32 to vector<16xf32>
        %mul3A_1166 = arith.mulf %get3A_1164, %mul3A_1165 : vector<16xf32>
        %swap3A_1167 = arith.index_cast %add3A_1113 : i32 to index
        %swap3A_1168 = arith.constant 96 : index
        %swap3A_1169 = tpu.vector_load %arg16[%swap3A_1167, %swap3A_1168] {strides = array<i32>} : memref<80x128xf32, #tpu.memory_space<vmem>>, vector<16xf32>,
        tpu.vector_store %arg16[%swap3A_1167, %swap3A_1168], %mul3A_1166 {strides = array<i32>} : memref<80x128xf32, #tpu.memory_space<vmem>>, vector<16xf32>,
        %get3A_1170 = arith.index_cast %add3A_1113 : i32 to index
        %get3A_1171 = arith.constant 112 : index
        %get3A_1172 = tpu.vector_load %arg16[%get3A_1170, %get3A_1171] {strides = array<i32>} : memref<80x128xf32, #tpu.memory_space<vmem>>, vector<16xf32>,
        %mul3A_1173 = vector.broadcast %squeeze3A_1109 : f32 to vector<16xf32>
        %mul3A_1174 = arith.mulf %get3A_1172, %mul3A_1173 : vector<16xf32>
        %swap3A_1175 = arith.index_cast %add3A_1113 : i32 to index
        %swap3A_1176 = arith.constant 112 : index
        %swap3A_1177 = tpu.vector_load %arg16[%swap3A_1175, %swap3A_1176] {strides = array<i32>} : memref<80x128xf32, #tpu.memory_space<vmem>>, vector<16xf32>,
        tpu.vector_store %arg16[%swap3A_1175, %swap3A_1176], %mul3A_1174 {strides = array<i32>} : memref<80x128xf32, #tpu.memory_space<vmem>>, vector<16xf32>,
        %slice3A_1178 = vector.extract_strided_slice %get3A_269 {offsets = [13], sizes = [1], strides = [1]} : vector<16xf32> to vector<1xf32>
        %squeeze3A_1179 = vector.extract %slice3A_1178[0] : f32 from vector<1xf32>
        %mul3A_1180 = arith.constant 16 : i32
        %mul3A_1181 = arith.muli %mul3A_1180, %scan3A_265 : i32
        %add3A_1182 = arith.constant 13 : i32
        %add3A_1183 = arith.addi %mul3A_1181, %add3A_1182 : i32
        %get3A_1184 = arith.index_cast %add3A_1183 : i32 to index
        %get3A_1185 = arith.constant 0 : index
        %get3A_1186 = tpu.vector_load %arg16[%get3A_1184, %get3A_1185] {strides = array<i32>} : memref<80x128xf32, #tpu.memory_space<vmem>>, vector<16xf32>,
        %mul3A_1187 = vector.broadcast %squeeze3A_1179 : f32 to vector<16xf32>
        %mul3A_1188 = arith.mulf %get3A_1186, %mul3A_1187 : vector<16xf32>
        %swap3A_1189 = arith.index_cast %add3A_1183 : i32 to index
        %swap3A_1190 = arith.constant 0 : index
        %swap3A_1191 = tpu.vector_load %arg16[%swap3A_1189, %swap3A_1190] {strides = array<i32>} : memref<80x128xf32, #tpu.memory_space<vmem>>, vector<16xf32>,
        tpu.vector_store %arg16[%swap3A_1189, %swap3A_1190], %mul3A_1188 {strides = array<i32>} : memref<80x128xf32, #tpu.memory_space<vmem>>, vector<16xf32>,
        %get3A_1192 = arith.index_cast %add3A_1183 : i32 to index
        %get3A_1193 = arith.constant 16 : index
        %get3A_1194 = tpu.vector_load %arg16[%get3A_1192, %get3A_1193] {strides = array<i32>} : memref<80x128xf32, #tpu.memory_space<vmem>>, vector<16xf32>,
        %mul3A_1195 = vector.broadcast %squeeze3A_1179 : f32 to vector<16xf32>
        %mul3A_1196 = arith.mulf %get3A_1194, %mul3A_1195 : vector<16xf32>
        %swap3A_1197 = arith.index_cast %add3A_1183 : i32 to index
        %swap3A_1198 = arith.constant 16 : index
        %swap3A_1199 = tpu.vector_load %arg16[%swap3A_1197, %swap3A_1198] {strides = array<i32>} : memref<80x128xf32, #tpu.memory_space<vmem>>, vector<16xf32>,
        tpu.vector_store %arg16[%swap3A_1197, %swap3A_1198], %mul3A_1196 {strides = array<i32>} : memref<80x128xf32, #tpu.memory_space<vmem>>, vector<16xf32>,
        %get3A_1200 = arith.index_cast %add3A_1183 : i32 to index
        %get3A_1201 = arith.constant 32 : index
        %get3A_1202 = tpu.vector_load %arg16[%get3A_1200, %get3A_1201] {strides = array<i32>} : memref<80x128xf32, #tpu.memory_space<vmem>>, vector<16xf32>,
        %mul3A_1203 = vector.broadcast %squeeze3A_1179 : f32 to vector<16xf32>
        %mul3A_1204 = arith.mulf %get3A_1202, %mul3A_1203 : vector<16xf32>
        %swap3A_1205 = arith.index_cast %add3A_1183 : i32 to index
        %swap3A_1206 = arith.constant 32 : index
        %swap3A_1207 = tpu.vector_load %arg16[%swap3A_1205, %swap3A_1206] {strides = array<i32>} : memref<80x128xf32, #tpu.memory_space<vmem>>, vector<16xf32>,
        tpu.vector_store %arg16[%swap3A_1205, %swap3A_1206], %mul3A_1204 {strides = array<i32>} : memref<80x128xf32, #tpu.memory_space<vmem>>, vector<16xf32>,
        %get3A_1208 = arith.index_cast %add3A_1183 : i32 to index
        %get3A_1209 = arith.constant 48 : index
        %get3A_1210 = tpu.vector_load %arg16[%get3A_1208, %get3A_1209] {strides = array<i32>} : memref<80x128xf32, #tpu.memory_space<vmem>>, vector<16xf32>,
        %mul3A_1211 = vector.broadcast %squeeze3A_1179 : f32 to vector<16xf32>
        %mul3A_1212 = arith.mulf %get3A_1210, %mul3A_1211 : vector<16xf32>
        %swap3A_1213 = arith.index_cast %add3A_1183 : i32 to index
        %swap3A_1214 = arith.constant 48 : index
        %swap3A_1215 = tpu.vector_load %arg16[%swap3A_1213, %swap3A_1214] {strides = array<i32>} : memref<80x128xf32, #tpu.memory_space<vmem>>, vector<16xf32>,
        tpu.vector_store %arg16[%swap3A_1213, %swap3A_1214], %mul3A_1212 {strides = array<i32>} : memref<80x128xf32, #tpu.memory_space<vmem>>, vector<16xf32>,
        %get3A_1216 = arith.index_cast %add3A_1183 : i32 to index
        %get3A_1217 = arith.constant 64 : index
        %get3A_1218 = tpu.vector_load %arg16[%get3A_1216, %get3A_1217] {strides = array<i32>} : memref<80x128xf32, #tpu.memory_space<vmem>>, vector<16xf32>,
        %mul3A_1219 = vector.broadcast %squeeze3A_1179 : f32 to vector<16xf32>
        %mul3A_1220 = arith.mulf %get3A_1218, %mul3A_1219 : vector<16xf32>
        %swap3A_1221 = arith.index_cast %add3A_1183 : i32 to index
        %swap3A_1222 = arith.constant 64 : index
        %swap3A_1223 = tpu.vector_load %arg16[%swap3A_1221, %swap3A_1222] {strides = array<i32>} : memref<80x128xf32, #tpu.memory_space<vmem>>, vector<16xf32>,
        tpu.vector_store %arg16[%swap3A_1221, %swap3A_1222], %mul3A_1220 {strides = array<i32>} : memref<80x128xf32, #tpu.memory_space<vmem>>, vector<16xf32>,
        %get3A_1224 = arith.index_cast %add3A_1183 : i32 to index
        %get3A_1225 = arith.constant 80 : index
        %get3A_1226 = tpu.vector_load %arg16[%get3A_1224, %get3A_1225] {strides = array<i32>} : memref<80x128xf32, #tpu.memory_space<vmem>>, vector<16xf32>,
        %mul3A_1227 = vector.broadcast %squeeze3A_1179 : f32 to vector<16xf32>
        %mul3A_1228 = arith.mulf %get3A_1226, %mul3A_1227 : vector<16xf32>
        %swap3A_1229 = arith.index_cast %add3A_1183 : i32 to index
        %swap3A_1230 = arith.constant 80 : index
        %swap3A_1231 = tpu.vector_load %arg16[%swap3A_1229, %swap3A_1230] {strides = array<i32>} : memref<80x128xf32, #tpu.memory_space<vmem>>, vector<16xf32>,
        tpu.vector_store %arg16[%swap3A_1229, %swap3A_1230], %mul3A_1228 {strides = array<i32>} : memref<80x128xf32, #tpu.memory_space<vmem>>, vector<16xf32>,
        %get3A_1232 = arith.index_cast %add3A_1183 : i32 to index
        %get3A_1233 = arith.constant 96 : index
        %get3A_1234 = tpu.vector_load %arg16[%get3A_1232, %get3A_1233] {strides = array<i32>} : memref<80x128xf32, #tpu.memory_space<vmem>>, vector<16xf32>,
        %mul3A_1235 = vector.broadcast %squeeze3A_1179 : f32 to vector<16xf32>
        %mul3A_1236 = arith.mulf %get3A_1234, %mul3A_1235 : vector<16xf32>
        %swap3A_1237 = arith.index_cast %add3A_1183 : i32 to index
        %swap3A_1238 = arith.constant 96 : index
        %swap3A_1239 = tpu.vector_load %arg16[%swap3A_1237, %swap3A_1238] {strides = array<i32>} : memref<80x128xf32, #tpu.memory_space<vmem>>, vector<16xf32>,
        tpu.vector_store %arg16[%swap3A_1237, %swap3A_1238], %mul3A_1236 {strides = array<i32>} : memref<80x128xf32, #tpu.memory_space<vmem>>, vector<16xf32>,
        %get3A_1240 = arith.index_cast %add3A_1183 : i32 to index
        %get3A_1241 = arith.constant 112 : index
        %get3A_1242 = tpu.vector_load %arg16[%get3A_1240, %get3A_1241] {strides = array<i32>} : memref<80x128xf32, #tpu.memory_space<vmem>>, vector<16xf32>,
        %mul3A_1243 = vector.broadcast %squeeze3A_1179 : f32 to vector<16xf32>
        %mul3A_1244 = arith.mulf %get3A_1242, %mul3A_1243 : vector<16xf32>
        %swap3A_1245 = arith.index_cast %add3A_1183 : i32 to index
        %swap3A_1246 = arith.constant 112 : index
        %swap3A_1247 = tpu.vector_load %arg16[%swap3A_1245, %swap3A_1246] {strides = array<i32>} : memref<80x128xf32, #tpu.memory_space<vmem>>, vector<16xf32>,
        tpu.vector_store %arg16[%swap3A_1245, %swap3A_1246], %mul3A_1244 {strides = array<i32>} : memref<80x128xf32, #tpu.memory_space<vmem>>, vector<16xf32>,
        %slice3A_1248 = vector.extract_strided_slice %get3A_269 {offsets = [14], sizes = [1], strides = [1]} : vector<16xf32> to vector<1xf32>
        %squeeze3A_1249 = vector.extract %slice3A_1248[0] : f32 from vector<1xf32>
        %mul3A_1250 = arith.constant 16 : i32
        %mul3A_1251 = arith.muli %mul3A_1250, %scan3A_265 : i32
        %add3A_1252 = arith.constant 14 : i32
        %add3A_1253 = arith.addi %mul3A_1251, %add3A_1252 : i32
        %get3A_1254 = arith.index_cast %add3A_1253 : i32 to index
        %get3A_1255 = arith.constant 0 : index
        %get3A_1256 = tpu.vector_load %arg16[%get3A_1254, %get3A_1255] {strides = array<i32>} : memref<80x128xf32, #tpu.memory_space<vmem>>, vector<16xf32>,
        %mul3A_1257 = vector.broadcast %squeeze3A_1249 : f32 to vector<16xf32>
        %mul3A_1258 = arith.mulf %get3A_1256, %mul3A_1257 : vector<16xf32>
        %swap3A_1259 = arith.index_cast %add3A_1253 : i32 to index
        %swap3A_1260 = arith.constant 0 : index
        %swap3A_1261 = tpu.vector_load %arg16[%swap3A_1259, %swap3A_1260] {strides = array<i32>} : memref<80x128xf32, #tpu.memory_space<vmem>>, vector<16xf32>,
        tpu.vector_store %arg16[%swap3A_1259, %swap3A_1260], %mul3A_1258 {strides = array<i32>} : memref<80x128xf32, #tpu.memory_space<vmem>>, vector<16xf32>,
        %get3A_1262 = arith.index_cast %add3A_1253 : i32 to index
        %get3A_1263 = arith.constant 16 : index
        %get3A_1264 = tpu.vector_load %arg16[%get3A_1262, %get3A_1263] {strides = array<i32>} : memref<80x128xf32, #tpu.memory_space<vmem>>, vector<16xf32>,
        %mul3A_1265 = vector.broadcast %squeeze3A_1249 : f32 to vector<16xf32>
        %mul3A_1266 = arith.mulf %get3A_1264, %mul3A_1265 : vector<16xf32>
        %swap3A_1267 = arith.index_cast %add3A_1253 : i32 to index
        %swap3A_1268 = arith.constant 16 : index
        %swap3A_1269 = tpu.vector_load %arg16[%swap3A_1267, %swap3A_1268] {strides = array<i32>} : memref<80x128xf32, #tpu.memory_space<vmem>>, vector<16xf32>,
        tpu.vector_store %arg16[%swap3A_1267, %swap3A_1268], %mul3A_1266 {strides = array<i32>} : memref<80x128xf32, #tpu.memory_space<vmem>>, vector<16xf32>,
        %get3A_1270 = arith.index_cast %add3A_1253 : i32 to index
        %get3A_1271 = arith.constant 32 : index
        %get3A_1272 = tpu.vector_load %arg16[%get3A_1270, %get3A_1271] {strides = array<i32>} : memref<80x128xf32, #tpu.memory_space<vmem>>, vector<16xf32>,
        %mul3A_1273 = vector.broadcast %squeeze3A_1249 : f32 to vector<16xf32>
        %mul3A_1274 = arith.mulf %get3A_1272, %mul3A_1273 : vector<16xf32>
        %swap3A_1275 = arith.index_cast %add3A_1253 : i32 to index
        %swap3A_1276 = arith.constant 32 : index
        %swap3A_1277 = tpu.vector_load %arg16[%swap3A_1275, %swap3A_1276] {strides = array<i32>} : memref<80x128xf32, #tpu.memory_space<vmem>>, vector<16xf32>,
        tpu.vector_store %arg16[%swap3A_1275, %swap3A_1276], %mul3A_1274 {strides = array<i32>} : memref<80x128xf32, #tpu.memory_space<vmem>>, vector<16xf32>,
        %get3A_1278 = arith.index_cast %add3A_1253 : i32 to index
        %get3A_1279 = arith.constant 48 : index
        %get3A_1280 = tpu.vector_load %arg16[%get3A_1278, %get3A_1279] {strides = array<i32>} : memref<80x128xf32, #tpu.memory_space<vmem>>, vector<16xf32>,
        %mul3A_1281 = vector.broadcast %squeeze3A_1249 : f32 to vector<16xf32>
        %mul3A_1282 = arith.mulf %get3A_1280, %mul3A_1281 : vector<16xf32>
        %swap3A_1283 = arith.index_cast %add3A_1253 : i32 to index
        %swap3A_1284 = arith.constant 48 : index
        %swap3A_1285 = tpu.vector_load %arg16[%swap3A_1283, %swap3A_1284] {strides = array<i32>} : memref<80x128xf32, #tpu.memory_space<vmem>>, vector<16xf32>,
        tpu.vector_store %arg16[%swap3A_1283, %swap3A_1284], %mul3A_1282 {strides = array<i32>} : memref<80x128xf32, #tpu.memory_space<vmem>>, vector<16xf32>,
        %get3A_1286 = arith.index_cast %add3A_1253 : i32 to index
        %get3A_1287 = arith.constant 64 : index
        %get3A_1288 = tpu.vector_load %arg16[%get3A_1286, %get3A_1287] {strides = array<i32>} : memref<80x128xf32, #tpu.memory_space<vmem>>, vector<16xf32>,
        %mul3A_1289 = vector.broadcast %squeeze3A_1249 : f32 to vector<16xf32>
        %mul3A_1290 = arith.mulf %get3A_1288, %mul3A_1289 : vector<16xf32>
        %swap3A_1291 = arith.index_cast %add3A_1253 : i32 to index
        %swap3A_1292 = arith.constant 64 : index
        %swap3A_1293 = tpu.vector_load %arg16[%swap3A_1291, %swap3A_1292] {strides = array<i32>} : memref<80x128xf32, #tpu.memory_space<vmem>>, vector<16xf32>,
        tpu.vector_store %arg16[%swap3A_1291, %swap3A_1292], %mul3A_1290 {strides = array<i32>} : memref<80x128xf32, #tpu.memory_space<vmem>>, vector<16xf32>,
        %get3A_1294 = arith.index_cast %add3A_1253 : i32 to index
        %get3A_1295 = arith.constant 80 : index
        %get3A_1296 = tpu.vector_load %arg16[%get3A_1294, %get3A_1295] {strides = array<i32>} : memref<80x128xf32, #tpu.memory_space<vmem>>, vector<16xf32>,
        %mul3A_1297 = vector.broadcast %squeeze3A_1249 : f32 to vector<16xf32>
        %mul3A_1298 = arith.mulf %get3A_1296, %mul3A_1297 : vector<16xf32>
        %swap3A_1299 = arith.index_cast %add3A_1253 : i32 to index
        %swap3A_1300 = arith.constant 80 : index
        %swap3A_1301 = tpu.vector_load %arg16[%swap3A_1299, %swap3A_1300] {strides = array<i32>} : memref<80x128xf32, #tpu.memory_space<vmem>>, vector<16xf32>,
        tpu.vector_store %arg16[%swap3A_1299, %swap3A_1300], %mul3A_1298 {strides = array<i32>} : memref<80x128xf32, #tpu.memory_space<vmem>>, vector<16xf32>,
        %get3A_1302 = arith.index_cast %add3A_1253 : i32 to index
        %get3A_1303 = arith.constant 96 : index
        %get3A_1304 = tpu.vector_load %arg16[%get3A_1302, %get3A_1303] {strides = array<i32>} : memref<80x128xf32, #tpu.memory_space<vmem>>, vector<16xf32>,
        %mul3A_1305 = vector.broadcast %squeeze3A_1249 : f32 to vector<16xf32>
        %mul3A_1306 = arith.mulf %get3A_1304, %mul3A_1305 : vector<16xf32>
        %swap3A_1307 = arith.index_cast %add3A_1253 : i32 to index
        %swap3A_1308 = arith.constant 96 : index
        %swap3A_1309 = tpu.vector_load %arg16[%swap3A_1307, %swap3A_1308] {strides = array<i32>} : memref<80x128xf32, #tpu.memory_space<vmem>>, vector<16xf32>,
        tpu.vector_store %arg16[%swap3A_1307, %swap3A_1308], %mul3A_1306 {strides = array<i32>} : memref<80x128xf32, #tpu.memory_space<vmem>>, vector<16xf32>,
        %get3A_1310 = arith.index_cast %add3A_1253 : i32 to index
        %get3A_1311 = arith.constant 112 : index
        %get3A_1312 = tpu.vector_load %arg16[%get3A_1310, %get3A_1311] {strides = array<i32>} : memref<80x128xf32, #tpu.memory_space<vmem>>, vector<16xf32>,
        %mul3A_1313 = vector.broadcast %squeeze3A_1249 : f32 to vector<16xf32>
        %mul3A_1314 = arith.mulf %get3A_1312, %mul3A_1313 : vector<16xf32>
        %swap3A_1315 = arith.index_cast %add3A_1253 : i32 to index
        %swap3A_1316 = arith.constant 112 : index
        %swap3A_1317 = tpu.vector_load %arg16[%swap3A_1315, %swap3A_1316] {strides = array<i32>} : memref<80x128xf32, #tpu.memory_space<vmem>>, vector<16xf32>,
        tpu.vector_store %arg16[%swap3A_1315, %swap3A_1316], %mul3A_1314 {strides = array<i32>} : memref<80x128xf32, #tpu.memory_space<vmem>>, vector<16xf32>,
        %slice3A_1318 = vector.extract_strided_slice %get3A_269 {offsets = [15], sizes = [1], strides = [1]} : vector<16xf32> to vector<1xf32>
        %squeeze3A_1319 = vector.extract %slice3A_1318[0] : f32 from vector<1xf32>
        %mul3A_1320 = arith.constant 16 : i32
        %mul3A_1321 = arith.muli %mul3A_1320, %scan3A_265 : i32
        %add3A_1322 = arith.constant 15 : i32
        %add3A_1323 = arith.addi %mul3A_1321, %add3A_1322 : i32
        %get3A_1324 = arith.index_cast %add3A_1323 : i32 to index
        %get3A_1325 = arith.constant 0 : index
        %get3A_1326 = tpu.vector_load %arg16[%get3A_1324, %get3A_1325] {strides = array<i32>} : memref<80x128xf32, #tpu.memory_space<vmem>>, vector<16xf32>,
        %mul3A_1327 = vector.broadcast %squeeze3A_1319 : f32 to vector<16xf32>
        %mul3A_1328 = arith.mulf %get3A_1326, %mul3A_1327 : vector<16xf32>
        %swap3A_1329 = arith.index_cast %add3A_1323 : i32 to index
        %swap3A_1330 = arith.constant 0 : index
        %swap3A_1331 = tpu.vector_load %arg16[%swap3A_1329, %swap3A_1330] {strides = array<i32>} : memref<80x128xf32, #tpu.memory_space<vmem>>, vector<16xf32>,
        tpu.vector_store %arg16[%swap3A_1329, %swap3A_1330], %mul3A_1328 {strides = array<i32>} : memref<80x128xf32, #tpu.memory_space<vmem>>, vector<16xf32>,
        %get3A_1332 = arith.index_cast %add3A_1323 : i32 to index
        %get3A_1333 = arith.constant 16 : index
        %get3A_1334 = tpu.vector_load %arg16[%get3A_1332, %get3A_1333] {strides = array<i32>} : memref<80x128xf32, #tpu.memory_space<vmem>>, vector<16xf32>,
        %mul3A_1335 = vector.broadcast %squeeze3A_1319 : f32 to vector<16xf32>
        %mul3A_1336 = arith.mulf %get3A_1334, %mul3A_1335 : vector<16xf32>
        %swap3A_1337 = arith.index_cast %add3A_1323 : i32 to index
        %swap3A_1338 = arith.constant 16 : index
        %swap3A_1339 = tpu.vector_load %arg16[%swap3A_1337, %swap3A_1338] {strides = array<i32>} : memref<80x128xf32, #tpu.memory_space<vmem>>, vector<16xf32>,
        tpu.vector_store %arg16[%swap3A_1337, %swap3A_1338], %mul3A_1336 {strides = array<i32>} : memref<80x128xf32, #tpu.memory_space<vmem>>, vector<16xf32>,
        %get3A_1340 = arith.index_cast %add3A_1323 : i32 to index
        %get3A_1341 = arith.constant 32 : index
        %get3A_1342 = tpu.vector_load %arg16[%get3A_1340, %get3A_1341] {strides = array<i32>} : memref<80x128xf32, #tpu.memory_space<vmem>>, vector<16xf32>,
        %mul3A_1343 = vector.broadcast %squeeze3A_1319 : f32 to vector<16xf32>
        %mul3A_1344 = arith.mulf %get3A_1342, %mul3A_1343 : vector<16xf32>
        %swap3A_1345 = arith.index_cast %add3A_1323 : i32 to index
        %swap3A_1346 = arith.constant 32 : index
        %swap3A_1347 = tpu.vector_load %arg16[%swap3A_1345, %swap3A_1346] {strides = array<i32>} : memref<80x128xf32, #tpu.memory_space<vmem>>, vector<16xf32>,
        tpu.vector_store %arg16[%swap3A_1345, %swap3A_1346], %mul3A_1344 {strides = array<i32>} : memref<80x128xf32, #tpu.memory_space<vmem>>, vector<16xf32>,
        %get3A_1348 = arith.index_cast %add3A_1323 : i32 to index
        %get3A_1349 = arith.constant 48 : index
        %get3A_1350 = tpu.vector_load %arg16[%get3A_1348, %get3A_1349] {strides = array<i32>} : memref<80x128xf32, #tpu.memory_space<vmem>>, vector<16xf32>,
        %mul3A_1351 = vector.broadcast %squeeze3A_1319 : f32 to vector<16xf32>
        %mul3A_1352 = arith.mulf %get3A_1350, %mul3A_1351 : vector<16xf32>
        %swap3A_1353 = arith.index_cast %add3A_1323 : i32 to index
        %swap3A_1354 = arith.constant 48 : index
        %swap3A_1355 = tpu.vector_load %arg16[%swap3A_1353, %swap3A_1354] {strides = array<i32>} : memref<80x128xf32, #tpu.memory_space<vmem>>, vector<16xf32>,
        tpu.vector_store %arg16[%swap3A_1353, %swap3A_1354], %mul3A_1352 {strides = array<i32>} : memref<80x128xf32, #tpu.memory_space<vmem>>, vector<16xf32>,
        %get3A_1356 = arith.index_cast %add3A_1323 : i32 to index
        %get3A_1357 = arith.constant 64 : index
        %get3A_1358 = tpu.vector_load %arg16[%get3A_1356, %get3A_1357] {strides = array<i32>} : memref<80x128xf32, #tpu.memory_space<vmem>>, vector<16xf32>,
        %mul3A_1359 = vector.broadcast %squeeze3A_1319 : f32 to vector<16xf32>
        %mul3A_1360 = arith.mulf %get3A_1358, %mul3A_1359 : vector<16xf32>
        %swap3A_1361 = arith.index_cast %add3A_1323 : i32 to index
        %swap3A_1362 = arith.constant 64 : index
        %swap3A_1363 = tpu.vector_load %arg16[%swap3A_1361, %swap3A_1362] {strides = array<i32>} : memref<80x128xf32, #tpu.memory_space<vmem>>, vector<16xf32>,
        tpu.vector_store %arg16[%swap3A_1361, %swap3A_1362], %mul3A_1360 {strides = array<i32>} : memref<80x128xf32, #tpu.memory_space<vmem>>, vector<16xf32>,
        %get3A_1364 = arith.index_cast %add3A_1323 : i32 to index
        %get3A_1365 = arith.constant 80 : index
        %get3A_1366 = tpu.vector_load %arg16[%get3A_1364, %get3A_1365] {strides = array<i32>} : memref<80x128xf32, #tpu.memory_space<vmem>>, vector<16xf32>,
        %mul3A_1367 = vector.broadcast %squeeze3A_1319 : f32 to vector<16xf32>
        %mul3A_1368 = arith.mulf %get3A_1366, %mul3A_1367 : vector<16xf32>
        %swap3A_1369 = arith.index_cast %add3A_1323 : i32 to index
        %swap3A_1370 = arith.constant 80 : index
        %swap3A_1371 = tpu.vector_load %arg16[%swap3A_1369, %swap3A_1370] {strides = array<i32>} : memref<80x128xf32, #tpu.memory_space<vmem>>, vector<16xf32>,
        tpu.vector_store %arg16[%swap3A_1369, %swap3A_1370], %mul3A_1368 {strides = array<i32>} : memref<80x128xf32, #tpu.memory_space<vmem>>, vector<16xf32>,
        %get3A_1372 = arith.index_cast %add3A_1323 : i32 to index
        %get3A_1373 = arith.constant 96 : index
        %get3A_1374 = tpu.vector_load %arg16[%get3A_1372, %get3A_1373] {strides = array<i32>} : memref<80x128xf32, #tpu.memory_space<vmem>>, vector<16xf32>,
        %mul3A_1375 = vector.broadcast %squeeze3A_1319 : f32 to vector<16xf32>
        %mul3A_1376 = arith.mulf %get3A_1374, %mul3A_1375 : vector<16xf32>
        %swap3A_1377 = arith.index_cast %add3A_1323 : i32 to index
        %swap3A_1378 = arith.constant 96 : index
        %swap3A_1379 = tpu.vector_load %arg16[%swap3A_1377, %swap3A_1378] {strides = array<i32>} : memref<80x128xf32, #tpu.memory_space<vmem>>, vector<16xf32>,
        tpu.vector_store %arg16[%swap3A_1377, %swap3A_1378], %mul3A_1376 {strides = array<i32>} : memref<80x128xf32, #tpu.memory_space<vmem>>, vector<16xf32>,
        %get3A_1380 = arith.index_cast %add3A_1323 : i32 to index
        %get3A_1381 = arith.constant 112 : index
        %get3A_1382 = tpu.vector_load %arg16[%get3A_1380, %get3A_1381] {strides = array<i32>} : memref<80x128xf32, #tpu.memory_space<vmem>>, vector<16xf32>,
        %mul3A_1383 = vector.broadcast %squeeze3A_1319 : f32 to vector<16xf32>
        %mul3A_1384 = arith.mulf %get3A_1382, %mul3A_1383 : vector<16xf32>
        %swap3A_1385 = arith.index_cast %add3A_1323 : i32 to index
        %swap3A_1386 = arith.constant 112 : index
        %swap3A_1387 = tpu.vector_load %arg16[%swap3A_1385, %swap3A_1386] {strides = array<i32>} : memref<80x128xf32, #tpu.memory_space<vmem>>, vector<16xf32>,
        tpu.vector_store %arg16[%swap3A_1385, %swap3A_1386], %mul3A_1384 {strides = array<i32>} : memref<80x128xf32, #tpu.memory_space<vmem>>, vector<16xf32>,
      }
      %scan3A_264 = arith.constant 5 : i32
      "tpu.region"() ({
        %run_scoped3A = tpu.sem_alloc : memref<!tpu.dma_semaphore, #tpu.memory_space<semaphore_mem>>
        %dma_start3A_265 = arith.constant 0 : i32
        %dma_start3A_266 = arith.constant 0 : i32
        %dma_start3A_267 = tpu.memref_slice %arg18[%dma_start3A_265, %dma_start3A_266] : memref<10240x128xf32, #tpu.memory_space<vmem_shared>> -> memref<10240x128xf32, #tpu.memory_space<vmem_shared>>
        tpu.enqueue_indirect_dma source(%arg16 : memref<80x128xf32, #tpu.memory_space<vmem>>) target(%dma_start3A_267 : memref<10240x128xf32, #tpu.memory_space<vmem_shared>>) offsets(%arg11 : memref<80xi32, #tpu.memory_space<vmem>>) semaphore(%run_scoped3A : memref<!tpu.dma_semaphore, #tpu.memory_space<semaphore_mem>>) {add = true}
        %dma_wait3A_268 = arith.constant 0 : i32
        %dma_wait3A_269 = arith.constant 0 : i32
        %dma_wait3A_270 = tpu.memref_slice %arg18[%dma_wait3A_268, %dma_wait3A_269] : memref<10240x128xf32, #tpu.memory_space<vmem_shared>> -> memref<10240x128xf32, #tpu.memory_space<vmem_shared>>
        tpu.wait_indirect_dma semaphore(%run_scoped3A : memref<!tpu.dma_semaphore, #tpu.memory_space<semaphore_mem>>) src(%arg16 : memref<80x128xf32, #tpu.memory_space<vmem>>) dst(%dma_wait3A_270 : memref<10240x128xf32, #tpu.memory_space<vmem_shared>>)
        tpu.yield
      }) : () -> ()
      "tpu.region"() ({
        %run_scoped3A = tpu.sem_alloc : memref<!tpu.dma_semaphore, #tpu.memory_space<semaphore_mem>>
        %dma_start3A_265 = arith.constant 0 : i32
        %dma_start3A_266 = tpu.memref_slice %arg19[%dma_start3A_265] : memref<10240xf32, #tpu.memory_space<vmem_shared>> -> memref<10240xf32, #tpu.memory_space<vmem_shared>>
        tpu.enqueue_indirect_dma source(%arg13 : memref<80xf32, #tpu.memory_space<vmem>>) target(%dma_start3A_266 : memref<10240xf32, #tpu.memory_space<vmem_shared>>) offsets(%arg11 : memref<80xi32, #tpu.memory_space<vmem>>) semaphore(%run_scoped3A : memref<!tpu.dma_semaphore, #tpu.memory_space<semaphore_mem>>) {add = true}
        %dma_wait3A_267 = arith.constant 0 : i32
        %dma_wait3A_268 = tpu.memref_slice %arg19[%dma_wait3A_267] : memref<10240xf32, #tpu.memory_space<vmem_shared>> -> memref<10240xf32, #tpu.memory_space<vmem_shared>>
        tpu.wait_indirect_dma semaphore(%run_scoped3A : memref<!tpu.dma_semaphore, #tpu.memory_space<semaphore_mem>>) src(%arg13 : memref<80xf32, #tpu.memory_space<vmem>>) dst(%dma_wait3A_268 : memref<10240xf32, #tpu.memory_space<vmem_shared>>)
        tpu.yield
      }) : () -> ()
    }
    %scan3A_127 = arith.constant 125 : i32
    %barrier3A_128 = arith.constant 0 : index
    tpu.barrier barrier_id(%barrier3A_128)
    %mul3A_129 = arith.constant 640 : i32
    %mul3A_130 = arith.muli %arg1, %mul3A_129 : i32
    %add3A_131 = arith.constant 0 : i32
    %add3A_132 = arith.addi %mul3A_130, %add3A_131 : i32
    "tpu.region"() ({
      %run_scoped3A = tpu.sem_alloc : memref<!tpu.dma_semaphore, #tpu.memory_space<semaphore_mem>>
      %dma_start3A = arith.constant 0 : i32
      %dma_start3A_170 = tpu.memref_slice %arg18[%add3A_132, %dma_start3A] : memref<10240x128xf32, #tpu.memory_space<vmem_shared>> -> memref<80x128xf32, #tpu.memory_space<vmem_shared>>
      %dma_start3A_171 = arith.constant 0 : i32
      %dma_start3A_172 = tpu.memref_slice %arg18[%add3A_132, %dma_start3A_171] : memref<10240x128xf32, #tpu.memory_space<vmem_shared>> -> memref<80x128xf32, #tpu.memory_space<vmem_shared>>
      tpu.enqueue_dma source(%dma_start3A_172 : memref<80x128xf32, #tpu.memory_space<vmem_shared>>) target(%arg16 : memref<80x128xf32, #tpu.memory_space<vmem>>) target_semaphore(%run_scoped3A : memref<!tpu.dma_semaphore, #tpu.memory_space<semaphore_mem>>)
      %dma_wait3A = arith.constant 0 : i32
      %dma_wait3A_173 = tpu.memref_slice %arg18[%add3A_132, %dma_wait3A] : memref<10240x128xf32, #tpu.memory_space<vmem_shared>> -> memref<80x128xf32, #tpu.memory_space<vmem_shared>>
      %dma_wait3A_174 = arith.constant 0 : i32
      %dma_wait3A_175 = tpu.memref_slice %arg18[%add3A_132, %dma_wait3A_174] : memref<10240x128xf32, #tpu.memory_space<vmem_shared>> -> memref<80x128xf32, #tpu.memory_space<vmem_shared>>
      tpu.wait_dma2 semaphore(%run_scoped3A : memref<!tpu.dma_semaphore, #tpu.memory_space<semaphore_mem>>) src(%dma_wait3A_175 : memref<80x128xf32, #tpu.memory_space<vmem_shared>>) dst(%arg16 : memref<80x128xf32, #tpu.memory_space<vmem>>)
      tpu.yield
    }) : () -> ()
    %add3A_133 = arith.constant 0 : i32
    %add3A_134 = arith.addi %mul3A_130, %add3A_133 : i32
    "tpu.region"() ({
      %run_scoped3A = tpu.sem_alloc : memref<!tpu.dma_semaphore, #tpu.memory_space<semaphore_mem>>
      %dma_start3A = arith.constant 0 : i32
      %dma_start3A_170 = tpu.memref_slice %arg8[%arg0, %add3A_134, %dma_start3A] : memref<2x10240x128xf32, #tpu.memory_space<hbm>> -> memref<1x80x128xf32, #tpu.memory_space<hbm>>
      %dma_start3A_171 = tpu.memref_squeeze %dma_start3A_170 : memref<1x80x128xf32, #tpu.memory_space<hbm>> -> memref<80x128xf32, #tpu.memory_space<hbm>>
      %dma_start3A_172 = arith.constant 0 : i32
      %dma_start3A_173 = tpu.memref_slice %arg8[%arg0, %add3A_134, %dma_start3A_172] : memref<2x10240x128xf32, #tpu.memory_space<hbm>> -> memref<1x80x128xf32, #tpu.memory_space<hbm>>
      %dma_start3A_174 = tpu.memref_squeeze %dma_start3A_173 : memref<1x80x128xf32, #tpu.memory_space<hbm>> -> memref<80x128xf32, #tpu.memory_space<hbm>>
      tpu.enqueue_dma source(%arg16 : memref<80x128xf32, #tpu.memory_space<vmem>>) target(%dma_start3A_174 : memref<80x128xf32, #tpu.memory_space<hbm>>) target_semaphore(%run_scoped3A : memref<!tpu.dma_semaphore, #tpu.memory_space<semaphore_mem>>)
      %dma_wait3A = arith.constant 0 : i32
      %dma_wait3A_175 = tpu.memref_slice %arg8[%arg0, %add3A_134, %dma_wait3A] : memref<2x10240x128xf32, #tpu.memory_space<hbm>> -> memref<1x80x128xf32, #tpu.memory_space<hbm>>
      %dma_wait3A_176 = tpu.memref_squeeze %dma_wait3A_175 : memref<1x80x128xf32, #tpu.memory_space<hbm>> -> memref<80x128xf32, #tpu.memory_space<hbm>>
      %dma_wait3A_177 = arith.constant 0 : i32
      %dma_wait3A_178 = tpu.memref_slice %arg8[%arg0, %add3A_134, %dma_wait3A_177] : memref<2x10240x128xf32, #tpu.memory_space<hbm>> -> memref<1x80x128xf32, #tpu.memory_space<hbm>>
      %dma_wait3A_179 = tpu.memref_squeeze %dma_wait3A_178 : memref<1x80x128xf32, #tpu.memory_space<hbm>> -> memref<80x128xf32, #tpu.memory_space<hbm>>
      tpu.wait_dma2 semaphore(%run_scoped3A : memref<!tpu.dma_semaphore, #tpu.memory_space<semaphore_mem>>) src(%arg16 : memref<80x128xf32, #tpu.memory_space<vmem>>) dst(%dma_wait3A_179 : memref<80x128xf32, #tpu.memory_space<hbm>>)
      tpu.yield
    }) : () -> ()
    %add3A_135 = arith.constant 80 : i32
    %add3A_136 = arith.addi %mul3A_130, %add3A_135 : i32
    "tpu.region"() ({
      %run_scoped3A = tpu.sem_alloc : memref<!tpu.dma_semaphore, #tpu.memory_space<semaphore_mem>>
      %dma_start3A = arith.constant 0 : i32
      %dma_start3A_170 = tpu.memref_slice %arg18[%add3A_136, %dma_start3A] : memref<10240x128xf32, #tpu.memory_space<vmem_shared>> -> memref<80x128xf32, #tpu.memory_space<vmem_shared>>
      %dma_start3A_171 = arith.constant 0 : i32
      %dma_start3A_172 = tpu.memref_slice %arg18[%add3A_136, %dma_start3A_171] : memref<10240x128xf32, #tpu.memory_space<vmem_shared>> -> memref<80x128xf32, #tpu.memory_space<vmem_shared>>
      tpu.enqueue_dma source(%dma_start3A_172 : memref<80x128xf32, #tpu.memory_space<vmem_shared>>) target(%arg16 : memref<80x128xf32, #tpu.memory_space<vmem>>) target_semaphore(%run_scoped3A : memref<!tpu.dma_semaphore, #tpu.memory_space<semaphore_mem>>)
      %dma_wait3A = arith.constant 0 : i32
      %dma_wait3A_173 = tpu.memref_slice %arg18[%add3A_136, %dma_wait3A] : memref<10240x128xf32, #tpu.memory_space<vmem_shared>> -> memref<80x128xf32, #tpu.memory_space<vmem_shared>>
      %dma_wait3A_174 = arith.constant 0 : i32
      %dma_wait3A_175 = tpu.memref_slice %arg18[%add3A_136, %dma_wait3A_174] : memref<10240x128xf32, #tpu.memory_space<vmem_shared>> -> memref<80x128xf32, #tpu.memory_space<vmem_shared>>
      tpu.wait_dma2 semaphore(%run_scoped3A : memref<!tpu.dma_semaphore, #tpu.memory_space<semaphore_mem>>) src(%dma_wait3A_175 : memref<80x128xf32, #tpu.memory_space<vmem_shared>>) dst(%arg16 : memref<80x128xf32, #tpu.memory_space<vmem>>)
      tpu.yield
    }) : () -> ()
    %add3A_137 = arith.constant 80 : i32
    %add3A_138 = arith.addi %mul3A_130, %add3A_137 : i32
    "tpu.region"() ({
      %run_scoped3A = tpu.sem_alloc : memref<!tpu.dma_semaphore, #tpu.memory_space<semaphore_mem>>
      %dma_start3A = arith.constant 0 : i32
      %dma_start3A_170 = tpu.memref_slice %arg8[%arg0, %add3A_138, %dma_start3A] : memref<2x10240x128xf32, #tpu.memory_space<hbm>> -> memref<1x80x128xf32, #tpu.memory_space<hbm>>
      %dma_start3A_171 = tpu.memref_squeeze %dma_start3A_170 : memref<1x80x128xf32, #tpu.memory_space<hbm>> -> memref<80x128xf32, #tpu.memory_space<hbm>>
      %dma_start3A_172 = arith.constant 0 : i32
      %dma_start3A_173 = tpu.memref_slice %arg8[%arg0, %add3A_138, %dma_start3A_172] : memref<2x10240x128xf32, #tpu.memory_space<hbm>> -> memref<1x80x128xf32, #tpu.memory_space<hbm>>
      %dma_start3A_174 = tpu.memref_squeeze %dma_start3A_173 : memref<1x80x128xf32, #tpu.memory_space<hbm>> -> memref<80x128xf32, #tpu.memory_space<hbm>>
      tpu.enqueue_dma source(%arg16 : memref<80x128xf32, #tpu.memory_space<vmem>>) target(%dma_start3A_174 : memref<80x128xf32, #tpu.memory_space<hbm>>) target_semaphore(%run_scoped3A : memref<!tpu.dma_semaphore, #tpu.memory_space<semaphore_mem>>)
      %dma_wait3A = arith.constant 0 : i32
      %dma_wait3A_175 = tpu.memref_slice %arg8[%arg0, %add3A_138, %dma_wait3A] : memref<2x10240x128xf32, #tpu.memory_space<hbm>> -> memref<1x80x128xf32, #tpu.memory_space<hbm>>
      %dma_wait3A_176 = tpu.memref_squeeze %dma_wait3A_175 : memref<1x80x128xf32, #tpu.memory_space<hbm>> -> memref<80x128xf32, #tpu.memory_space<hbm>>
      %dma_wait3A_177 = arith.constant 0 : i32
      %dma_wait3A_178 = tpu.memref_slice %arg8[%arg0, %add3A_138, %dma_wait3A_177] : memref<2x10240x128xf32, #tpu.memory_space<hbm>> -> memref<1x80x128xf32, #tpu.memory_space<hbm>>
      %dma_wait3A_179 = tpu.memref_squeeze %dma_wait3A_178 : memref<1x80x128xf32, #tpu.memory_space<hbm>> -> memref<80x128xf32, #tpu.memory_space<hbm>>
      tpu.wait_dma2 semaphore(%run_scoped3A : memref<!tpu.dma_semaphore, #tpu.memory_space<semaphore_mem>>) src(%arg16 : memref<80x128xf32, #tpu.memory_space<vmem>>) dst(%dma_wait3A_179 : memref<80x128xf32, #tpu.memory_space<hbm>>)
      tpu.yield
    }) : () -> ()
    %add3A_139 = arith.constant 160 : i32
    %add3A_140 = arith.addi %mul3A_130, %add3A_139 : i32
    "tpu.region"() ({
      %run_scoped3A = tpu.sem_alloc : memref<!tpu.dma_semaphore, #tpu.memory_space<semaphore_mem>>
      %dma_start3A = arith.constant 0 : i32
      %dma_start3A_170 = tpu.memref_slice %arg18[%add3A_140, %dma_start3A] : memref<10240x128xf32, #tpu.memory_space<vmem_shared>> -> memref<80x128xf32, #tpu.memory_space<vmem_shared>>
      %dma_start3A_171 = arith.constant 0 : i32
      %dma_start3A_172 = tpu.memref_slice %arg18[%add3A_140, %dma_start3A_171] : memref<10240x128xf32, #tpu.memory_space<vmem_shared>> -> memref<80x128xf32, #tpu.memory_space<vmem_shared>>
      tpu.enqueue_dma source(%dma_start3A_172 : memref<80x128xf32, #tpu.memory_space<vmem_shared>>) target(%arg16 : memref<80x128xf32, #tpu.memory_space<vmem>>) target_semaphore(%run_scoped3A : memref<!tpu.dma_semaphore, #tpu.memory_space<semaphore_mem>>)
      %dma_wait3A = arith.constant 0 : i32
      %dma_wait3A_173 = tpu.memref_slice %arg18[%add3A_140, %dma_wait3A] : memref<10240x128xf32, #tpu.memory_space<vmem_shared>> -> memref<80x128xf32, #tpu.memory_space<vmem_shared>>
      %dma_wait3A_174 = arith.constant 0 : i32
      %dma_wait3A_175 = tpu.memref_slice %arg18[%add3A_140, %dma_wait3A_174] : memref<10240x128xf32, #tpu.memory_space<vmem_shared>> -> memref<80x128xf32, #tpu.memory_space<vmem_shared>>
      tpu.wait_dma2 semaphore(%run_scoped3A : memref<!tpu.dma_semaphore, #tpu.memory_space<semaphore_mem>>) src(%dma_wait3A_175 : memref<80x128xf32, #tpu.memory_space<vmem_shared>>) dst(%arg16 : memref<80x128xf32, #tpu.memory_space<vmem>>)
      tpu.yield
    }) : () -> ()
    %add3A_141 = arith.constant 160 : i32
    %add3A_142 = arith.addi %mul3A_130, %add3A_141 : i32
    "tpu.region"() ({
      %run_scoped3A = tpu.sem_alloc : memref<!tpu.dma_semaphore, #tpu.memory_space<semaphore_mem>>
      %dma_start3A = arith.constant 0 : i32
      %dma_start3A_170 = tpu.memref_slice %arg8[%arg0, %add3A_142, %dma_start3A] : memref<2x10240x128xf32, #tpu.memory_space<hbm>> -> memref<1x80x128xf32, #tpu.memory_space<hbm>>
      %dma_start3A_171 = tpu.memref_squeeze %dma_start3A_170 : memref<1x80x128xf32, #tpu.memory_space<hbm>> -> memref<80x128xf32, #tpu.memory_space<hbm>>
      %dma_start3A_172 = arith.constant 0 : i32
      %dma_start3A_173 = tpu.memref_slice %arg8[%arg0, %add3A_142, %dma_start3A_172] : memref<2x10240x128xf32, #tpu.memory_space<hbm>> -> memref<1x80x128xf32, #tpu.memory_space<hbm>>
      %dma_start3A_174 = tpu.memref_squeeze %dma_start3A_173 : memref<1x80x128xf32, #tpu.memory_space<hbm>> -> memref<80x128xf32, #tpu.memory_space<hbm>>
      tpu.enqueue_dma source(%arg16 : memref<80x128xf32, #tpu.memory_space<vmem>>) target(%dma_start3A_174 : memref<80x128xf32, #tpu.memory_space<hbm>>) target_semaphore(%run_scoped3A : memref<!tpu.dma_semaphore, #tpu.memory_space<semaphore_mem>>)
      %dma_wait3A = arith.constant 0 : i32
      %dma_wait3A_175 = tpu.memref_slice %arg8[%arg0, %add3A_142, %dma_wait3A] : memref<2x10240x128xf32, #tpu.memory_space<hbm>> -> memref<1x80x128xf32, #tpu.memory_space<hbm>>
      %dma_wait3A_176 = tpu.memref_squeeze %dma_wait3A_175 : memref<1x80x128xf32, #tpu.memory_space<hbm>> -> memref<80x128xf32, #tpu.memory_space<hbm>>
      %dma_wait3A_177 = arith.constant 0 : i32
      %dma_wait3A_178 = tpu.memref_slice %arg8[%arg0, %add3A_142, %dma_wait3A_177] : memref<2x10240x128xf32, #tpu.memory_space<hbm>> -> memref<1x80x128xf32, #tpu.memory_space<hbm>>
      %dma_wait3A_179 = tpu.memref_squeeze %dma_wait3A_178 : memref<1x80x128xf32, #tpu.memory_space<hbm>> -> memref<80x128xf32, #tpu.memory_space<hbm>>
      tpu.wait_dma2 semaphore(%run_scoped3A : memref<!tpu.dma_semaphore, #tpu.memory_space<semaphore_mem>>) src(%arg16 : memref<80x128xf32, #tpu.memory_space<vmem>>) dst(%dma_wait3A_179 : memref<80x128xf32, #tpu.memory_space<hbm>>)
      tpu.yield
    }) : () -> ()
    %add3A_143 = arith.constant 240 : i32
    %add3A_144 = arith.addi %mul3A_130, %add3A_143 : i32
    "tpu.region"() ({
      %run_scoped3A = tpu.sem_alloc : memref<!tpu.dma_semaphore, #tpu.memory_space<semaphore_mem>>
      %dma_start3A = arith.constant 0 : i32
      %dma_start3A_170 = tpu.memref_slice %arg18[%add3A_144, %dma_start3A] : memref<10240x128xf32, #tpu.memory_space<vmem_shared>> -> memref<80x128xf32, #tpu.memory_space<vmem_shared>>
      %dma_start3A_171 = arith.constant 0 : i32
      %dma_start3A_172 = tpu.memref_slice %arg18[%add3A_144, %dma_start3A_171] : memref<10240x128xf32, #tpu.memory_space<vmem_shared>> -> memref<80x128xf32, #tpu.memory_space<vmem_shared>>
      tpu.enqueue_dma source(%dma_start3A_172 : memref<80x128xf32, #tpu.memory_space<vmem_shared>>) target(%arg16 : memref<80x128xf32, #tpu.memory_space<vmem>>) target_semaphore(%run_scoped3A : memref<!tpu.dma_semaphore, #tpu.memory_space<semaphore_mem>>)
      %dma_wait3A = arith.constant 0 : i32
      %dma_wait3A_173 = tpu.memref_slice %arg18[%add3A_144, %dma_wait3A] : memref<10240x128xf32, #tpu.memory_space<vmem_shared>> -> memref<80x128xf32, #tpu.memory_space<vmem_shared>>
      %dma_wait3A_174 = arith.constant 0 : i32
      %dma_wait3A_175 = tpu.memref_slice %arg18[%add3A_144, %dma_wait3A_174] : memref<10240x128xf32, #tpu.memory_space<vmem_shared>> -> memref<80x128xf32, #tpu.memory_space<vmem_shared>>
      tpu.wait_dma2 semaphore(%run_scoped3A : memref<!tpu.dma_semaphore, #tpu.memory_space<semaphore_mem>>) src(%dma_wait3A_175 : memref<80x128xf32, #tpu.memory_space<vmem_shared>>) dst(%arg16 : memref<80x128xf32, #tpu.memory_space<vmem>>)
      tpu.yield
    }) : () -> ()
    %add3A_145 = arith.constant 240 : i32
    %add3A_146 = arith.addi %mul3A_130, %add3A_145 : i32
    "tpu.region"() ({
      %run_scoped3A = tpu.sem_alloc : memref<!tpu.dma_semaphore, #tpu.memory_space<semaphore_mem>>
      %dma_start3A = arith.constant 0 : i32
      %dma_start3A_170 = tpu.memref_slice %arg8[%arg0, %add3A_146, %dma_start3A] : memref<2x10240x128xf32, #tpu.memory_space<hbm>> -> memref<1x80x128xf32, #tpu.memory_space<hbm>>
      %dma_start3A_171 = tpu.memref_squeeze %dma_start3A_170 : memref<1x80x128xf32, #tpu.memory_space<hbm>> -> memref<80x128xf32, #tpu.memory_space<hbm>>
      %dma_start3A_172 = arith.constant 0 : i32
      %dma_start3A_173 = tpu.memref_slice %arg8[%arg0, %add3A_146, %dma_start3A_172] : memref<2x10240x128xf32, #tpu.memory_space<hbm>> -> memref<1x80x128xf32, #tpu.memory_space<hbm>>
      %dma_start3A_174 = tpu.memref_squeeze %dma_start3A_173 : memref<1x80x128xf32, #tpu.memory_space<hbm>> -> memref<80x128xf32, #tpu.memory_space<hbm>>
      tpu.enqueue_dma source(%arg16 : memref<80x128xf32, #tpu.memory_space<vmem>>) target(%dma_start3A_174 : memref<80x128xf32, #tpu.memory_space<hbm>>) target_semaphore(%run_scoped3A : memref<!tpu.dma_semaphore, #tpu.memory_space<semaphore_mem>>)
      %dma_wait3A = arith.constant 0 : i32
      %dma_wait3A_175 = tpu.memref_slice %arg8[%arg0, %add3A_146, %dma_wait3A] : memref<2x10240x128xf32, #tpu.memory_space<hbm>> -> memref<1x80x128xf32, #tpu.memory_space<hbm>>
      %dma_wait3A_176 = tpu.memref_squeeze %dma_wait3A_175 : memref<1x80x128xf32, #tpu.memory_space<hbm>> -> memref<80x128xf32, #tpu.memory_space<hbm>>
      %dma_wait3A_177 = arith.constant 0 : i32
      %dma_wait3A_178 = tpu.memref_slice %arg8[%arg0, %add3A_146, %dma_wait3A_177] : memref<2x10240x128xf32, #tpu.memory_space<hbm>> -> memref<1x80x128xf32, #tpu.memory_space<hbm>>
      %dma_wait3A_179 = tpu.memref_squeeze %dma_wait3A_178 : memref<1x80x128xf32, #tpu.memory_space<hbm>> -> memref<80x128xf32, #tpu.memory_space<hbm>>
      tpu.wait_dma2 semaphore(%run_scoped3A : memref<!tpu.dma_semaphore, #tpu.memory_space<semaphore_mem>>) src(%arg16 : memref<80x128xf32, #tpu.memory_space<vmem>>) dst(%dma_wait3A_179 : memref<80x128xf32, #tpu.memory_space<hbm>>)
      tpu.yield
    }) : () -> ()
    %add3A_147 = arith.constant 320 : i32
    %add3A_148 = arith.addi %mul3A_130, %add3A_147 : i32
    "tpu.region"() ({
      %run_scoped3A = tpu.sem_alloc : memref<!tpu.dma_semaphore, #tpu.memory_space<semaphore_mem>>
      %dma_start3A = arith.constant 0 : i32
      %dma_start3A_170 = tpu.memref_slice %arg18[%add3A_148, %dma_start3A] : memref<10240x128xf32, #tpu.memory_space<vmem_shared>> -> memref<80x128xf32, #tpu.memory_space<vmem_shared>>
      %dma_start3A_171 = arith.constant 0 : i32
      %dma_start3A_172 = tpu.memref_slice %arg18[%add3A_148, %dma_start3A_171] : memref<10240x128xf32, #tpu.memory_space<vmem_shared>> -> memref<80x128xf32, #tpu.memory_space<vmem_shared>>
      tpu.enqueue_dma source(%dma_start3A_172 : memref<80x128xf32, #tpu.memory_space<vmem_shared>>) target(%arg16 : memref<80x128xf32, #tpu.memory_space<vmem>>) target_semaphore(%run_scoped3A : memref<!tpu.dma_semaphore, #tpu.memory_space<semaphore_mem>>)
      %dma_wait3A = arith.constant 0 : i32
      %dma_wait3A_173 = tpu.memref_slice %arg18[%add3A_148, %dma_wait3A] : memref<10240x128xf32, #tpu.memory_space<vmem_shared>> -> memref<80x128xf32, #tpu.memory_space<vmem_shared>>
      %dma_wait3A_174 = arith.constant 0 : i32
      %dma_wait3A_175 = tpu.memref_slice %arg18[%add3A_148, %dma_wait3A_174] : memref<10240x128xf32, #tpu.memory_space<vmem_shared>> -> memref<80x128xf32, #tpu.memory_space<vmem_shared>>
      tpu.wait_dma2 semaphore(%run_scoped3A : memref<!tpu.dma_semaphore, #tpu.memory_space<semaphore_mem>>) src(%dma_wait3A_175 : memref<80x128xf32, #tpu.memory_space<vmem_shared>>) dst(%arg16 : memref<80x128xf32, #tpu.memory_space<vmem>>)
      tpu.yield
    }) : () -> ()
    %add3A_149 = arith.constant 320 : i32
    %add3A_150 = arith.addi %mul3A_130, %add3A_149 : i32
    "tpu.region"() ({
      %run_scoped3A = tpu.sem_alloc : memref<!tpu.dma_semaphore, #tpu.memory_space<semaphore_mem>>
      %dma_start3A = arith.constant 0 : i32
      %dma_start3A_170 = tpu.memref_slice %arg8[%arg0, %add3A_150, %dma_start3A] : memref<2x10240x128xf32, #tpu.memory_space<hbm>> -> memref<1x80x128xf32, #tpu.memory_space<hbm>>
      %dma_start3A_171 = tpu.memref_squeeze %dma_start3A_170 : memref<1x80x128xf32, #tpu.memory_space<hbm>> -> memref<80x128xf32, #tpu.memory_space<hbm>>
      %dma_start3A_172 = arith.constant 0 : i32
      %dma_start3A_173 = tpu.memref_slice %arg8[%arg0, %add3A_150, %dma_start3A_172] : memref<2x10240x128xf32, #tpu.memory_space<hbm>> -> memref<1x80x128xf32, #tpu.memory_space<hbm>>
      %dma_start3A_174 = tpu.memref_squeeze %dma_start3A_173 : memref<1x80x128xf32, #tpu.memory_space<hbm>> -> memref<80x128xf32, #tpu.memory_space<hbm>>
      tpu.enqueue_dma source(%arg16 : memref<80x128xf32, #tpu.memory_space<vmem>>) target(%dma_start3A_174 : memref<80x128xf32, #tpu.memory_space<hbm>>) target_semaphore(%run_scoped3A : memref<!tpu.dma_semaphore, #tpu.memory_space<semaphore_mem>>)
      %dma_wait3A = arith.constant 0 : i32
      %dma_wait3A_175 = tpu.memref_slice %arg8[%arg0, %add3A_150, %dma_wait3A] : memref<2x10240x128xf32, #tpu.memory_space<hbm>> -> memref<1x80x128xf32, #tpu.memory_space<hbm>>
      %dma_wait3A_176 = tpu.memref_squeeze %dma_wait3A_175 : memref<1x80x128xf32, #tpu.memory_space<hbm>> -> memref<80x128xf32, #tpu.memory_space<hbm>>
      %dma_wait3A_177 = arith.constant 0 : i32
      %dma_wait3A_178 = tpu.memref_slice %arg8[%arg0, %add3A_150, %dma_wait3A_177] : memref<2x10240x128xf32, #tpu.memory_space<hbm>> -> memref<1x80x128xf32, #tpu.memory_space<hbm>>
      %dma_wait3A_179 = tpu.memref_squeeze %dma_wait3A_178 : memref<1x80x128xf32, #tpu.memory_space<hbm>> -> memref<80x128xf32, #tpu.memory_space<hbm>>
      tpu.wait_dma2 semaphore(%run_scoped3A : memref<!tpu.dma_semaphore, #tpu.memory_space<semaphore_mem>>) src(%arg16 : memref<80x128xf32, #tpu.memory_space<vmem>>) dst(%dma_wait3A_179 : memref<80x128xf32, #tpu.memory_space<hbm>>)
      tpu.yield
    }) : () -> ()
    %add3A_151 = arith.constant 400 : i32
    %add3A_152 = arith.addi %mul3A_130, %add3A_151 : i32
    "tpu.region"() ({
      %run_scoped3A = tpu.sem_alloc : memref<!tpu.dma_semaphore, #tpu.memory_space<semaphore_mem>>
      %dma_start3A = arith.constant 0 : i32
      %dma_start3A_170 = tpu.memref_slice %arg18[%add3A_152, %dma_start3A] : memref<10240x128xf32, #tpu.memory_space<vmem_shared>> -> memref<80x128xf32, #tpu.memory_space<vmem_shared>>
      %dma_start3A_171 = arith.constant 0 : i32
      %dma_start3A_172 = tpu.memref_slice %arg18[%add3A_152, %dma_start3A_171] : memref<10240x128xf32, #tpu.memory_space<vmem_shared>> -> memref<80x128xf32, #tpu.memory_space<vmem_shared>>
      tpu.enqueue_dma source(%dma_start3A_172 : memref<80x128xf32, #tpu.memory_space<vmem_shared>>) target(%arg16 : memref<80x128xf32, #tpu.memory_space<vmem>>) target_semaphore(%run_scoped3A : memref<!tpu.dma_semaphore, #tpu.memory_space<semaphore_mem>>)
      %dma_wait3A = arith.constant 0 : i32
      %dma_wait3A_173 = tpu.memref_slice %arg18[%add3A_152, %dma_wait3A] : memref<10240x128xf32, #tpu.memory_space<vmem_shared>> -> memref<80x128xf32, #tpu.memory_space<vmem_shared>>
      %dma_wait3A_174 = arith.constant 0 : i32
      %dma_wait3A_175 = tpu.memref_slice %arg18[%add3A_152, %dma_wait3A_174] : memref<10240x128xf32, #tpu.memory_space<vmem_shared>> -> memref<80x128xf32, #tpu.memory_space<vmem_shared>>
      tpu.wait_dma2 semaphore(%run_scoped3A : memref<!tpu.dma_semaphore, #tpu.memory_space<semaphore_mem>>) src(%dma_wait3A_175 : memref<80x128xf32, #tpu.memory_space<vmem_shared>>) dst(%arg16 : memref<80x128xf32, #tpu.memory_space<vmem>>)
      tpu.yield
    }) : () -> ()
    %add3A_153 = arith.constant 400 : i32
    %add3A_154 = arith.addi %mul3A_130, %add3A_153 : i32
    "tpu.region"() ({
      %run_scoped3A = tpu.sem_alloc : memref<!tpu.dma_semaphore, #tpu.memory_space<semaphore_mem>>
      %dma_start3A = arith.constant 0 : i32
      %dma_start3A_170 = tpu.memref_slice %arg8[%arg0, %add3A_154, %dma_start3A] : memref<2x10240x128xf32, #tpu.memory_space<hbm>> -> memref<1x80x128xf32, #tpu.memory_space<hbm>>
      %dma_start3A_171 = tpu.memref_squeeze %dma_start3A_170 : memref<1x80x128xf32, #tpu.memory_space<hbm>> -> memref<80x128xf32, #tpu.memory_space<hbm>>
      %dma_start3A_172 = arith.constant 0 : i32
      %dma_start3A_173 = tpu.memref_slice %arg8[%arg0, %add3A_154, %dma_start3A_172] : memref<2x10240x128xf32, #tpu.memory_space<hbm>> -> memref<1x80x128xf32, #tpu.memory_space<hbm>>
      %dma_start3A_174 = tpu.memref_squeeze %dma_start3A_173 : memref<1x80x128xf32, #tpu.memory_space<hbm>> -> memref<80x128xf32, #tpu.memory_space<hbm>>
      tpu.enqueue_dma source(%arg16 : memref<80x128xf32, #tpu.memory_space<vmem>>) target(%dma_start3A_174 : memref<80x128xf32, #tpu.memory_space<hbm>>) target_semaphore(%run_scoped3A : memref<!tpu.dma_semaphore, #tpu.memory_space<semaphore_mem>>)
      %dma_wait3A = arith.constant 0 : i32
      %dma_wait3A_175 = tpu.memref_slice %arg8[%arg0, %add3A_154, %dma_wait3A] : memref<2x10240x128xf32, #tpu.memory_space<hbm>> -> memref<1x80x128xf32, #tpu.memory_space<hbm>>
      %dma_wait3A_176 = tpu.memref_squeeze %dma_wait3A_175 : memref<1x80x128xf32, #tpu.memory_space<hbm>> -> memref<80x128xf32, #tpu.memory_space<hbm>>
      %dma_wait3A_177 = arith.constant 0 : i32
      %dma_wait3A_178 = tpu.memref_slice %arg8[%arg0, %add3A_154, %dma_wait3A_177] : memref<2x10240x128xf32, #tpu.memory_space<hbm>> -> memref<1x80x128xf32, #tpu.memory_space<hbm>>
      %dma_wait3A_179 = tpu.memref_squeeze %dma_wait3A_178 : memref<1x80x128xf32, #tpu.memory_space<hbm>> -> memref<80x128xf32, #tpu.memory_space<hbm>>
      tpu.wait_dma2 semaphore(%run_scoped3A : memref<!tpu.dma_semaphore, #tpu.memory_space<semaphore_mem>>) src(%arg16 : memref<80x128xf32, #tpu.memory_space<vmem>>) dst(%dma_wait3A_179 : memref<80x128xf32, #tpu.memory_space<hbm>>)
      tpu.yield
    }) : () -> ()
    %add3A_155 = arith.constant 480 : i32
    %add3A_156 = arith.addi %mul3A_130, %add3A_155 : i32
    "tpu.region"() ({
      %run_scoped3A = tpu.sem_alloc : memref<!tpu.dma_semaphore, #tpu.memory_space<semaphore_mem>>
      %dma_start3A = arith.constant 0 : i32
      %dma_start3A_170 = tpu.memref_slice %arg18[%add3A_156, %dma_start3A] : memref<10240x128xf32, #tpu.memory_space<vmem_shared>> -> memref<80x128xf32, #tpu.memory_space<vmem_shared>>
      %dma_start3A_171 = arith.constant 0 : i32
      %dma_start3A_172 = tpu.memref_slice %arg18[%add3A_156, %dma_start3A_171] : memref<10240x128xf32, #tpu.memory_space<vmem_shared>> -> memref<80x128xf32, #tpu.memory_space<vmem_shared>>
      tpu.enqueue_dma source(%dma_start3A_172 : memref<80x128xf32, #tpu.memory_space<vmem_shared>>) target(%arg16 : memref<80x128xf32, #tpu.memory_space<vmem>>) target_semaphore(%run_scoped3A : memref<!tpu.dma_semaphore, #tpu.memory_space<semaphore_mem>>)
      %dma_wait3A = arith.constant 0 : i32
      %dma_wait3A_173 = tpu.memref_slice %arg18[%add3A_156, %dma_wait3A] : memref<10240x128xf32, #tpu.memory_space<vmem_shared>> -> memref<80x128xf32, #tpu.memory_space<vmem_shared>>
      %dma_wait3A_174 = arith.constant 0 : i32
      %dma_wait3A_175 = tpu.memref_slice %arg18[%add3A_156, %dma_wait3A_174] : memref<10240x128xf32, #tpu.memory_space<vmem_shared>> -> memref<80x128xf32, #tpu.memory_space<vmem_shared>>
      tpu.wait_dma2 semaphore(%run_scoped3A : memref<!tpu.dma_semaphore, #tpu.memory_space<semaphore_mem>>) src(%dma_wait3A_175 : memref<80x128xf32, #tpu.memory_space<vmem_shared>>) dst(%arg16 : memref<80x128xf32, #tpu.memory_space<vmem>>)
      tpu.yield
    }) : () -> ()
    %add3A_157 = arith.constant 480 : i32
    %add3A_158 = arith.addi %mul3A_130, %add3A_157 : i32
    "tpu.region"() ({
      %run_scoped3A = tpu.sem_alloc : memref<!tpu.dma_semaphore, #tpu.memory_space<semaphore_mem>>
      %dma_start3A = arith.constant 0 : i32
      %dma_start3A_170 = tpu.memref_slice %arg8[%arg0, %add3A_158, %dma_start3A] : memref<2x10240x128xf32, #tpu.memory_space<hbm>> -> memref<1x80x128xf32, #tpu.memory_space<hbm>>
      %dma_start3A_171 = tpu.memref_squeeze %dma_start3A_170 : memref<1x80x128xf32, #tpu.memory_space<hbm>> -> memref<80x128xf32, #tpu.memory_space<hbm>>
      %dma_start3A_172 = arith.constant 0 : i32
      %dma_start3A_173 = tpu.memref_slice %arg8[%arg0, %add3A_158, %dma_start3A_172] : memref<2x10240x128xf32, #tpu.memory_space<hbm>> -> memref<1x80x128xf32, #tpu.memory_space<hbm>>
      %dma_start3A_174 = tpu.memref_squeeze %dma_start3A_173 : memref<1x80x128xf32, #tpu.memory_space<hbm>> -> memref<80x128xf32, #tpu.memory_space<hbm>>
      tpu.enqueue_dma source(%arg16 : memref<80x128xf32, #tpu.memory_space<vmem>>) target(%dma_start3A_174 : memref<80x128xf32, #tpu.memory_space<hbm>>) target_semaphore(%run_scoped3A : memref<!tpu.dma_semaphore, #tpu.memory_space<semaphore_mem>>)
      %dma_wait3A = arith.constant 0 : i32
      %dma_wait3A_175 = tpu.memref_slice %arg8[%arg0, %add3A_158, %dma_wait3A] : memref<2x10240x128xf32, #tpu.memory_space<hbm>> -> memref<1x80x128xf32, #tpu.memory_space<hbm>>
      %dma_wait3A_176 = tpu.memref_squeeze %dma_wait3A_175 : memref<1x80x128xf32, #tpu.memory_space<hbm>> -> memref<80x128xf32, #tpu.memory_space<hbm>>
      %dma_wait3A_177 = arith.constant 0 : i32
      %dma_wait3A_178 = tpu.memref_slice %arg8[%arg0, %add3A_158, %dma_wait3A_177] : memref<2x10240x128xf32, #tpu.memory_space<hbm>> -> memref<1x80x128xf32, #tpu.memory_space<hbm>>
      %dma_wait3A_179 = tpu.memref_squeeze %dma_wait3A_178 : memref<1x80x128xf32, #tpu.memory_space<hbm>> -> memref<80x128xf32, #tpu.memory_space<hbm>>
      tpu.wait_dma2 semaphore(%run_scoped3A : memref<!tpu.dma_semaphore, #tpu.memory_space<semaphore_mem>>) src(%arg16 : memref<80x128xf32, #tpu.memory_space<vmem>>) dst(%dma_wait3A_179 : memref<80x128xf32, #tpu.memory_space<hbm>>)
      tpu.yield
    }) : () -> ()
    %add3A_159 = arith.constant 560 : i32
    %add3A_160 = arith.addi %mul3A_130, %add3A_159 : i32
    "tpu.region"() ({
      %run_scoped3A = tpu.sem_alloc : memref<!tpu.dma_semaphore, #tpu.memory_space<semaphore_mem>>
      %dma_start3A = arith.constant 0 : i32
      %dma_start3A_170 = tpu.memref_slice %arg18[%add3A_160, %dma_start3A] : memref<10240x128xf32, #tpu.memory_space<vmem_shared>> -> memref<80x128xf32, #tpu.memory_space<vmem_shared>>
      %dma_start3A_171 = arith.constant 0 : i32
      %dma_start3A_172 = tpu.memref_slice %arg18[%add3A_160, %dma_start3A_171] : memref<10240x128xf32, #tpu.memory_space<vmem_shared>> -> memref<80x128xf32, #tpu.memory_space<vmem_shared>>
      tpu.enqueue_dma source(%dma_start3A_172 : memref<80x128xf32, #tpu.memory_space<vmem_shared>>) target(%arg16 : memref<80x128xf32, #tpu.memory_space<vmem>>) target_semaphore(%run_scoped3A : memref<!tpu.dma_semaphore, #tpu.memory_space<semaphore_mem>>)
      %dma_wait3A = arith.constant 0 : i32
      %dma_wait3A_173 = tpu.memref_slice %arg18[%add3A_160, %dma_wait3A] : memref<10240x128xf32, #tpu.memory_space<vmem_shared>> -> memref<80x128xf32, #tpu.memory_space<vmem_shared>>
      %dma_wait3A_174 = arith.constant 0 : i32
      %dma_wait3A_175 = tpu.memref_slice %arg18[%add3A_160, %dma_wait3A_174] : memref<10240x128xf32, #tpu.memory_space<vmem_shared>> -> memref<80x128xf32, #tpu.memory_space<vmem_shared>>
      tpu.wait_dma2 semaphore(%run_scoped3A : memref<!tpu.dma_semaphore, #tpu.memory_space<semaphore_mem>>) src(%dma_wait3A_175 : memref<80x128xf32, #tpu.memory_space<vmem_shared>>) dst(%arg16 : memref<80x128xf32, #tpu.memory_space<vmem>>)
      tpu.yield
    }) : () -> ()
    %add3A_161 = arith.constant 560 : i32
    %add3A_162 = arith.addi %mul3A_130, %add3A_161 : i32
    "tpu.region"() ({
      %run_scoped3A = tpu.sem_alloc : memref<!tpu.dma_semaphore, #tpu.memory_space<semaphore_mem>>
      %dma_start3A = arith.constant 0 : i32
      %dma_start3A_170 = tpu.memref_slice %arg8[%arg0, %add3A_162, %dma_start3A] : memref<2x10240x128xf32, #tpu.memory_space<hbm>> -> memref<1x80x128xf32, #tpu.memory_space<hbm>>
      %dma_start3A_171 = tpu.memref_squeeze %dma_start3A_170 : memref<1x80x128xf32, #tpu.memory_space<hbm>> -> memref<80x128xf32, #tpu.memory_space<hbm>>
      %dma_start3A_172 = arith.constant 0 : i32
      %dma_start3A_173 = tpu.memref_slice %arg8[%arg0, %add3A_162, %dma_start3A_172] : memref<2x10240x128xf32, #tpu.memory_space<hbm>> -> memref<1x80x128xf32, #tpu.memory_space<hbm>>
      %dma_start3A_174 = tpu.memref_squeeze %dma_start3A_173 : memref<1x80x128xf32, #tpu.memory_space<hbm>> -> memref<80x128xf32, #tpu.memory_space<hbm>>
      tpu.enqueue_dma source(%arg16 : memref<80x128xf32, #tpu.memory_space<vmem>>) target(%dma_start3A_174 : memref<80x128xf32, #tpu.memory_space<hbm>>) target_semaphore(%run_scoped3A : memref<!tpu.dma_semaphore, #tpu.memory_space<semaphore_mem>>)
      %dma_wait3A = arith.constant 0 : i32
      %dma_wait3A_175 = tpu.memref_slice %arg8[%arg0, %add3A_162, %dma_wait3A] : memref<2x10240x128xf32, #tpu.memory_space<hbm>> -> memref<1x80x128xf32, #tpu.memory_space<hbm>>
      %dma_wait3A_176 = tpu.memref_squeeze %dma_wait3A_175 : memref<1x80x128xf32, #tpu.memory_space<hbm>> -> memref<80x128xf32, #tpu.memory_space<hbm>>
      %dma_wait3A_177 = arith.constant 0 : i32
      %dma_wait3A_178 = tpu.memref_slice %arg8[%arg0, %add3A_162, %dma_wait3A_177] : memref<2x10240x128xf32, #tpu.memory_space<hbm>> -> memref<1x80x128xf32, #tpu.memory_space<hbm>>
      %dma_wait3A_179 = tpu.memref_squeeze %dma_wait3A_178 : memref<1x80x128xf32, #tpu.memory_space<hbm>> -> memref<80x128xf32, #tpu.memory_space<hbm>>
      tpu.wait_dma2 semaphore(%run_scoped3A : memref<!tpu.dma_semaphore, #tpu.memory_space<semaphore_mem>>) src(%arg16 : memref<80x128xf32, #tpu.memory_space<vmem>>) dst(%dma_wait3A_179 : memref<80x128xf32, #tpu.memory_space<hbm>>)
      tpu.yield
    }) : () -> ()
    %mul3A_163 = arith.constant 640 : i32
    %mul3A_164 = arith.muli %arg1, %mul3A_163 : i32
    "tpu.region"() ({
      %run_scoped3A = tpu.sem_alloc : memref<!tpu.dma_semaphore, #tpu.memory_space<semaphore_mem>>
      %dma_start3A = tpu.memref_slice %arg19[%mul3A_164] : memref<10240xf32, #tpu.memory_space<vmem_shared>> -> memref<640xf32, #tpu.memory_space<vmem_shared>>
      %dma_start3A_170 = tpu.memref_slice %arg19[%mul3A_164] : memref<10240xf32, #tpu.memory_space<vmem_shared>> -> memref<640xf32, #tpu.memory_space<vmem_shared>>
      tpu.enqueue_dma source(%dma_start3A_170 : memref<640xf32, #tpu.memory_space<vmem_shared>>) target(%arg17 : memref<640xf32, #tpu.memory_space<vmem>>) target_semaphore(%run_scoped3A : memref<!tpu.dma_semaphore, #tpu.memory_space<semaphore_mem>>)
      %dma_wait3A = tpu.memref_slice %arg19[%mul3A_164] : memref<10240xf32, #tpu.memory_space<vmem_shared>> -> memref<640xf32, #tpu.memory_space<vmem_shared>>
      %dma_wait3A_171 = tpu.memref_slice %arg19[%mul3A_164] : memref<10240xf32, #tpu.memory_space<vmem_shared>> -> memref<640xf32, #tpu.memory_space<vmem_shared>>
      tpu.wait_dma2 semaphore(%run_scoped3A : memref<!tpu.dma_semaphore, #tpu.memory_space<semaphore_mem>>) src(%dma_wait3A_171 : memref<640xf32, #tpu.memory_space<vmem_shared>>) dst(%arg17 : memref<640xf32, #tpu.memory_space<vmem>>)
      tpu.yield
    }) : () -> ()
    %mul3A_165 = arith.constant 10240 : i32
    %mul3A_166 = arith.muli %arg0, %mul3A_165 : i32
    %mul3A_167 = arith.constant 640 : i32
    %mul3A_168 = arith.muli %arg1, %mul3A_167 : i32
    %add3A_169 = arith.addi %mul3A_166, %mul3A_168 : i32
    "tpu.region"() ({
      %run_scoped3A = tpu.sem_alloc : memref<!tpu.dma_semaphore, #tpu.memory_space<semaphore_mem>>
      %dma_start3A = tpu.memref_slice %arg9[%add3A_169] : memref<20480xf32, #tpu.memory_space<hbm>> -> memref<640xf32, #tpu.memory_space<hbm>>
      %dma_start3A_170 = tpu.memref_slice %arg9[%add3A_169] : memref<20480xf32, #tpu.memory_space<hbm>> -> memref<640xf32, #tpu.memory_space<hbm>>
      tpu.enqueue_dma source(%arg17 : memref<640xf32, #tpu.memory_space<vmem>>) target(%dma_start3A_170 : memref<640xf32, #tpu.memory_space<hbm>>) target_semaphore(%run_scoped3A : memref<!tpu.dma_semaphore, #tpu.memory_space<semaphore_mem>>)
      %dma_wait3A = tpu.memref_slice %arg9[%add3A_169] : memref<20480xf32, #tpu.memory_space<hbm>> -> memref<640xf32, #tpu.memory_space<hbm>>
      %dma_wait3A_171 = tpu.memref_slice %arg9[%add3A_169] : memref<20480xf32, #tpu.memory_space<hbm>> -> memref<640xf32, #tpu.memory_space<hbm>>
      tpu.wait_dma2 semaphore(%run_scoped3A : memref<!tpu.dma_semaphore, #tpu.memory_space<semaphore_mem>>) src(%arg17 : memref<640xf32, #tpu.memory_space<vmem>>) dst(%dma_wait3A_171 : memref<640xf32, #tpu.memory_space<hbm>>)
      tpu.yield
    }) : () -> ()
    return
  }
}

module attributes {stable_mosaic.version = 14 : i64} {
  func.func @_tc1_body(%arg0: i32, %arg1: memref<1000x128xf32, #tpu.memory_space<vmem>>, %arg2: memref<128x128xf32, #tpu.memory_space<vmem>>, %arg3: memref<1x256xf32, #tpu.memory_space<vmem>>, %arg4: memref<1000x128xf32, #tpu.memory_space<vmem>>, %arg5: memref<1000x2xf32, #tpu.memory_space<vmem>>) attributes {dimension_semantics = [#tpu.dimension_semantics<arbitrary>], iteration_bounds = array<i64: 10>, scalar_prefetch = 0 : i64, scratch_operands = 0 : i64, tpu.core_type = #tpu.core_type<tc>, window_params = [{transform_indices = @transform_0, window_bounds = array<i64: 1000, 128>}, {pipeline_mode = #tpu.pipeline_mode<synchronous>, transform_indices = @transform_1, window_bounds = array<i64: 128, 128>}, {pipeline_mode = #tpu.pipeline_mode<synchronous>, transform_indices = @transform_2, window_bounds = array<i64: 1, 256>}, {transform_indices = @transform_3, window_bounds = array<i64: 1000, 128>}, {transform_indices = @transform_4, window_bounds = array<i64: 1000, 2>}]} {
    %get3A = arith.constant 0 : index
    %get3A_0 = arith.constant 0 : index
    %get3A_1 = vector.load %arg1[%get3A, %get3A_0] : memref<1000x128xf32, #tpu.memory_space<vmem>>, vector<1000x128xf32>
    %get3A_2 = arith.constant 0 : index
    %get3A_3 = arith.constant 0 : index
    %get3A_4 = vector.load %arg2[%get3A_2, %get3A_3] : memref<128x128xf32, #tpu.memory_space<vmem>>, vector<128x128xf32>
    %dot_general3A = arith.constant dense<0.000000e+00> : vector<1000x128xf32>
    %dot_general3A_5 = tpu.matmul %get3A_1, %get3A_4, %dot_general3A {dimension_numbers = #tpu.dot_dimension_numbers<[1], [1], [0], [0], [0, 0, 1, 0], [], []>, transpose_lhs_hint = false} : vector<1000x128xf32>, vector<128x128xf32>, vector<1000x128xf32> -> vector<1000x128xf32>
    %swap3A = arith.constant 0 : index
    %swap3A_6 = arith.constant 0 : index
    %swap3A_7 = vector.load %arg4[%swap3A, %swap3A_6] : memref<1000x128xf32, #tpu.memory_space<vmem>>, vector<1000x128xf32>
    tpu.vector_store %arg4[%swap3A, %swap3A_6], %dot_general3A_5 {strides = array<i32>} : memref<1000x128xf32, #tpu.memory_space<vmem>>, vector<1000x128xf32>,
    %get3A_8 = arith.constant 0 : index
    %get3A_9 = arith.constant 0 : index
    %get3A_10 = vector.load %arg3[%get3A_8, %get3A_9] : memref<1x256xf32, #tpu.memory_space<vmem>>, vector<1x256xf32>
    %reshape3A = vector.shape_cast %get3A_10 : vector<1x256xf32> to vector<2x128xf32>
    %dot_general3A_11 = arith.constant dense<0.000000e+00> : vector<1000x2xf32>
    %dot_general3A_12 = tpu.matmul %dot_general3A_5, %reshape3A, %dot_general3A_11 {dimension_numbers = #tpu.dot_dimension_numbers<[1], [1], [0], [0], [0, 0, 1, 0], [], []>, transpose_lhs_hint = false} : vector<1000x128xf32>, vector<2x128xf32>, vector<1000x2xf32> -> vector<1000x2xf32>
    %swap3A_13 = arith.constant 0 : index
    %swap3A_14 = arith.constant 0 : index
    %swap3A_15 = vector.load %arg5[%swap3A_13, %swap3A_14] : memref<1000x2xf32, #tpu.memory_space<vmem>>, vector<1000x2xf32>
    tpu.vector_store %arg5[%swap3A_13, %swap3A_14], %dot_general3A_12 {strides = array<i32>} : memref<1000x2xf32, #tpu.memory_space<vmem>>, vector<1000x2xf32>,
    return
  }
  func.func @transform_0(%arg0: i32) -> (i32, i32) {
    %c0_i32 = arith.constant 0 : i32
    %c0_i32_0 = arith.constant 0 : i32
    return %arg0, %c0_i32 : i32, i32
  }
  func.func @transform_1(%arg0: i32) -> (i32, i32) {
    %c0_i32 = arith.constant 0 : i32
    %c0_i32_0 = arith.constant 0 : i32
    %c0_i32_1 = arith.constant 0 : i32
    return %c0_i32, %c0_i32_0 : i32, i32
  }
  func.func @transform_2(%arg0: i32) -> (i32, i32) {
    %c0_i32 = arith.constant 0 : i32
    %c0_i32_0 = arith.constant 0 : i32
    %c0_i32_1 = arith.constant 0 : i32
    return %c0_i32, %c0_i32_0 : i32, i32
  }
  func.func @transform_3(%arg0: i32) -> (i32, i32) {
    %c0_i32 = arith.constant 0 : i32
    %c0_i32_0 = arith.constant 0 : i32
    return %arg0, %c0_i32 : i32, i32
  }
  func.func @transform_4(%arg0: i32) -> (i32, i32) {
    %c0_i32 = arith.constant 0 : i32
    %c0_i32_0 = arith.constant 0 : i32
    return %arg0, %c0_i32 : i32, i32
  }
}

module attributes {stable_mosaic.version = 14 : i64} {
  func.func @_tc2_body(%arg0: i32, %arg1: memref<2x1000x128xf32, #tpu.memory_space<vmem>>, %arg2: memref<1000x2xf32, #tpu.memory_space<vmem>>, %arg3: memref<1000x128xf32, #tpu.memory_space<vmem>>) attributes {dimension_semantics = [#tpu.dimension_semantics<arbitrary>], iteration_bounds = array<i64: 10>, scalar_prefetch = 0 : i64, scratch_operands = 0 : i64, tpu.core_type = #tpu.core_type<tc>, window_params = [{transform_indices = @transform_0, window_bounds = array<i64: 2, 1000, 128>}, {transform_indices = @transform_1, window_bounds = array<i64: 1000, 2>}, {transform_indices = @transform_2, window_bounds = array<i64: 1000, 128>}]} {
    %get3A = arith.constant 0 : index
    %get3A_0 = arith.constant 0 : index
    %get3A_1 = arith.constant 0 : index
    %get3A_2 = vector.load %arg1[%get3A, %get3A_0, %get3A_1] : memref<2x1000x128xf32, #tpu.memory_space<vmem>>, vector<1x1000x128xf32>
    %get3A_3 = vector.shape_cast %get3A_2 : vector<1x1000x128xf32> to vector<1000x128xf32>
    %get3A_4 = arith.constant 1 : index
    %get3A_5 = arith.constant 0 : index
    %get3A_6 = arith.constant 0 : index
    %get3A_7 = vector.load %arg1[%get3A_4, %get3A_5, %get3A_6] : memref<2x1000x128xf32, #tpu.memory_space<vmem>>, vector<1x1000x128xf32>
    %get3A_8 = vector.shape_cast %get3A_7 : vector<1x1000x128xf32> to vector<1000x128xf32>
    %add3A = arith.addf %get3A_3, %get3A_8 : vector<1000x128xf32>
    %get3A_9 = arith.constant 0 : index
    %get3A_10 = arith.constant 0 : index
    %get3A_11 = vector.load %arg2[%get3A_9, %get3A_10] : memref<1000x2xf32, #tpu.memory_space<vmem>>, vector<1000x2xf32>
    %slice3A = vector.extract_strided_slice %get3A_11 {offsets = [0, 0], sizes = [1000, 1], strides = [1, 1]} : vector<1000x2xf32> to vector<1000x1xf32>
    %squeeze3A = vector.shape_cast %slice3A : vector<1000x1xf32> to vector<1000xf32>
    %slice3A_12 = vector.extract_strided_slice %get3A_11 {offsets = [0, 1], sizes = [1000, 1], strides = [1, 1]} : vector<1000x2xf32> to vector<1000x1xf32>
    %squeeze3A_13 = vector.shape_cast %slice3A_12 : vector<1000x1xf32> to vector<1000xf32>
    %add3A_14 = arith.addf %squeeze3A, %squeeze3A_13 : vector<1000xf32>
    %add3A_15 = arith.constant 1.000000e-16 : f32
    %add3A_16 = vector.broadcast %add3A_15 : f32 to vector<1000xf32>
    %add3A_17 = arith.addf %add3A_14, %add3A_16 : vector<1000xf32>
    %broadcast_in_dim3A = vector.shape_cast %add3A_17 : vector<1000xf32> to vector<1000x1xf32>
    %div3A = vector.broadcast %broadcast_in_dim3A : vector<1000x1xf32> to vector<1000x128xf32>
    %div3A_18 = arith.divf %add3A, %div3A : vector<1000x128xf32>
    %max3A = arith.constant 0.000000e+00 : f32
    %max3A_19 = vector.broadcast %max3A : f32 to vector<1000x128xf32>
    %max3A_20 = arith.maximumf %div3A_18, %max3A_19 : vector<1000x128xf32>
    %swap3A = arith.constant 0 : index
    %swap3A_21 = arith.constant 0 : index
    %swap3A_22 = vector.load %arg3[%swap3A, %swap3A_21] : memref<1000x128xf32, #tpu.memory_space<vmem>>, vector<1000x128xf32>
    tpu.vector_store %arg3[%swap3A, %swap3A_21], %max3A_20 {strides = array<i32>} : memref<1000x128xf32, #tpu.memory_space<vmem>>, vector<1000x128xf32>,
    return
  }
  func.func @transform_0(%arg0: i32) -> (i32, i32, i32) {
    %c0_i32 = arith.constant 0 : i32
    %c0_i32_0 = arith.constant 0 : i32
    %c0_i32_1 = arith.constant 0 : i32
    return %c0_i32, %arg0, %c0_i32_0 : i32, i32, i32
  }
  func.func @transform_1(%arg0: i32) -> (i32, i32) {
    %c0_i32 = arith.constant 0 : i32
    %c0_i32_0 = arith.constant 0 : i32
    return %arg0, %c0_i32 : i32, i32
  }
  func.func @transform_2(%arg0: i32) -> (i32, i32) {
    %c0_i32 = arith.constant 0 : i32
    %c0_i32_0 = arith.constant 0 : i32
    return %arg0, %c0_i32 : i32, i32
  }
}

</mosaic_0001>

<sc_bundles>
// kernel: kernel.5.cloned.1.call-start
scs
__scs_entry_jumppad:
0x0: {  	(pc) =	sbr.rel $0x88, $3  }
0x1: {  	(tag) =	ssettag $0x0;
	lr =	simm.s32 $0x1  }
0x2: {  	[smem:$0x3F9C] =	sst lr;
	_ =	strace $0xD0000000  }
0x3: {  	_ = 	snop  }
0x4: {  	_ = 	snop  }
0x5: {  	_ = 	snop  }
0x6: {  	_ = 	snop  }
0x7: {  	_ = 	snop  }
__scs_overlays_trampoline_lowered:
0x8: {  	[smem:$0x3FAB] =	sst s0  }
0x9: {  	[smem:$0x3FAC] =	sst s1  }
0xa: {  	[smem:$0x3FAD] =	sst s2  }
0xb: {  	[smem:$0x3FAE] =	sst s3  }
0xc: {  	[smem:$0x3FAF] =	sst s4  }
0xd: {  	[smem:$0x3FB0] =	sst s5  }
0xe: {  	[smem:$0x3FB1] =	sst s6  }
0xf: {  	[smem:$0x3FB2] =	sst s7  }
0x10: {  	[smem:$0x3FB3] =	sst s8  }
0x11: {  	[smem:$0x3FB4] =	sst s9;
	s0 =	simm.s32 @!p0 $0x0  }
0x12: {  	s1 =	sld [smem:$0x3F9A];
	s0 =	simm.s32 @p0 $0x1  }
0x13: {  	[smem:$0x3FB5] =	sst s0;
	s0 =	simm.s32 @!p1 $0x0  }
0x14: {  	s2 =	sld [smem:$0x3F99];
	s0 =	simm.s32 @p1 $0x1  }
0x15: {  	[smem:$0x3FB6] =	sst s0;
	s0 =	simm.s32 @!p2 $0x0  }
0x16: {  	s3 =	sld [smem:$0x3FDB];
	s0 =	simm.s32 @p2 $0x1  }
0x17: {  	s4 =	simm.s32 $0x1BF5;
	[smem:$0x3FB8] =	sst s0  }
0x18: {  	s0 =	sld [smem:$0x3F9B];
	_ =	swait.ge [sflag:s4], $0x0  }
0x19: {  	s7 =	sld [smem:$0x3F9C]  }
0x1a: {  	s8 =	sadd.s32 $0xFFFFE003, lr  }
0x1b: {  	s9 =	sadd.s32 $0xFFFFFEF7, lr;
	s5 =	simm.s32 $0xFFFFFFFF;
	p2 =	slt.u32 s8, $0xFFFFF086  }
0x1c: {  	p1 =	slt.u32 s9, $0xF7A;
	s5 =	simm.s32 @!p2 $0x0  }
0x1d: {  	s5 =	simm.s32 @p1 $0x1;
	p0 =	seq.s32 s7, s2  }
0x1e: {  	s7 =	smul.u32 @!p0 $0xF7A, s2;
	p2 =	seq.s32 @!p0 s5, $0x0  }
0x1f: {  	s9 =	smul.u32 $0xF7A, s1;
	s8 =	simm.s32 @!p0 $0x1BF5;
	p2 =	por !p2, p0  }
0x20: {  	[sflag:s8] =	ssyncset.s32 @!p0 $0xFFFFF086;
	s6 =	sadd.s32 @!p0 s3, s7;
	s7 =	simm.s32 @!p0 $0x108  }
0x21: {  	s3 =	sadd.s32 s3, s9;
	s6 =	sadd.s32 @!p0 $0x88, s6;
	s7 =	simm.s32 @p2 $0x1082  }
0x22: {  	[simem:s7], [sflag:s8] =	dma.local @!p0 [hbm:s6], $0xF7A  }
0x23: {  	s9 =	sor.u32 $0xD0000000, s2;
	s6 =	simm.s32 $0x108;
	_ =	swait.ge @!p0 [sflag:s8], $0x0  }
0x24: {  	s3 =	sadd.s32 $0x88, s3;
	s6 =	simm.s32 @!p1 $0x1082;
	[sflag:s4] =	ssyncset.s32 $0xFFFFF086  }
0x25: {  	[simem:s6], [sflag:s4] =	dma.local [hbm:s3], $0xF7A  }
0x26: {  	[smem:$0x3F9C] =	sst s1;
	(tag) =	ssettag s2;
	_ =	strace s9  }
0x27: {  	s1 =	sld [smem:$0x3FAC]  }
0x28: {  	s2 =	sld [smem:$0x3FAD]  }
0x29: {  	s4 =	sld [smem:$0x3FAF]  }
0x2a: {  	p0 =	seq.s32 s5, $0x0;
	s5 =	sld [smem:$0x3FB0]  }
0x2b: {  	s6 =	sld [smem:$0x3FB1]  }
0x2c: {  	s7 =	sld [smem:$0x3FB2]  }
0x2d: {  	s3 =	simm.s32 $0x108;
	s8 =	sld [smem:$0x3FB3]  }
0x2e: {  	s3 =	simm.s32 @!p0 $0x1082;
	s9 =	sld [smem:$0x3FB4]  }
0x2f: {  	lr =	sadd.s32 s0, s3;
	s0 =	sld [smem:$0x3FAB]  }
0x30: {  	s3 =	sld [smem:$0x3FAE]  }
0x31: {  	[smem:$0x3FB7] =	sst s10  }
0x32: {  	s10 =	sld [smem:$0x3FB5];
	_ =	sdelay $0x3  }
0x33: {  	p0 =	seq.s32 s10, $0x1;
	s10 =	sld [smem:$0x3FB7];
	_ =	sdelay $0x3  }
0x34: {  	[smem:$0x3FB7] =	sst s10  }
0x35: {  	s10 =	sld [smem:$0x3FB6];
	_ =	sdelay $0x3  }
0x36: {  	p1 =	seq.s32 s10, $0x1;
	s10 =	sld [smem:$0x3FB7];
	_ =	sdelay $0x3  }
0x37: {  	[smem:$0x3FB7] =	sst s10  }
0x38: {  	s10 =	sld [smem:$0x3FB8]  }
0x39: {  	_ = 	snop;
	(pc) =	sbr.ind lr, $3  }
0x3a: {  	_ = 	snop  }
0x3b: {  	_ = 	snop  }
0x3c: {  	p2 =	seq.s32 s10, $0x1;
	s10 =	sld [smem:$0x3FB7]  }
0x3d: {  	_ =	shalt  }
0x3e: {  	_ =	shalt  }
0x3f: {  	_ =	shalt  }
0x40: {  	_ =	shalt  }
0x41: {  	_ =	shalt  }
0x42: {  	_ =	shalt  }
0x43: {  	_ =	shalt  }
0x44: {  	_ =	shalt  }
0x45: {  	_ =	shalt  }
0x46: {  	_ =	shalt  }
0x47: {  	_ =	shalt  }
0x48: {  	_ =	shalt  }
0x49: {  	_ =	shalt  }
0x4a: {  	_ =	shalt  }
0x4b: {  	_ =	shalt  }
0x4c: {  	_ =	shalt  }
0x4d: {  	_ =	shalt  }
0x4e: {  	_ =	shalt  }
0x4f: {  	_ =	shalt  }
0x50: {  	_ =	shalt  }
0x51: {  	_ =	shalt  }
0x52: {  	_ =	shalt  }
0x53: {  	_ =	shalt  }
0x54: {  	_ =	shalt  }
0x55: {  	_ =	shalt  }
0x56: {  	_ =	shalt  }
0x57: {  	_ =	shalt  }
0x58: {  	_ =	shalt  }
0x59: {  	_ =	shalt  }
0x5a: {  	_ =	shalt  }
0x5b: {  	_ =	shalt  }
0x5c: {  	_ =	shalt  }
0x5d: {  	_ =	shalt  }
0x5e: {  	_ =	shalt  }
0x5f: {  	_ =	shalt  }
0x60: {  	_ =	shalt  }
0x61: {  	_ =	shalt  }
0x62: {  	_ =	shalt  }
0x63: {  	_ =	shalt  }
0x64: {  	_ =	shalt  }
0x65: {  	_ =	shalt  }
0x66: {  	_ =	shalt  }
0x67: {  	_ =	shalt  }
0x68: {  	_ =	shalt  }
0x69: {  	_ =	shalt  }
0x6a: {  	_ =	shalt  }
0x6b: {  	_ =	shalt  }
0x6c: {  	_ =	shalt  }
0x6d: {  	_ =	shalt  }
0x6e: {  	_ =	shalt  }
0x6f: {  	_ =	shalt  }
0x70: {  	_ =	shalt  }
0x71: {  	_ =	shalt  }
0x72: {  	_ =	shalt  }
0x73: {  	_ =	shalt  }
0x74: {  	_ =	shalt  }
0x75: {  	_ =	shalt  }
0x76: {  	_ =	shalt  }
0x77: {  	_ =	shalt  }
0x78: {  	_ =	shalt  }
0x79: {  	_ =	shalt  }
0x7a: {  	_ =	shalt  }
0x7b: {  	_ =	shalt  }
0x7c: {  	_ =	shalt  }
0x7d: {  	_ =	shalt  }
0x7e: {  	_ =	shalt  }
0x7f: {  	_ =	shalt  }
0x80: {  	_ =	shalt  }
0x81: {  	_ =	shalt  }
0x82: {  	_ =	shalt  }
0x83: {  	_ =	shalt  }
0x84: {  	_ =	shalt  }
0x85: {  	_ =	shalt  }
0x86: {  	_ =	shalt  }
0x87: {  	_ =	shalt  }
.Lfunc_end0:
.L_simem_size_0:
called_computation_lowered:
.L_overlay_start_0:
0x88: {  	s2 =	sld [smem:$0x3FD9]  }
0x89: {  	s3 =	sld [smem:$0x3FFE];
	_ =	sdelay $0x1  }
0x8a: {  	s1 =	srdreg.scid  }
0x8b: {  	s0 =	sand.u32 $0x1, s1  }
0x8c: {  	s17 =	sshll.u32 s0, $0xA;
	s2 =	sadd.s32 s3, s2  }
0x8d: {  	s2 =	sadd.s32 s2, s17  }
0x8e: {  	[smem:$0x3FC3] =	sst s2  }
0x8f: {  	_ = 	snop  }
0x90: {  	s2 =	sld [smem:$0x3FC7]  }
0x91: {  	s18 =	sld [smem:$0x3FD0];
	(tm) =	ssettm $0x1  }
0x92: {  	s4 =	sld [smem:$0x3FFB];
	_ =	sdelay $0x3  }
0x93: {  	_ =	strace s4  }
0x94: {  	s4 =	sld [smem:$0x3FFC];
	_ =	sdelay $0x3  }
0x95: {  	_ =	strace s4  }
0x96: {  	s4 =	sld [smem:$0x3FFD];
	_ =	sdelay $0x3  }
0x97: {  	_ =	strace s4  }
0x98: {  	_ =	strace $0x8FFFFFFF  }
0x99: {  	s19 =	sld [smem:$0x3FDB];
	_ =	sdelay $0x1  }
0x9a: {  	s5 =	simm.s32 $_scs_section_size  }
0x9b: {  	s6 =	simm.s32 $_size__tile_overlayer_lowered;
	s7 =	simm.s32 $_tile_overlayer_lowered  }
0x9c: {  	s22 =	simm.s32 $0x1BFF;
	s21 =	sshll.u32 s7, $0x1;
	s4 =	sadd.s32 s5, s19  }
0x9d: {  	s8 =	simm.s32 $0x0;
	s20 =	sshll.u32 s6, $0x1;
	s6 =	sadd.s32 s21, s4  }
0x9e: {  	[timem:s8], [sflag:s22] =	dma.local [hbm:s6], s20  }
0x9f: {  	_ =	swait.ge [sflag:s22], s20  }
0xa0: {  	s5 =	ssub.s32 $0x0, s20;
	[sflag:s22] =	ssyncset.done $0x0  }
0xa1: {  	[sflag:s22] =	ssyncadd.s32 s5;
	_ =	sdelay $0x1  }
0xa2: {  	s23 =	simm.s32 $0x1B8B  }
0xa3: {  	_ =	swait.ge [sflag:s23], $0x1  }
0xa4: {  	[sflag:s23] =	ssyncset.done $0x0  }
0xa5: {  	s25 =	simm.s32 $0x1B8E;
	s24 =	sld [smem:$0x3FFE];
	[sflag:s23] =	ssyncadd.s32 $0xFFFFFFFF  }
0xa6: {  	s26 =	simm.s32 $execute0_lowered;
	[smem:$0x3FD2] =	sst s25  }
0xa7: {  	s6 =	sshll.u32 s26, $0x1;
	_ =	strace $0x80000046;
	[dreg:$0x1] =	wrdreg $0xFFFFFFFF  }
0xa8: {  	s28 =	simm.s32 $_size_execute0_lowered;
	s4 =	sadd.s32 s4, s6;
	[dreg:$0x0] =	wrdreg $0x0  }
0xa9: {  	s6 =	sshll.u32 s28, $0x1;
	[dreg:$0x2] =	wrdreg s4  }
0xaa: {  	[dreg:$0x3] =	wrdreg s6  }
0xab: {  	[dreg:$0x4] =	wrdreg $0xC0  }
0xac: {  	_ =	task [dreg:s8], $0x5FFFF  }
0xad: {  	[dreg:$0x1] =	wrdreg $0xFFFFFFFF  }
0xae: {  	[dreg:$0x0] =	wrdreg $0x60  }
0xaf: {  	[dreg:$0x2] =	wrdreg s24  }
0xb0: {  	[dreg:$0x3] =	wrdreg s2  }
0xb1: {  	[dreg:$0x4] =	wrdreg s18  }
0xb2: {  	[dreg:$0x5] =	wrdreg $0x7B800  }
0xb3: {  	[dreg:$0x6] =	wrdreg $0x1BB800  }
0xb4: {  	[dreg:$0x7] =	wrdreg $0x9  }
0xb5: {  	_ =	task.clear_ibuf [dreg:s8], $0x8FFFF;
	_ =	strace $0x90000046  }
0xb6: {  	s29 =	simm.s32 $0x9;
	_ =	strace $0x80000048  }
0xb7: {  	_ =	swait.ge [sflag:s29], $0x1  }
0xb8: {  	[sflag:s29] =	ssyncadd.s32 $0xFFFFFFFF  }
0xb9: {  	_ =	strace $0x90000048  }
0xba: {  	_ =	sfence  }
0xbb: {  	s30 =	sld [smem:$0x0];
	_ =	sdelay $0x2  }
0xbc: {  	s31 =	sshll.u32 s1, $0xD;
	s1 =	sshrl.u32 s1, $0x2  }
0xbd: {  	s3 =	sand.u32 $0x4000, s31;
	s1 =	sadd.s32 s1, s30  }
0xbe: {  	s0 =	sor.u32 s3, s0;
	s1 =	sshll.u32 s1, $0x11  }
0xbf: {  	s0 =	sor.u32 s1, s0  }
0xc0: {  	s0 =	sadd.s32 $0x8F2B, s0  }
0xc1: {  	[sflag:s0] =	ssyncadd.remote.s32 $0x1  }
0xc2: {  	_ =	sfence.sel $0xFFFF  }
0xc3: {  	[dreg:$0x0] =	wrdreg $0xFFFFFFFF;
	(pc) =	sbr.abs _section_cstart, $3  }
0xc4: {  	[dreg:$0x1] =	wrdreg $0xFFFFFFFF  }
0xc5: {  	_ =	task.clear_ibuf [dreg:s8], $0x2FFFF;
	_ =	strace $0x9FFFFFFF  }
0xc6: {  	(tm) =	ssettm $0x7FFFFFFF  }
0xc7: {  	_ =	shalt  }
tec
execute0_lowered:
.L_overlay_start_1:
0x0: {  	(tag) =	ssettag $0x1  }
0x1: {  	s6 =	rddreg [dreg:$0x0]  }
0x2: {  	s1 =	rddreg [dreg:$0x1]  }
0x3: {  	s2 =	rddreg [dreg:$0x2];
	s0 =	srdreg.scid  }
0x4: {  	s20 =	stileid.u32;
	s3 =	rddreg [dreg:$0x3]  }
0x5: {  	s4 =	rddreg [dreg:$0x4];
	s7 =	sand.u32 $0x1, s0;
	s0 =	smul.u32 $0x280, s20  }
0x6: {  	s5 =	simm.s32 $0x0;
	s9 =	sadd.s32 $0x15400, s6;
	s15 =	smul.u32 $0x14000, s20  }
0x7: {  	[smem:$0x7FF] =	sst s5;
	s8 =	ssub.s32 $0x2, s7;
	s12 =	smul.u32 $0x140000, s7  }
0x8: {  	s10 =	sshrl.u32 s8, $0x1;
	s11 =	sshll.u32 s0, $0x7;
	s29 =	sadd.s32 s0, s4  }
0x9: {  	s8 =	ssub.s32 s8, s10;
	s10 =	sor.u32 $0x2800, s11;
	s13 =	sadd.s32 $0x5000, s11  }
0xa: {  	s14 =	sadd.s32 $0x7800, s11;
	s17 =	sadd.s32 $0xA000, s11;
	s18 =	sadd.s32 $0xC800, s11  }
0xb: {  	s26 =	sadd.s32 $0xF000, s11;
	s11 =	sadd.s32 $0x11800, s11;
	s15 =	sadd.s32 s15, s12  }
0xc: {  	s16 =	sadd.s32 s12, s10;
	s15 =	sshrl.u32 s15, $0x3;
	s19 =	sadd.s32 s12, s13  }
0xd: {  	s21 =	sadd.s32 s12, s18;
	s30 =	sadd.s32 s10, s3;
	s31 =	sadd.s32 s13, s3  }
0xe: {  	s28 =	sadd.s32 s11, s3;
	s10 =	simm.s32 $0x100;
	s13 =	simm.s32 $0x1  }
0xf: {  	s16 =	sshrl.u32 s16, $0x3;
	s15 =	sadd.s32 s9, s15;
	s25 =	sshrl.u32 s19, $0x3  }
0x10: {  	s19 =	sadd.s32 s12, s17;
	s23 =	sshrl.u32 s21, $0x3;
	s21 =	sadd.s32 s14, s3  }
0x11: {  	[dreg:$0x6] =	wrdreg s15;
	s24 =	sadd.s32 s9, s16;
	s15 =	sadd.s32 s9, s25  }
0x12: {  	s16 =	sadd.s32 s12, s14;
	s25 =	smul.u32 $0x2800, s7;
	[dreg:$0x7] =	wrdreg s24  }
0x13: {  	s7 =	sshll.u32 s7, $0x4;
	s14 =	simm.s32 $0x180;
	[dreg:$0x8] =	wrdreg s15  }
0x14: {  	s15 =	sshrl.u32 s16, $0x3;
	s16 =	sshrl.u32 s19, $0x3;
	s24 =	sadd.s32 s12, s26  }
0x15: {  	s12 =	sadd.s32 s12, s11;
	s19 =	smul.u32 $0x50000, s20;
	s7 =	sor.u32 s20, s7  }
0x16: {  	s20 =	sadd.s32 $0x14400, s6;
	s26 =	sadd.s32 s26, s3;
	s11 =	simm.s32 $0x50  }
0x17: {  	s15 =	sadd.s32 s9, s15;
	s22 =	sadd.s32 s9, s16;
	s12 =	sshrl.u32 s12, $0x3  }
0x18: {  	s16 =	sadd.s32 s0, s25;
	s25 =	sadd.s32 s18, s3;
	[dreg:$0x9] =	wrdreg s15  }
0x19: {  	s0 =	simm.s32 $0x2;
	[dreg:$0xa] =	wrdreg s22;
	s15 =	sadd.s32 s9, s23  }
0x1a: {  	s22 =	sadd.s32 s17, s3;
	[dreg:$0xb] =	wrdreg s15;
	s15 =	sshrl.u32 s24, $0x3  }
0x1b: {  	s17 =	simm.s32 $0x0;
	s24 =	smax.u32 s8, $0x1;
	s15 =	sadd.s32 s9, s15  }
0x1c: {  	s9 =	sadd.s32 s9, s12;
	s12 =	sshrl.u32 s19, $0x2;
	[dreg:$0xc] =	wrdreg s15  }
0x1d: {  	s19 =	smul.u32 $0x2710, s7;
	s7 =	simm.s32 $0x5100;
	[dreg:$0xd] =	wrdreg s9  }
0x1e: {  	s9 =	sshrl.u32 s16, $0x3;
	_ =	strace $0x80000047;
	[dreg:$0xe] =	wrdreg s20  }
0x1f: {  	s15 =	sadd.s32 $0xA000, s6;
	s16 =	sadd.s32 $0x200, s6;
	[dreg:$0x10] =	wrdreg s21  }
0x20: {  	s9 =	sadd.s32 s9, s6;
	s6 =	sadd.s32 $0x13E00, s6;
	[dreg:$0x13] =	wrdreg s22  }
0x21: {  	s20 =	sadd.s32 s12, s3;
	[dreg:$0x12] =	wrdreg s24;
	s12 =	simm.s32 $0x200  }
0x22: {  	s24 =	simm.s32 $0x7900;
	[dreg:$0xf] =	wrdreg s6;
	s23 =	sadd.s32 $0x14A00, s9  }
0x23: {  	v0 =	vimm.f32 $0.0e+00;
	s6 =	simm.s32 $0x2980;
	s9 =	simm.s32 $0x80;
	[dreg:$0x11] =	wrdreg s23  }
.LBB2_1:
0x24: {  	s8 =	rddreg [dreg:$0xe]  }
0x25: {  	[tilespmem:s12], [sflag:$0x2] =	stream.linear.gather [hbm4b:s8+s5], $0x2780, $0x38;
	[tilespmem:$0x1BE00] =	vst v63  }
0x26: {  	_ =	swait.ge [sflag:s0], $0x2780  }
0x27: {  	[sflag:s0] =	ssyncset.done $0x0  }
0x28: {  	s23 =	rddreg [dreg:$0xf];
	[sflag:s0] =	ssyncadd.s32 $0xFFFFD880  }
0x29: {  	[tilespmem:s6], [sflag:$0x2] =	stream.linear.gather [hbm4b:s23+s5], $0x2780, $0x38;
	[tilespmem:$0x1BE00] =	vst v63  }
0x2a: {  	_ =	swait.ge [sflag:s0], $0x2780  }
0x2b: {  	[sflag:s0] =	ssyncset.done $0x0  }
0x2c: {  	s18 =	simm.s32 $0x200;
	s8 =	simm.s32 $0x0;
	[sflag:s0] =	ssyncadd.s32 $0xFFFFD880  }
.LBB2_2:
0x2d: {  	p0 =	sne.s32 s18, $0x9E00;
	[tilespmem:s8+$0x5170] =	vst v0  }
0x2e: {  	[tilespmem:s8+$0x5100] =	vst v0  }
0x2f: {  	[tilespmem:s8+$0x5110] =	vst v0  }
.Ltmp0:
0x30: {  	[tilespmem:s8+$0x5120] =	vst v0;
	(pc) =	sbr.rel @p0 .LBB2_2-.Ltmp0, $4  }
0x31: {  	[tilespmem:s8+$0x5130] =	vst v0  }
0x32: {  	[tilespmem:s8+$0x5140] =	vst v0  }
0x33: {  	[tilespmem:s8+$0x5150] =	vst v0  }
0x34: {  	[tilespmem:s8+$0x5160] =	vst v0;
	s8 =	sshra.s32 s18, $0x2;
	s18 =	sadd.s32 $0x200, s18  }
0x35: {  	[tilespmem:s8+$0x5170] =	vst v0  }
0x36: {  	[tilespmem:s8+$0x5100] =	vst v0  }
0x37: {  	[tilespmem:s8+$0x5110] =	vst v0  }
0x38: {  	[tilespmem:s8+$0x5120] =	vst v0  }
0x39: {  	[tilespmem:s8+$0x5130] =	vst v0  }
0x3a: {  	[tilespmem:s8+$0x5140] =	vst v0  }
0x3b: {  	[tilespmem:s8+$0x5150] =	vst v0  }
0x3c: {  	[tilespmem:s8+$0x5160] =	vst v0  }
0x3d: {  	[tilespmem:$0x7900] =	vst v0  }
0x3e: {  	[tilespmem:$0x7910] =	vst v0  }
0x3f: {  	[tilespmem:$0x7920] =	vst v0  }
0x40: {  	[tilespmem:$0x7930] =	vst v0  }
0x41: {  	[tilespmem:$0x7940] =	vst v0  }
0x42: {  	[tilespmem:$0x7950] =	vst v0  }
0x43: {  	[tilespmem:$0x7960] =	vst v0  }
0x44: {  	[tilespmem:$0x7970] =	vst v0  }
0x45: {  	[tilespmem:$0x7980] =	vst v0  }
0x46: {  	[tilespmem:$0x7990] =	vst v0  }
0x47: {  	[tilespmem:$0x79A0] =	vst v0  }
0x48: {  	[tilespmem:$0x79B0] =	vst v0  }
0x49: {  	[tilespmem:$0x79C0] =	vst v0  }
0x4a: {  	[tilespmem:$0x79D0] =	vst v0  }
0x4b: {  	[tilespmem:$0x79E0] =	vst v0  }
0x4c: {  	[tilespmem:$0x79F0] =	vst v0  }
0x4d: {  	[tilespmem:$0x7A00] =	vst v0  }
0x4e: {  	[tilespmem:$0x7A10] =	vst v0  }
0x4f: {  	[tilespmem:$0x7A20] =	vst v0  }
0x50: {  	[tilespmem:$0x7A30] =	vst v0  }
0x51: {  	[tilespmem:$0x7A40] =	vst v0  }
0x52: {  	[tilespmem:$0x7A50] =	vst v0  }
0x53: {  	[tilespmem:$0x7A60] =	vst v0  }
0x54: {  	[tilespmem:$0x7A70] =	vst v0  }
0x55: {  	[tilespmem:$0x7A80] =	vst v0  }
0x56: {  	[tilespmem:$0x7A90] =	vst v0  }
0x57: {  	[tilespmem:$0x7AA0] =	vst v0  }
0x58: {  	[tilespmem:$0x7AB0] =	vst v0  }
0x59: {  	[tilespmem:$0x7AC0] =	vst v0  }
0x5a: {  	[tilespmem:$0x7AD0] =	vst v0  }
0x5b: {  	[tilespmem:$0x7AE0] =	vst v0  }
0x5c: {  	[tilespmem:$0x7AF0] =	vst v0  }
0x5d: {  	[tilespmem:$0x7B00] =	vst v0  }
0x5e: {  	[tilespmem:$0x7B10] =	vst v0  }
0x5f: {  	[tilespmem:$0x7B20] =	vst v0  }
0x60: {  	[tilespmem:$0x7B30] =	vst v0  }
0x61: {  	[tilespmem:$0x7B40] =	vst v0  }
0x62: {  	[tilespmem:$0x7B50] =	vst v0  }
0x63: {  	[tilespmem:$0x7B60] =	vst v0  }
0x64: {  	[tilespmem:$0x7B70] =	vst v0  }
0x65: {  	[spmem:s20] =	stream.linear.scatter [tilespmem:s7], [sflag:$0x2], $0x2800, $0x38;
	[tilespmem:$0x1BE00] =	vst v63  }
0x66: {  	_ =	swait.ge [sflag:s0], $0x2800  }
0x67: {  	[sflag:s0] =	ssyncset.done $0x0  }
0x68: {  	[sflag:s0] =	ssyncadd.s32 $0xFFFFD800  }
0x69: {  	[spmem:s30] =	stream.linear.scatter [tilespmem:s7], [sflag:$0x2], $0x2800, $0x38;
	[tilespmem:$0x1BE00] =	vst v63  }
0x6a: {  	_ =	swait.ge [sflag:s0], $0x2800  }
0x6b: {  	[sflag:s0] =	ssyncset.done $0x0  }
0x6c: {  	[sflag:s0] =	ssyncadd.s32 $0xFFFFD800  }
0x6d: {  	[spmem:s31] =	stream.linear.scatter [tilespmem:s7], [sflag:$0x2], $0x2800, $0x38;
	[tilespmem:$0x1BE00] =	vst v63  }
0x6e: {  	_ =	swait.ge [sflag:s0], $0x2800  }
0x6f: {  	[sflag:s0] =	ssyncset.done $0x0  }
0x70: {  	s21 =	smov.u32 s20;
	s20 =	rddreg [dreg:$0x10];
	[sflag:s0] =	ssyncadd.s32 $0xFFFFD800  }
0x71: {  	[spmem:s20] =	stream.linear.scatter [tilespmem:s7], [sflag:$0x2], $0x2800, $0x38;
	[tilespmem:$0x1BE00] =	vst v63  }
0x72: {  	_ =	swait.ge [sflag:s0], $0x2800  }
0x73: {  	[sflag:s0] =	ssyncset.done $0x0  }
0x74: {  	s23 =	smov.u32 s31;
	s31 =	rddreg [dreg:$0x13];
	[sflag:s0] =	ssyncadd.s32 $0xFFFFD800  }
0x75: {  	[spmem:s31] =	stream.linear.scatter [tilespmem:s7], [sflag:$0x2], $0x2800, $0x38;
	[tilespmem:$0x1BE00] =	vst v63  }
0x76: {  	_ =	swait.ge [sflag:s0], $0x2800  }
0x77: {  	[sflag:s0] =	ssyncset.done $0x0  }
0x78: {  	[sflag:s0] =	ssyncadd.s32 $0xFFFFD800  }
0x79: {  	[spmem:s25] =	stream.linear.scatter [tilespmem:s7], [sflag:$0x2], $0x2800, $0x38;
	[tilespmem:$0x1BE00] =	vst v63  }
0x7a: {  	_ =	swait.ge [sflag:s0], $0x2800  }
0x7b: {  	[sflag:s0] =	ssyncset.done $0x0  }
0x7c: {  	[sflag:s0] =	ssyncadd.s32 $0xFFFFD800  }
0x7d: {  	[spmem:s26] =	stream.linear.scatter [tilespmem:s7], [sflag:$0x2], $0x2800, $0x38;
	[tilespmem:$0x1BE00] =	vst v63  }
0x7e: {  	_ =	swait.ge [sflag:s0], $0x2800  }
0x7f: {  	[sflag:s0] =	ssyncset.done $0x0  }
0x80: {  	[sflag:s0] =	ssyncadd.s32 $0xFFFFD800  }
0x81: {  	[spmem:s28] =	stream.linear.scatter [tilespmem:s7], [sflag:$0x2], $0x2800, $0x38;
	[tilespmem:$0x1BE00] =	vst v63  }
0x82: {  	_ =	swait.ge [sflag:s0], $0x2800  }
0x83: {  	[sflag:s0] =	ssyncset.done $0x0  }
0x84: {  	[sflag:s0] =	ssyncadd.s32 $0xFFFFD800  }
0x85: {  	[spmem:s29] =	stream.linear.scatter [tilespmem:s24], [sflag:$0x2], $0x280, $0x38;
	[tilespmem:$0x1BE00] =	vst v63  }
0x86: {  	_ =	swait.ge [sflag:s0], $0x280  }
0x87: {  	[sflag:s0] =	ssyncset.done $0x0  }
0x88: {  	s22 =	smov.u32 s30;
	[sflag:s0] =	ssyncadd.s32 $0xFFFFFD80  }
0x89: {  	s18 =	simm.s32 $0x0;
	s30 =	simm.s32 $0x0;
	[bflag:$0x0] =	sbarrier.arrive $0xFFFF  }
.LBB2_4:
0x8a: {  	s8 =	smul.u32 $0x50, s30;
	_ =	sdelay $0x1  }
0x8b: {  	s8 =	sadd.s32 s19, s8  }
0x8c: {  	s8 =	sshrl.u32 s8, $0x3  }
0x8d: {  	s31 =	sadd.s32 s15, s8  }
0x8e: {  	[tilespmem:s18], [sflag:$0x2] =	stream.linear.gather [hbm4b:s31+s18], $0x50, $0x38;
	[tilespmem:$0x1BE00] =	vst v63  }
0x8f: {  	_ =	swait.ge [sflag:s0], $0x50  }
0x90: {  	[sflag:s0] =	ssyncset.done $0x0  }
0x91: {  	s31 =	sadd.s32 s16, s8;
	[sflag:s0] =	ssyncadd.s32 $0xFFFFFFB0  }
0x92: {  	[tilespmem:s9], [sflag:$0x2] =	stream.linear.gather [hbm4b:s31+s18], $0x50, $0x38;
	[tilespmem:$0x1BE00] =	vst v63  }
0x93: {  	_ =	swait.ge [sflag:s0], $0x50  }
0x94: {  	[sflag:s0] =	ssyncset.done $0x0  }
0x95: {  	s8 =	sadd.s32 s1, s8;
	[sflag:s0] =	ssyncadd.s32 $0xFFFFFFB0  }
0x96: {  	[tilespmem:s10], [sflag:$0x2] =	stream.linear.gather [hbm4b:s8+s18], $0x50, $0x38;
	[tilespmem:$0x1BE00] =	vst v63  }
0x97: {  	_ =	swait.ge [sflag:s0], $0x50  }
0x98: {  	[sflag:s0] =	ssyncset.done $0x0  }
0x99: {  	[sflag:s0] =	ssyncadd.s32 $0xFFFFFFB0  }
0x9a: {  	v1 =	vld [tilespmem:$0x80]  }
0x9b: {  	v2 =	vld [tilespmem:$0x0];
	_ =	sdelay $0x6  }
0x9c: {  	v1 =	vld.idx.msk [tilespmem:v1+s12+$0x0], $0xffff  }
0x9d: {  	v2 =	vld.idx.msk [tilespmem:v2+s6+$0x0], $0xffff;
	_ =	sdelay $0x4  }
0x9e: {  	v1 =	vadd.f32 v2, v1;
	v2 =	vld [tilespmem:$0x100];
	_ =	sdelay $0x1  }
0x9f: {  	v3 =	vmul.f32 $2.000000030e-01, v1;
	_ =	sdelay $0x1  }
0xa0: {  	v1 =	vmax.f32 v1, v3  }
0xa1: {  	v1 =	vmul.f32 v1, v2;
	_ =	sdelay $0x1  }
0xa2: {  	v1 =	vmul.f32 $1.442695020e+00, v1;
	_ =	sdelay $0x1  }
0xa3: {  	(erf) = vpow2.f32 v1;
	_ =	sdelay $0x2  }
0xa4: {  	v1 =	vld [tilespmem:$0x90]  }
0xa5: {  	v2 =	vld [tilespmem:$0x10];
	_ =	sdelay $0x4  }
0xa6: {  	v3 =	vpop (erf)  }
0xa7: {  	[tilespmem:$0x180] =	vst v3  }
0xa8: {  	v1 =	vld.idx.msk [tilespmem:v1+s12+$0x0], $0xffff  }
0xa9: {  	v2 =	vld.idx.msk [tilespmem:v2+s6+$0x0], $0xffff;
	_ =	sdelay $0x4  }
0xaa: {  	v1 =	vadd.f32 v2, v1;
	v2 =	vld [tilespmem:$0x110];
	_ =	sdelay $0x1  }
0xab: {  	v3 =	vmul.f32 $2.000000030e-01, v1;
	_ =	sdelay $0x1  }
0xac: {  	v1 =	vmax.f32 v1, v3  }
0xad: {  	v1 =	vmul.f32 v1, v2;
	_ =	sdelay $0x1  }
0xae: {  	v1 =	vmul.f32 $1.442695020e+00, v1;
	_ =	sdelay $0x1  }
0xaf: {  	(erf) = vpow2.f32 v1;
	_ =	sdelay $0x2  }
0xb0: {  	v1 =	vld [tilespmem:$0xA0]  }
0xb1: {  	v2 =	vld [tilespmem:$0x20];
	_ =	sdelay $0x4  }
0xb2: {  	v3 =	vpop (erf)  }
0xb3: {  	[tilespmem:$0x190] =	vst v3  }
0xb4: {  	v1 =	vld.idx.msk [tilespmem:v1+s12+$0x0], $0xffff  }
0xb5: {  	v2 =	vld.idx.msk [tilespmem:v2+s6+$0x0], $0xffff;
	_ =	sdelay $0x4  }
0xb6: {  	v1 =	vadd.f32 v2, v1;
	v2 =	vld [tilespmem:$0x120];
	_ =	sdelay $0x1  }
0xb7: {  	v3 =	vmul.f32 $2.000000030e-01, v1;
	_ =	sdelay $0x1  }
0xb8: {  	v1 =	vmax.f32 v1, v3  }
0xb9: {  	v1 =	vmul.f32 v1, v2;
	_ =	sdelay $0x1  }
0xba: {  	v1 =	vmul.f32 $1.442695020e+00, v1;
	_ =	sdelay $0x1  }
0xbb: {  	(erf) = vpow2.f32 v1;
	_ =	sdelay $0x2  }
0xbc: {  	v1 =	vld [tilespmem:$0xB0]  }
0xbd: {  	v2 =	vld [tilespmem:$0x30];
	_ =	sdelay $0x4  }
0xbe: {  	v3 =	vpop (erf)  }
0xbf: {  	[tilespmem:$0x1A0] =	vst v3  }
0xc0: {  	v1 =	vld.idx.msk [tilespmem:v1+s12+$0x0], $0xffff  }
0xc1: {  	v2 =	vld.idx.msk [tilespmem:v2+s6+$0x0], $0xffff;
	_ =	sdelay $0x4  }
0xc2: {  	v1 =	vadd.f32 v2, v1;
	v2 =	vld [tilespmem:$0x130];
	_ =	sdelay $0x1  }
0xc3: {  	v3 =	vmul.f32 $2.000000030e-01, v1;
	_ =	sdelay $0x1  }
0xc4: {  	v1 =	vmax.f32 v1, v3  }
0xc5: {  	v1 =	vmul.f32 v1, v2;
	_ =	sdelay $0x1  }
0xc6: {  	v1 =	vmul.f32 $1.442695020e+00, v1;
	_ =	sdelay $0x1  }
0xc7: {  	(erf) = vpow2.f32 v1;
	_ =	sdelay $0x2  }
0xc8: {  	v1 =	vld [tilespmem:$0xC0]  }
0xc9: {  	v2 =	vld [tilespmem:$0x40];
	_ =	sdelay $0x4  }
0xca: {  	v3 =	vpop (erf)  }
0xcb: {  	[tilespmem:$0x1B0] =	vst v3  }
0xcc: {  	v1 =	vld.idx.msk [tilespmem:v1+s12+$0x0], $0xffff  }
0xcd: {  	v2 =	vld.idx.msk [tilespmem:v2+s6+$0x0], $0xffff;
	_ =	sdelay $0x4  }
0xce: {  	v1 =	vadd.f32 v2, v1;
	v2 =	vld [tilespmem:$0x140];
	_ =	sdelay $0x1  }
0xcf: {  	v3 =	vmul.f32 $2.000000030e-01, v1;
	_ =	sdelay $0x1  }
0xd0: {  	v1 =	vmax.f32 v1, v3  }
0xd1: {  	v1 =	vmul.f32 v1, v2;
	_ =	sdelay $0x1  }
0xd2: {  	v1 =	vmul.f32 $1.442695020e+00, v1;
	_ =	sdelay $0x1  }
0xd3: {  	(erf) = vpow2.f32 v1;
	_ =	sdelay $0x8  }
0xd4: {  	v1 =	vpop (erf)  }
0xd5: {  	[tilespmem:$0x1C0] =	vst v1  }
0xd6: {  	[tilespmem:s7], [sflag:$0x1] =	stream.indirect.gather [hbm4b:s2+s11], $0x80, s18, s11, $0xb8;
	[tilespmem:$0x1BE00] =	vst v63  }
0xd7: {  	_ =	swait.ge [sflag:s13], $0x2800  }
0xd8: {  	s24 =	simm.s32 $0x0;
	[sflag:s13] =	ssyncset.done $0x0  }
0xd9: {  	s8 =	sand.u32 $0x3FFFFFF0, s24;
	[sflag:s13] =	ssyncadd.s32 $0xFFFFD800  }
0xda: {  	s31 =	simm.s32 $0x0;
	v1 =	vld [tilespmem:s8+$0x180]  }
0xdb: {  	s31 =	sand.u32 $0x3FFFF800, s31  }
0xdc: {  	v3 =	vld [tilespmem:s31+$0x5120]  }
0xdd: {  	v4 =	vld [tilespmem:s31+$0x5130]  }
0xde: {  	v10 =	vld [tilespmem:s31+$0x5160]  }
0xdf: {  	v11 =	vld [tilespmem:s31+$0x5170];
	v2 =	vbroadcast v1, $0x0  }
0xe0: {  	v12 =	vld [tilespmem:s31+$0x5180]  }
0xe1: {  	v13 =	vld [tilespmem:s31+$0x5190];
	v3 =	vmul.f32 v3, v2  }
0xe2: {  	v14 =	vld [tilespmem:s31+$0x51A0];
	v4 =	vmul.f32 v4, v2  }
0xe3: {  	v9 =	vld [tilespmem:s31+$0x51B0];
	v23 =	vbroadcast v1, $0x1;
	v22 =	vmul.f32 v10, v2;
	[tilespmem:s31+$0x5120] =	vst v3  }
0xe4: {  	v7 =	vld [tilespmem:s31+$0x51C0];
	v11 =	vmul.f32 v11, v2;
	[tilespmem:s31+$0x5130] =	vst v4  }
0xe5: {  	v8 =	vld [tilespmem:s31+$0x51D0];
	v12 =	vmul.f32 v12, v23;
	[tilespmem:s31+$0x5160] =	vst v22  }
0xe6: {  	v25 =	vld [tilespmem:s31+$0x51F0];
	v13 =	vmul.f32 v13, v23;
	[tilespmem:s31+$0x5170] =	vst v11  }
0xe7: {  	v26 =	vld [tilespmem:s31+$0x5200];
	v14 =	vmul.f32 v14, v23;
	[tilespmem:s31+$0x5180] =	vst v12  }
0xe8: {  	v27 =	vld [tilespmem:s31+$0x5210];
	v9 =	vmul.f32 v9, v23;
	[tilespmem:s31+$0x5190] =	vst v13  }
0xe9: {  	v6 =	vld [tilespmem:s31+$0x5670];
	v7 =	vmul.f32 v7, v23;
	[tilespmem:s31+$0x51A0] =	vst v14  }
0xea: {  	v24 =	vld [tilespmem:s31+$0x51E0];
	v15 =	vbroadcast v1, $0x2;
	v8 =	vmul.f32 v8, v23;
	[tilespmem:s31+$0x51B0] =	vst v9  }
0xeb: {  	v28 =	vld [tilespmem:s31+$0x5220];
	v10 =	vmul.f32 v25, v23;
	[tilespmem:s31+$0x51C0] =	vst v7  }
0xec: {  	v29 =	vld [tilespmem:s31+$0x5230];
	v5 =	vbroadcast v1, $0xA;
	v32 =	vmul.f32 v26, v15;
	[tilespmem:s31+$0x51D0] =	vst v8  }
0xed: {  	v30 =	vld [tilespmem:s31+$0x5240];
	v34 =	vmul.f32 v27, v15;
	[tilespmem:s31+$0x51F0] =	vst v10  }
0xee: {  	v33 =	vld [tilespmem:s31+$0x5260];
	v3 =	vmul.f32 v6, v5;
	[tilespmem:s31+$0x5200] =	vst v32  }
0xef: {  	v35 =	vld [tilespmem:s31+$0x5270];
	v11 =	vmul.f32 v24, v23;
	[tilespmem:s31+$0x5210] =	vst v34  }
0xf0: {  	v36 =	vld [tilespmem:s31+$0x5280];
	v9 =	vmul.f32 v28, v15;
	[tilespmem:s31+$0x5670] =	vst v3  }
0xf1: {  	v31 =	vld [tilespmem:s31+$0x5250];
	v7 =	vmul.f32 v29, v15;
	[tilespmem:s31+$0x51E0] =	vst v11  }
0xf2: {  	v37 =	vld [tilespmem:s31+$0x5290];
	v8 =	vmul.f32 v30, v15;
	[tilespmem:s31+$0x5220] =	vst v9  }
0xf3: {  	v38 =	vld [tilespmem:s31+$0x52A0];
	v41 =	vbroadcast v1, $0x3;
	v10 =	vmul.f32 v33, v15;
	[tilespmem:s31+$0x5230] =	vst v7  }
0xf4: {  	v39 =	vld [tilespmem:s31+$0x52B0];
	v12 =	vmul.f32 v35, v15;
	[tilespmem:s31+$0x5240] =	vst v8  }
0xf5: {  	v42 =	vld [tilespmem:s31+$0x52D0];
	v13 =	vmul.f32 v36, v41;
	[tilespmem:s31+$0x5260] =	vst v10  }
0xf6: {  	v43 =	vld [tilespmem:s31+$0x52E0];
	v11 =	vmul.f32 v31, v15;
	[tilespmem:s31+$0x5270] =	vst v12  }
0xf7: {  	v44 =	vld [tilespmem:s31+$0x52F0];
	v9 =	vmul.f32 v37, v41;
	[tilespmem:s31+$0x5280] =	vst v13  }
0xf8: {  	v40 =	vld [tilespmem:s31+$0x52C0];
	v7 =	vmul.f32 v38, v41;
	[tilespmem:s31+$0x5250] =	vst v11  }
0xf9: {  	v45 =	vld [tilespmem:s31+$0x5300];
	v8 =	vmul.f32 v39, v41;
	[tilespmem:s31+$0x5290] =	vst v9  }
0xfa: {  	v46 =	vld [tilespmem:s31+$0x5310];
	v10 =	vmul.f32 v42, v41;
	[tilespmem:s31+$0x52A0] =	vst v7  }
0xfb: {  	v47 =	vld [tilespmem:s31+$0x5320];
	v12 =	vmul.f32 v43, v41;
	[tilespmem:s31+$0x52B0] =	vst v8  }
0xfc: {  	v49 =	vld [tilespmem:s31+$0x5340];
	v50 =	vbroadcast v1, $0x4;
	v13 =	vmul.f32 v44, v41;
	[tilespmem:s31+$0x52D0] =	vst v10  }
0xfd: {  	v51 =	vld [tilespmem:s31+$0x5350];
	v11 =	vmul.f32 v40, v41;
	[tilespmem:s31+$0x52E0] =	vst v12  }
0xfe: {  	v52 =	vld [tilespmem:s31+$0x5360];
	v9 =	vmul.f32 v45, v50;
	[tilespmem:s31+$0x52F0] =	vst v13  }
0xff: {  	v48 =	vld [tilespmem:s31+$0x5330];
	v7 =	vmul.f32 v46, v50;
	[tilespmem:s31+$0x52C0] =	vst v11  }
0x100: {  	v53 =	vld [tilespmem:s31+$0x5370];
	v8 =	vmul.f32 v47, v50;
	[tilespmem:s31+$0x5300] =	vst v9  }
0x101: {  	v54 =	vld [tilespmem:s31+$0x5380];
	v10 =	vmul.f32 v49, v50;
	[tilespmem:s31+$0x5310] =	vst v7  }
0x102: {  	v55 =	vld [tilespmem:s31+$0x5390];
	v12 =	vmul.f32 v51, v50;
	[tilespmem:s31+$0x5320] =	vst v8  }
0x103: {  	v57 =	vld [tilespmem:s31+$0x53B0];
	v13 =	vmul.f32 v52, v50;
	[tilespmem:s31+$0x5340] =	vst v10  }
0x104: {  	v58 =	vld [tilespmem:s31+$0x53C0];
	v59 =	vbroadcast v1, $0x5;
	v11 =	vmul.f32 v48, v50;
	[tilespmem:s31+$0x5350] =	vst v12  }
0x105: {  	v60 =	vld [tilespmem:s31+$0x53D0];
	v9 =	vmul.f32 v53, v50;
	[tilespmem:s31+$0x5360] =	vst v13  }
0x106: {  	v56 =	vld [tilespmem:s31+$0x53A0];
	v7 =	vmul.f32 v54, v59;
	[tilespmem:s31+$0x5330] =	vst v11  }
0x107: {  	v61 =	vld [tilespmem:s31+$0x53E0];
	v8 =	vmul.f32 v55, v59;
	[tilespmem:s31+$0x5370] =	vst v9  }
0x108: {  	v62 =	vld [tilespmem:s31+$0x53F0];
	v10 =	vmul.f32 v57, v59;
	[tilespmem:s31+$0x5380] =	vst v7  }
0x109: {  	v63 =	vld [tilespmem:s31+$0x5400];
	v12 =	vmul.f32 v58, v59;
	[tilespmem:s31+$0x5390] =	vst v8  }
0x10a: {  	v19 =	vld [tilespmem:s31+$0x5420];
	v13 =	vmul.f32 v60, v59;
	[tilespmem:s31+$0x53B0] =	vst v10  }
0x10b: {  	v20 =	vld [tilespmem:s31+$0x5430];
	v11 =	vmul.f32 v56, v59;
	[tilespmem:s31+$0x53C0] =	vst v12  }
0x10c: {  	v21 =	vld [tilespmem:s31+$0x5440];
	v22 =	vbroadcast v1, $0x6;
	v9 =	vmul.f32 v61, v59;
	[tilespmem:s31+$0x53D0] =	vst v13  }
0x10d: {  	v18 =	vld [tilespmem:s31+$0x5410];
	v7 =	vmul.f32 v62, v59;
	[tilespmem:s31+$0x53A0] =	vst v11  }
0x10e: {  	v23 =	vld [tilespmem:s31+$0x5450];
	v8 =	vmul.f32 v63, v22;
	[tilespmem:s31+$0x53E0] =	vst v9  }
0x10f: {  	v24 =	vld [tilespmem:s31+$0x5460];
	v10 =	vmul.f32 v19, v22;
	[tilespmem:s31+$0x53F0] =	vst v7  }
0x110: {  	v25 =	vld [tilespmem:s31+$0x5470];
	v12 =	vmul.f32 v20, v22;
	[tilespmem:s31+$0x5400] =	vst v8  }
0x111: {  	v27 =	vld [tilespmem:s31+$0x5490];
	v13 =	vmul.f32 v21, v22;
	[tilespmem:s31+$0x5420] =	vst v10  }
0x112: {  	v28 =	vld [tilespmem:s31+$0x54A0];
	v11 =	vmul.f32 v18, v22;
	[tilespmem:s31+$0x5430] =	vst v12  }
0x113: {  	v29 =	vld [tilespmem:s31+$0x54B0];
	v9 =	vmul.f32 v23, v22;
	[tilespmem:s31+$0x5440] =	vst v13  }
0x114: {  	v31 =	vbroadcast v1, $0x7;
	v53 =	vld [tilespmem:s31+$0x5600];
	v7 =	vmul.f32 v24, v22;
	[tilespmem:s31+$0x5410] =	vst v11  }
0x115: {  	v57 =	vld [tilespmem:s31+$0x5640];
	v8 =	vmul.f32 v25, v22;
	[tilespmem:s31+$0x5450] =	vst v9  }
0x116: {  	v58 =	vld [tilespmem:s31+$0x5650];
	v10 =	vmul.f32 v27, v31;
	[tilespmem:s31+$0x5460] =	vst v7  }
0x117: {  	v26 =	vld [tilespmem:s31+$0x5480];
	v12 =	vmul.f32 v28, v31;
	[tilespmem:s31+$0x5470] =	vst v8  }
0x118: {  	v30 =	vld [tilespmem:s31+$0x54C0];
	v13 =	vmul.f32 v29, v31;
	[tilespmem:s31+$0x5490] =	vst v10  }
0x119: {  	v32 =	vld [tilespmem:s31+$0x54D0];
	v59 =	vmul.f32 v53, v5;
	[tilespmem:s31+$0x54A0] =	vst v12  }
0x11a: {  	v33 =	vld [tilespmem:s31+$0x54E0];
	v18 =	vmul.f32 v57, v5;
	[tilespmem:s31+$0x54B0] =	vst v13  }
0x11b: {  	v35 =	vld [tilespmem:s31+$0x5500];
	v20 =	vmul.f32 v58, v5;
	[tilespmem:s31+$0x5600] =	vst v59  }
0x11c: {  	v36 =	vld [tilespmem:s31+$0x5510];
	v11 =	vmul.f32 v26, v31;
	[tilespmem:s31+$0x5640] =	vst v18  }
0x11d: {  	v37 =	vld [tilespmem:s31+$0x5520];
	v9 =	vmul.f32 v30, v31;
	[tilespmem:s31+$0x5650] =	vst v20  }
0x11e: {  	v4 =	vld [tilespmem:s31+$0x5680];
	v40 =	vbroadcast v1, $0x8;
	v7 =	vmul.f32 v32, v31;
	[tilespmem:s31+$0x5480] =	vst v11  }
0x11f: {  	v6 =	vld [tilespmem:s31+$0x5690];
	v8 =	vmul.f32 v33, v31;
	[tilespmem:s31+$0x54C0] =	vst v9  }
0x120: {  	v3 =	vld [tilespmem:s31+$0x58D0];
	v10 =	vmul.f32 v35, v40;
	[tilespmem:s31+$0x54D0] =	vst v7  }
0x121: {  	v61 =	vld [tilespmem:s31+$0x5100];
	v23 =	vbroadcast v1, $0xB;
	v12 =	vmul.f32 v36, v40;
	[tilespmem:s31+$0x54E0] =	vst v8  }
0x122: {  	v34 =	vld [tilespmem:s31+$0x54F0];
	v13 =	vmul.f32 v37, v40;
	[tilespmem:s31+$0x5500] =	vst v10  }
0x123: {  	v38 =	vld [tilespmem:s31+$0x5530];
	v27 =	vbroadcast v1, $0xF;
	v4 =	vmul.f32 v4, v23;
	[tilespmem:s31+$0x5510] =	vst v12  }
0x124: {  	v39 =	vld [tilespmem:s31+$0x5540];
	v6 =	vmul.f32 v6, v23;
	[tilespmem:s31+$0x5520] =	vst v13  }
0x125: {  	v41 =	vld [tilespmem:s31+$0x5550];
	v3 =	vmul.f32 v3, v27;
	[tilespmem:s31+$0x5680] =	vst v4  }
0x126: {  	v43 =	vld [tilespmem:s31+$0x5570];
	v24 =	vmul.f32 v2, v61;
	[tilespmem:s31+$0x5690] =	vst v6  }
0x127: {  	v44 =	vld [tilespmem:s31+$0x5580];
	v11 =	vmul.f32 v34, v31;
	[tilespmem:s31+$0x58D0] =	vst v3  }
0x128: {  	v45 =	vld [tilespmem:s31+$0x5590];
	v9 =	vmul.f32 v38, v40;
	[tilespmem:s31+$0x5100] =	vst v24  }
0x129: {  	v63 =	vld [tilespmem:s31+$0x5140];
	v7 =	vmul.f32 v39, v40;
	[tilespmem:s31+$0x54F0] =	vst v11  }
0x12a: {  	v49 =	vbroadcast v1, $0x9;
	v29 =	vld [tilespmem:s31+$0x56F0];
	v8 =	vmul.f32 v41, v40;
	[tilespmem:s31+$0x5530] =	vst v9  }
0x12b: {  	v42 =	vld [tilespmem:s31+$0x5560];
	v10 =	vmul.f32 v43, v40;
	[tilespmem:s31+$0x5540] =	vst v7  }
0x12c: {  	v46 =	vld [tilespmem:s31+$0x55A0];
	v12 =	vmul.f32 v44, v49;
	[tilespmem:s31+$0x5550] =	vst v8  }
0x12d: {  	v47 =	vld [tilespmem:s31+$0x55B0];
	v13 =	vmul.f32 v45, v49;
	[tilespmem:s31+$0x5570] =	vst v10  }
0x12e: {  	v48 =	vld [tilespmem:s31+$0x55C0];
	v3 =	vmul.f32 v63, v2;
	[tilespmem:s31+$0x5580] =	vst v12  }
0x12f: {  	v51 =	vld [tilespmem:s31+$0x55E0];
	v6 =	vmul.f32 v29, v23;
	[tilespmem:s31+$0x5590] =	vst v13  }
0x130: {  	v52 =	vld [tilespmem:s31+$0x55F0];
	v11 =	vmul.f32 v42, v40;
	[tilespmem:s31+$0x5140] =	vst v3  }
0x131: {  	v28 =	vld [tilespmem:s31+$0x56E0];
	v9 =	vmul.f32 v46, v49;
	[tilespmem:s31+$0x56F0] =	vst v6  }
0x132: {  	v26 =	vld [tilespmem:s31+$0x56D0];
	v7 =	vmul.f32 v47, v49;
	[tilespmem:s31+$0x5560] =	vst v11  }
0x133: {  	v30 =	vld [tilespmem:s31+$0x5700];
	v8 =	vmul.f32 v48, v49;
	[tilespmem:s31+$0x55A0] =	vst v9  }
0x134: {  	v50 =	vld [tilespmem:s31+$0x55D0];
	v10 =	vmul.f32 v51, v49;
	[tilespmem:s31+$0x55B0] =	vst v7  }
0x135: {  	v54 =	vld [tilespmem:s31+$0x5610];
	v12 =	vmul.f32 v52, v49;
	[tilespmem:s31+$0x55C0] =	vst v8  }
0x136: {  	v55 =	vld [tilespmem:s31+$0x5620];
	v35 =	vbroadcast v1, $0xC;
	v40 =	vmul.f32 v28, v23;
	[tilespmem:s31+$0x55E0] =	vst v10  }
0x137: {  	v56 =	vld [tilespmem:s31+$0x5630];
	v32 =	vmul.f32 v26, v23;
	[tilespmem:s31+$0x55F0] =	vst v12  }
0x138: {  	v60 =	vld [tilespmem:s31+$0x5660];
	v15 =	vmul.f32 v30, v35;
	[tilespmem:s31+$0x56E0] =	vst v40  }
0x139: {  	v62 =	vld [tilespmem:s31+$0x5110];
	v11 =	vmul.f32 v50, v49;
	[tilespmem:s31+$0x56D0] =	vst v32  }
0x13a: {  	v19 =	vld [tilespmem:s31+$0x5150];
	v9 =	vmul.f32 v54, v5;
	[tilespmem:s31+$0x5700] =	vst v15  }
0x13b: {  	v33 =	vld [tilespmem:s31+$0x5730];
	v7 =	vmul.f32 v55, v5;
	[tilespmem:s31+$0x55D0] =	vst v11  }
0x13c: {  	v61 =	vld [tilespmem:s31+$0x58F0];
	v8 =	vmul.f32 v56, v5;
	[tilespmem:s31+$0x5610] =	vst v9  }
0x13d: {  	v38 =	vld [tilespmem:s31+$0x5770];
	v5 =	vmul.f32 v60, v5;
	[tilespmem:s31+$0x5620] =	vst v7  }
0x13e: {  	v21 =	vld [tilespmem:s31+$0x56A0];
	v12 =	vmul.f32 v62, v2;
	[tilespmem:s31+$0x5630] =	vst v8  }
0x13f: {  	v22 =	vld [tilespmem:s31+$0x56B0];
	v2 =	vmul.f32 v19, v2;
	[tilespmem:s31+$0x5660] =	vst v5  }
0x140: {  	v25 =	vld [tilespmem:s31+$0x56C0];
	v62 =	vmul.f32 v33, v35;
	[tilespmem:s31+$0x5110] =	vst v12  }
0x141: {  	v31 =	vld [tilespmem:s31+$0x5710];
	v63 =	vmul.f32 v61, v27;
	[tilespmem:s31+$0x5150] =	vst v2  }
0x142: {  	v34 =	vld [tilespmem:s31+$0x5740];
	v15 =	vmul.f32 v38, v35;
	[tilespmem:s31+$0x5730] =	vst v62  }
0x143: {  	v41 =	vld [tilespmem:s31+$0x57A0];
	v7 =	vmul.f32 v21, v23;
	[tilespmem:s31+$0x58F0] =	vst v63  }
0x144: {  	v46 =	vld [tilespmem:s31+$0x57E0];
	v8 =	vmul.f32 v22, v23;
	[tilespmem:s31+$0x5770] =	vst v15  }
0x145: {  	v36 =	vld [tilespmem:s31+$0x5750];
	v5 =	vmul.f32 v25, v23;
	[tilespmem:s31+$0x56A0] =	vst v7  }
0x146: {  	v44 =	vbroadcast v1, $0xD;
	v9 =	vmul.f32 v31, v35;
	v2 =	vld [tilespmem:s31+$0x5790];
	[tilespmem:s31+$0x56B0] =	vst v8  }
0x147: {  	v37 =	vld [tilespmem:s31+$0x5760];
	v12 =	vmul.f32 v34, v35;
	[tilespmem:s31+$0x56C0] =	vst v5  }
0x148: {  	v39 =	vld [tilespmem:s31+$0x5780];
	v11 =	vmul.f32 v41, v44;
	[tilespmem:s31+$0x5710] =	vst v9  }
0x149: {  	v42 =	vld [tilespmem:s31+$0x57B0];
	v51 =	vmul.f32 v46, v44;
	[tilespmem:s31+$0x5740] =	vst v12  }
0x14a: {  	v48 =	vld [tilespmem:s31+$0x5810];
	v8 =	vmul.f32 v36, v35;
	[tilespmem:s31+$0x57A0] =	vst v11  }
0x14b: {  	v49 =	vld [tilespmem:s31+$0x5820];
	[tilespmem:s31+$0x57E0] =	vst v51;
	v2 =	vmul.f32 v2, v44  }
0x14c: {  	v50 =	vld [tilespmem:s31+$0x5830];
	v5 =	vmul.f32 v37, v35;
	[tilespmem:s31+$0x5750] =	vst v8  }
0x14d: {  	v1 =	vbroadcast v1, $0xE;
	v9 =	vmul.f32 v39, v44;
	[tilespmem:s31+$0x5790] =	vst v2;
	v2 =	vld [tilespmem:s31+$0x5800]  }
0x14e: {  	v60 =	vld [tilespmem:s31+$0x58E0];
	v12 =	vmul.f32 v42, v44;
	[tilespmem:s31+$0x5760] =	vst v5  }
0x14f: {  	v45 =	vld [tilespmem:s31+$0x57D0];
	v11 =	vmul.f32 v48, v1;
	[tilespmem:s31+$0x5780] =	vst v9  }
0x150: {  	v47 =	vld [tilespmem:s31+$0x57F0];
	v10 =	vmul.f32 v49, v1;
	[tilespmem:s31+$0x57B0] =	vst v12  }
0x151: {  	v43 =	vld [tilespmem:s31+$0x57C0];
	v6 =	vmul.f32 v50, v1;
	[tilespmem:s31+$0x5810] =	vst v11  }
0x152: {  	v55 =	vld [tilespmem:s31+$0x5880];
	[tilespmem:s31+$0x5820] =	vst v10;
	v2 =	vmul.f32 v2, v1  }
0x153: {  	v57 =	vld [tilespmem:s31+$0x58A0];
	v4 =	vmul.f32 v60, v27;
	[tilespmem:s31+$0x5830] =	vst v6  }
0x154: {  	v5 =	vmul.f32 v45, v44;
	[tilespmem:s31+$0x5800] =	vst v2;
	v2 =	vld [tilespmem:s31+$0x5870]  }
0x155: {  	v52 =	vld [tilespmem:s31+$0x5840];
	v9 =	vmul.f32 v47, v44;
	[tilespmem:s31+$0x58E0] =	vst v4  }
0x156: {  	v56 =	vld [tilespmem:s31+$0x5890];
	v8 =	vmul.f32 v43, v44;
	[tilespmem:s31+$0x57D0] =	vst v5  }
0x157: {  	v54 =	vld [tilespmem:s31+$0x5860];
	v11 =	vmul.f32 v55, v27;
	[tilespmem:s31+$0x57F0] =	vst v9  }
0x158: {  	v58 =	vld [tilespmem:s31+$0x58B0];
	v6 =	vmul.f32 v57, v27;
	[tilespmem:s31+$0x57C0] =	vst v8  }
0x159: {  	v53 =	vld [tilespmem:s31+$0x5850];
	[tilespmem:s31+$0x5880] =	vst v11;
	v2 =	vmul.f32 v2, v1  }
0x15a: {  	v59 =	vld [tilespmem:s31+$0x58C0];
	v5 =	vmul.f32 v52, v1;
	[tilespmem:s31+$0x58A0] =	vst v6  }
0x15b: {  	[tilespmem:s31+$0x5870] =	vst v2;
	v2 =	vmul.f32 v56, v27  }
0x15c: {  	v3 =	vld [tilespmem:s31+$0x5720];
	v9 =	vmul.f32 v54, v1;
	[tilespmem:s31+$0x5840] =	vst v5  }
0x15d: {  	[tilespmem:s31+$0x5890] =	vst v2;
	v2 =	vmul.f32 v58, v27  }
0x15e: {  	[tilespmem:s31+$0x5860] =	vst v9;
	v1 =	vmul.f32 v53, v1  }
0x15f: {  	[tilespmem:s31+$0x58B0] =	vst v2;
	v2 =	vmul.f32 v59, v27  }
0x160: {  	[tilespmem:s31+$0x5850] =	vst v1  }
0x161: {  	s8 =	simm.s32 $0x1;
	[tilespmem:s31+$0x58C0] =	vst v2;
	v2 =	vmul.f32 v3, v35  }
.LBB2_5:
0x162: {  	s20 =	sshll.u32 s8, $0x4  }
0x163: {  	p0 =	sne.s32 s8, $0x4;
	[tilespmem:s31+$0x5720] =	vst v2;
	s31 =	smov.u32 s8;
	s8 =	sadd.s32 $0x1, s8  }
0x164: {  	s20 =	sand.u32 $0x3FFFFFF0, s20  }
0x165: {  	v1 =	vld [tilespmem:s20+$0x180];
	s20 =	sshll.u32 s31, $0xB  }
0x166: {  	s31 =	sand.u32 $0x3FFFF800, s20  }
0x167: {  	v8 =	vld [tilespmem:s31+$0x51C0]  }
0x168: {  	v9 =	vld [tilespmem:s31+$0x51D0]  }
0x169: {  	v10 =	vld [tilespmem:s31+$0x51B0]  }
0x16a: {  	v2 =	vbroadcast v1, $0x0;
	v3 =	vld [tilespmem:s31+$0x5120];
	v7 =	vbroadcast v1, $0x4  }
0x16b: {  	v5 =	vld [tilespmem:s31+$0x5130]  }
0x16c: {  	v6 =	vld [tilespmem:s31+$0x5670]  }
0x16d: {  	v11 =	vld [tilespmem:s31+$0x5160]  }
0x16e: {  	v12 =	vld [tilespmem:s31+$0x5170]  }
0x16f: {  	v4 =	vbroadcast v1, $0xA;
	v3 =	vmul.f32 v3, v2;
	v13 =	vld [tilespmem:s31+$0x5180]  }
0x170: {  	v5 =	vmul.f32 v5, v2;
	v14 =	vld [tilespmem:s31+$0x5190]  }
0x171: {  	[tilespmem:s31+$0x5120] =	vst v3;
	v15 =	vld [tilespmem:s31+$0x51A0];
	v3 =	vmul.f32 v6, v4  }
0x172: {  	[tilespmem:s31+$0x5130] =	vst v5;
	v6 =	vmul.f32 v11, v2;
	v11 =	vbroadcast v1, $0x1;
	v5 =	vld [tilespmem:s31+$0x5680]  }
0x173: {  	v12 =	vmul.f32 v12, v2;
	[tilespmem:s31+$0x5670] =	vst v3;
	v3 =	vld [tilespmem:s31+$0x58D0]  }
0x174: {  	[tilespmem:s31+$0x5160] =	vst v6;
	v13 =	vmul.f32 v13, v11;
	v6 =	vld [tilespmem:s31+$0x5690]  }
0x175: {  	[tilespmem:s31+$0x5170] =	vst v12;
	v12 =	vmul.f32 v14, v11;
	v14 =	vld [tilespmem:s31+$0x51E0]  }
0x176: {  	[tilespmem:s31+$0x5180] =	vst v13;
	v13 =	vmul.f32 v15, v11;
	v15 =	vld [tilespmem:s31+$0x51F0]  }
0x177: {  	v10 =	vmul.f32 v10, v11;
	[tilespmem:s31+$0x5190] =	vst v12;
	v12 =	vld [tilespmem:s31+$0x5200]  }
0x178: {  	v8 =	vmul.f32 v8, v11;
	[tilespmem:s31+$0x51A0] =	vst v13;
	v13 =	vld [tilespmem:s31+$0x5210]  }
0x179: {  	v9 =	vmul.f32 v9, v11;
	[tilespmem:s31+$0x51B0] =	vst v10;
	v10 =	vld [tilespmem:s31+$0x5220]  }
0x17a: {  	[tilespmem:s31+$0x51C0] =	vst v8;
	v8 =	vmul.f32 v14, v11;
	v14 =	vbroadcast v1, $0x2;
	v16 =	vld [tilespmem:s31+$0x5230]  }
0x17b: {  	[tilespmem:s31+$0x51D0] =	vst v9;
	v9 =	vmul.f32 v15, v11;
	v11 =	vld [tilespmem:s31+$0x5240]  }
0x17c: {  	[tilespmem:s31+$0x51E0] =	vst v8;
	v8 =	vmul.f32 v12, v14;
	v12 =	vld [tilespmem:s31+$0x5250]  }
0x17d: {  	[tilespmem:s31+$0x51F0] =	vst v9;
	v9 =	vmul.f32 v13, v14;
	v13 =	vld [tilespmem:s31+$0x5260]  }
0x17e: {  	[tilespmem:s31+$0x5200] =	vst v8;
	v8 =	vmul.f32 v10, v14;
	v10 =	vld [tilespmem:s31+$0x5270]  }
0x17f: {  	[tilespmem:s31+$0x5210] =	vst v9;
	v9 =	vmul.f32 v16, v14;
	v15 =	vld [tilespmem:s31+$0x5280]  }
0x180: {  	[tilespmem:s31+$0x5220] =	vst v8;
	v8 =	vmul.f32 v11, v14;
	v11 =	vld [tilespmem:s31+$0x5290]  }
0x181: {  	[tilespmem:s31+$0x5230] =	vst v9;
	v9 =	vmul.f32 v12, v14;
	v12 =	vld [tilespmem:s31+$0x52A0]  }
0x182: {  	[tilespmem:s31+$0x5240] =	vst v8;
	v8 =	vmul.f32 v13, v14;
	v13 =	vbroadcast v1, $0x3;
	v16 =	vld [tilespmem:s31+$0x52B0]  }
0x183: {  	[tilespmem:s31+$0x5250] =	vst v9;
	v9 =	vmul.f32 v10, v14;
	v10 =	vld [tilespmem:s31+$0x52C0]  }
0x184: {  	[tilespmem:s31+$0x5260] =	vst v8;
	v8 =	vmul.f32 v15, v13;
	v14 =	vld [tilespmem:s31+$0x52D0]  }
0x185: {  	[tilespmem:s31+$0x5270] =	vst v9;
	v9 =	vmul.f32 v11, v13;
	v11 =	vld [tilespmem:s31+$0x52E0]  }
0x186: {  	[tilespmem:s31+$0x5280] =	vst v8;
	v8 =	vmul.f32 v12, v13;
	v12 =	vld [tilespmem:s31+$0x52F0]  }
0x187: {  	[tilespmem:s31+$0x5290] =	vst v9;
	v9 =	vmul.f32 v16, v13;
	v15 =	vld [tilespmem:s31+$0x5300]  }
0x188: {  	[tilespmem:s31+$0x52A0] =	vst v8;
	v8 =	vmul.f32 v10, v13;
	v10 =	vld [tilespmem:s31+$0x5310]  }
0x189: {  	[tilespmem:s31+$0x52B0] =	vst v9;
	v9 =	vmul.f32 v14, v13;
	v14 =	vld [tilespmem:s31+$0x5320]  }
0x18a: {  	[tilespmem:s31+$0x52C0] =	vst v8;
	v8 =	vmul.f32 v11, v13;
	v11 =	vld [tilespmem:s31+$0x5330]  }
0x18b: {  	[tilespmem:s31+$0x52D0] =	vst v9;
	v9 =	vmul.f32 v12, v13;
	v12 =	vld [tilespmem:s31+$0x5340]  }
0x18c: {  	[tilespmem:s31+$0x52E0] =	vst v8;
	v8 =	vmul.f32 v15, v7;
	v13 =	vld [tilespmem:s31+$0x5350]  }
0x18d: {  	[tilespmem:s31+$0x52F0] =	vst v9;
	v9 =	vmul.f32 v10, v7;
	v10 =	vld [tilespmem:s31+$0x5360]  }
0x18e: {  	[tilespmem:s31+$0x5300] =	vst v8;
	v8 =	vmul.f32 v14, v7;
	v14 =	vld [tilespmem:s31+$0x5370]  }
0x18f: {  	[tilespmem:s31+$0x5310] =	vst v9;
	v9 =	vmul.f32 v11, v7;
	v11 =	vld [tilespmem:s31+$0x5380]  }
0x190: {  	[tilespmem:s31+$0x5320] =	vst v8;
	v8 =	vmul.f32 v12, v7;
	v12 =	vld [tilespmem:s31+$0x5390]  }
0x191: {  	[tilespmem:s31+$0x5330] =	vst v9;
	v9 =	vmul.f32 v13, v7;
	v13 =	vld [tilespmem:s31+$0x53A0]  }
0x192: {  	[tilespmem:s31+$0x5340] =	vst v8;
	v8 =	vmul.f32 v10, v7;
	v10 =	vbroadcast v1, $0x5;
	v15 =	vld [tilespmem:s31+$0x53B0]  }
0x193: {  	[tilespmem:s31+$0x5350] =	vst v9;
	v7 =	vmul.f32 v14, v7;
	v9 =	vld [tilespmem:s31+$0x53C0]  }
0x194: {  	[tilespmem:s31+$0x5360] =	vst v8;
	v8 =	vmul.f32 v11, v10;
	v11 =	vld [tilespmem:s31+$0x53D0]  }
0x195: {  	[tilespmem:s31+$0x5370] =	vst v7;
	v7 =	vmul.f32 v12, v10;
	v12 =	vld [tilespmem:s31+$0x53E0]  }
0x196: {  	[tilespmem:s31+$0x5380] =	vst v8;
	v8 =	vmul.f32 v13, v10;
	v13 =	vld [tilespmem:s31+$0x53F0]  }
0x197: {  	[tilespmem:s31+$0x5390] =	vst v7;
	v7 =	vmul.f32 v15, v10;
	v14 =	vld [tilespmem:s31+$0x5400]  }
0x198: {  	[tilespmem:s31+$0x53A0] =	vst v8;
	v8 =	vmul.f32 v9, v10;
	v9 =	vld [tilespmem:s31+$0x5410]  }
0x199: {  	[tilespmem:s31+$0x53B0] =	vst v7;
	v7 =	vmul.f32 v11, v10;
	v11 =	vld [tilespmem:s31+$0x5420]  }
0x19a: {  	[tilespmem:s31+$0x53C0] =	vst v8;
	v8 =	vmul.f32 v12, v10;
	v12 =	vbroadcast v1, $0x6;
	v15 =	vld [tilespmem:s31+$0x5430]  }
0x19b: {  	[tilespmem:s31+$0x53D0] =	vst v7;
	v7 =	vmul.f32 v13, v10;
	v10 =	vld [tilespmem:s31+$0x5440]  }
0x19c: {  	[tilespmem:s31+$0x53E0] =	vst v8;
	v8 =	vmul.f32 v14, v12;
	v13 =	vld [tilespmem:s31+$0x5450]  }
0x19d: {  	[tilespmem:s31+$0x53F0] =	vst v7;
	v7 =	vmul.f32 v9, v12;
	v9 =	vld [tilespmem:s31+$0x5460]  }
0x19e: {  	[tilespmem:s31+$0x5400] =	vst v8;
	v8 =	vmul.f32 v11, v12;
	v11 =	vld [tilespmem:s31+$0x5470]  }
0x19f: {  	[tilespmem:s31+$0x5410] =	vst v7;
	v7 =	vmul.f32 v15, v12;
	v14 =	vld [tilespmem:s31+$0x5480]  }
0x1a0: {  	[tilespmem:s31+$0x5420] =	vst v8;
	v8 =	vmul.f32 v10, v12;
	v10 =	vld [tilespmem:s31+$0x5490]  }
0x1a1: {  	[tilespmem:s31+$0x5430] =	vst v7;
	v7 =	vmul.f32 v13, v12;
	v13 =	vld [tilespmem:s31+$0x54A0]  }
0x1a2: {  	[tilespmem:s31+$0x5440] =	vst v8;
	v8 =	vmul.f32 v9, v12;
	v9 =	vbroadcast v1, $0x7;
	v15 =	vld [tilespmem:s31+$0x54B0]  }
0x1a3: {  	[tilespmem:s31+$0x5450] =	vst v7;
	v7 =	vmul.f32 v11, v12;
	v11 =	vld [tilespmem:s31+$0x54C0]  }
0x1a4: {  	[tilespmem:s31+$0x5460] =	vst v8;
	v8 =	vmul.f32 v14, v9;
	v12 =	vld [tilespmem:s31+$0x54D0]  }
0x1a5: {  	[tilespmem:s31+$0x5470] =	vst v7;
	v7 =	vmul.f32 v10, v9;
	v10 =	vld [tilespmem:s31+$0x54E0]  }
0x1a6: {  	[tilespmem:s31+$0x5480] =	vst v8;
	v8 =	vmul.f32 v13, v9;
	v13 =	vld [tilespmem:s31+$0x54F0]  }
0x1a7: {  	[tilespmem:s31+$0x5490] =	vst v7;
	v7 =	vmul.f32 v15, v9;
	v14 =	vld [tilespmem:s31+$0x5500]  }
0x1a8: {  	[tilespmem:s31+$0x54A0] =	vst v8;
	v8 =	vmul.f32 v11, v9;
	v11 =	vld [tilespmem:s31+$0x5510]  }
0x1a9: {  	[tilespmem:s31+$0x54B0] =	vst v7;
	v7 =	vmul.f32 v12, v9;
	v12 =	vld [tilespmem:s31+$0x5520]  }
0x1aa: {  	[tilespmem:s31+$0x54C0] =	vst v8;
	v8 =	vmul.f32 v10, v9;
	v10 =	vbroadcast v1, $0x8;
	v15 =	vld [tilespmem:s31+$0x5530]  }
0x1ab: {  	[tilespmem:s31+$0x54D0] =	vst v7;
	v7 =	vmul.f32 v13, v9;
	v9 =	vld [tilespmem:s31+$0x5540]  }
0x1ac: {  	[tilespmem:s31+$0x54E0] =	vst v8;
	v8 =	vmul.f32 v14, v10;
	v13 =	vld [tilespmem:s31+$0x5550]  }
0x1ad: {  	[tilespmem:s31+$0x54F0] =	vst v7;
	v7 =	vmul.f32 v11, v10;
	v11 =	vld [tilespmem:s31+$0x5560]  }
0x1ae: {  	[tilespmem:s31+$0x5500] =	vst v8;
	v8 =	vmul.f32 v12, v10;
	v12 =	vld [tilespmem:s31+$0x5570]  }
0x1af: {  	[tilespmem:s31+$0x5510] =	vst v7;
	v7 =	vmul.f32 v15, v10;
	v14 =	vld [tilespmem:s31+$0x5580]  }
0x1b0: {  	[tilespmem:s31+$0x5520] =	vst v8;
	v8 =	vmul.f32 v9, v10;
	v9 =	vld [tilespmem:s31+$0x5590]  }
0x1b1: {  	[tilespmem:s31+$0x5530] =	vst v7;
	v7 =	vmul.f32 v13, v10;
	v13 =	vld [tilespmem:s31+$0x55A0]  }
0x1b2: {  	[tilespmem:s31+$0x5540] =	vst v8;
	v8 =	vmul.f32 v11, v10;
	v11 =	vbroadcast v1, $0x9;
	v15 =	vld [tilespmem:s31+$0x55B0]  }
0x1b3: {  	[tilespmem:s31+$0x5550] =	vst v7;
	v7 =	vmul.f32 v12, v10;
	v10 =	vld [tilespmem:s31+$0x55C0]  }
0x1b4: {  	[tilespmem:s31+$0x5560] =	vst v8;
	v8 =	vmul.f32 v14, v11;
	v12 =	vld [tilespmem:s31+$0x55D0]  }
0x1b5: {  	[tilespmem:s31+$0x5570] =	vst v7;
	v7 =	vmul.f32 v9, v11;
	v9 =	vld [tilespmem:s31+$0x55E0]  }
0x1b6: {  	[tilespmem:s31+$0x5580] =	vst v8;
	v8 =	vmul.f32 v13, v11;
	v13 =	vld [tilespmem:s31+$0x55F0]  }
0x1b7: {  	[tilespmem:s31+$0x5590] =	vst v7;
	v7 =	vmul.f32 v15, v11;
	v14 =	vld [tilespmem:s31+$0x5600]  }
0x1b8: {  	[tilespmem:s31+$0x55A0] =	vst v8;
	v8 =	vmul.f32 v10, v11;
	v10 =	vld [tilespmem:s31+$0x5610]  }
0x1b9: {  	[tilespmem:s31+$0x55B0] =	vst v7;
	v7 =	vmul.f32 v12, v11;
	v12 =	vld [tilespmem:s31+$0x5620]  }
0x1ba: {  	[tilespmem:s31+$0x55C0] =	vst v8;
	v8 =	vmul.f32 v9, v11;
	v9 =	vld [tilespmem:s31+$0x5630]  }
0x1bb: {  	[tilespmem:s31+$0x55D0] =	vst v7;
	v7 =	vmul.f32 v13, v11;
	v11 =	vld [tilespmem:s31+$0x5640]  }
0x1bc: {  	[tilespmem:s31+$0x55E0] =	vst v8;
	v8 =	vmul.f32 v14, v4;
	v13 =	vld [tilespmem:s31+$0x5650]  }
0x1bd: {  	[tilespmem:s31+$0x55F0] =	vst v7;
	v7 =	vmul.f32 v10, v4;
	v10 =	vld [tilespmem:s31+$0x5660]  }
0x1be: {  	v14 =	vld [tilespmem:s31+$0x5100];
	[tilespmem:s31+$0x5600] =	vst v8;
	v8 =	vmul.f32 v12, v4  }
0x1bf: {  	v12 =	vld [tilespmem:s31+$0x5110];
	[tilespmem:s31+$0x5610] =	vst v7;
	v7 =	vmul.f32 v9, v4  }
0x1c0: {  	v9 =	vld [tilespmem:s31+$0x5140];
	[tilespmem:s31+$0x5620] =	vst v8;
	v8 =	vmul.f32 v11, v4  }
0x1c1: {  	v11 =	vld [tilespmem:s31+$0x5150];
	[tilespmem:s31+$0x5630] =	vst v7;
	v7 =	vmul.f32 v13, v4  }
0x1c2: {  	[tilespmem:s31+$0x5640] =	vst v8;
	v8 =	vmul.f32 v10, v4;
	v10 =	vbroadcast v1, $0xB;
	v13 =	vld [tilespmem:s31+$0x56A0]  }
0x1c3: {  	v4 =	vbroadcast v1, $0xF;
	v14 =	vmul.f32 v2, v14;
	[tilespmem:s31+$0x5650] =	vst v7;
	v7 =	vld [tilespmem:s31+$0x56B0]  }
0x1c4: {  	v12 =	vmul.f32 v12, v2;
	[tilespmem:s31+$0x5660] =	vst v8;
	v5 =	vmul.f32 v5, v10;
	v8 =	vld [tilespmem:s31+$0x56C0]  }
0x1c5: {  	v6 =	vmul.f32 v6, v10;
	[tilespmem:s31+$0x5100] =	vst v14;
	v9 =	vmul.f32 v9, v2;
	v14 =	vld [tilespmem:s31+$0x56D0]  }
0x1c6: {  	v3 =	vmul.f32 v3, v4;
	v11 =	vmul.f32 v11, v2;
	[tilespmem:s31+$0x5680] =	vst v5;
	v2 =	vld [tilespmem:s31+$0x56E0]  }
0x1c7: {  	[tilespmem:s31+$0x5690] =	vst v6;
	v5 =	vmul.f32 v13, v10;
	v6 =	vld [tilespmem:s31+$0x56F0]  }
0x1c8: {  	v7 =	vmul.f32 v7, v10;
	v13 =	vld [tilespmem:s31+$0x5700];
	[tilespmem:s31+$0x58D0] =	vst v3  }
0x1c9: {  	[tilespmem:s31+$0x5110] =	vst v12;
	v3 =	vmul.f32 v8, v10;
	v8 =	vld [tilespmem:s31+$0x5710]  }
0x1ca: {  	[tilespmem:s31+$0x5140] =	vst v9;
	v9 =	vmul.f32 v14, v10;
	v12 =	vld [tilespmem:s31+$0x5720]  }
0x1cb: {  	v14 =	vbroadcast v1, $0xC;
	[tilespmem:s31+$0x56A0] =	vst v5;
	v5 =	vmul.f32 v2, v10;
	v15 =	vld [tilespmem:s31+$0x5730]  }
0x1cc: {  	[tilespmem:s31+$0x56D0] =	vst v9;
	v6 =	vmul.f32 v6, v10;
	v9 =	vld [tilespmem:s31+$0x5740]  }
0x1cd: {  	[tilespmem:s31+$0x56B0] =	vst v7;
	v2 =	vmul.f32 v13, v14;
	v7 =	vld [tilespmem:s31+$0x5750]  }
0x1ce: {  	[tilespmem:s31+$0x56C0] =	vst v3;
	v3 =	vmul.f32 v8, v14;
	v8 =	vld [tilespmem:s31+$0x5760]  }
0x1cf: {  	[tilespmem:s31+$0x5700] =	vst v2;
	v2 =	vmul.f32 v12, v14;
	v10 =	vld [tilespmem:s31+$0x5770]  }
0x1d0: {  	[tilespmem:s31+$0x5710] =	vst v3;
	v3 =	vld [tilespmem:s31+$0x5780]  }
0x1d1: {  	[tilespmem:s31+$0x5150] =	vst v11;
	v9 =	vmul.f32 v9, v14;
	v11 =	vld [tilespmem:s31+$0x5790]  }
0x1d2: {  	[tilespmem:s31+$0x56E0] =	vst v5;
	v5 =	vmul.f32 v7, v14;
	v7 =	vld [tilespmem:s31+$0x57A0]  }
0x1d3: {  	[tilespmem:s31+$0x5740] =	vst v9;
	v8 =	vmul.f32 v8, v14;
	v9 =	vbroadcast v1, $0xD;
	v12 =	vld [tilespmem:s31+$0x57B0]  }
0x1d4: {  	[tilespmem:s31+$0x5750] =	vst v5;
	v5 =	vmul.f32 v10, v14;
	v10 =	vld [tilespmem:s31+$0x57C0]  }
0x1d5: {  	[tilespmem:s31+$0x5760] =	vst v8;
	v3 =	vmul.f32 v3, v9;
	v8 =	vld [tilespmem:s31+$0x57D0]  }
0x1d6: {  	[tilespmem:s31+$0x5770] =	vst v5;
	v5 =	vmul.f32 v11, v9;
	v11 =	vld [tilespmem:s31+$0x57E0]  }
0x1d7: {  	[tilespmem:s31+$0x5780] =	vst v3;
	v3 =	vmul.f32 v7, v9;
	v7 =	vld [tilespmem:s31+$0x57F0]  }
0x1d8: {  	[tilespmem:s31+$0x5790] =	vst v5;
	v5 =	vmul.f32 v12, v9;
	v12 =	vld [tilespmem:s31+$0x5800]  }
0x1d9: {  	[tilespmem:s31+$0x57A0] =	vst v3;
	v3 =	vmul.f32 v10, v9;
	v10 =	vld [tilespmem:s31+$0x5810]  }
0x1da: {  	[tilespmem:s31+$0x57B0] =	vst v5;
	v5 =	vmul.f32 v8, v9;
	v8 =	vld [tilespmem:s31+$0x5820]  }
0x1db: {  	v1 =	vbroadcast v1, $0xE;
	[tilespmem:s31+$0x56F0] =	vst v6;
	v6 =	vmul.f32 v11, v9;
	v11 =	vld [tilespmem:s31+$0x5830]  }
0x1dc: {  	[tilespmem:s31+$0x57D0] =	vst v5;
	v5 =	vmul.f32 v7, v9;
	v7 =	vld [tilespmem:s31+$0x5840]  }
0x1dd: {  	[tilespmem:s31+$0x57E0] =	vst v6;
	v6 =	vmul.f32 v12, v1;
	v9 =	vld [tilespmem:s31+$0x5850]  }
0x1de: {  	[tilespmem:s31+$0x57F0] =	vst v5;
	v5 =	vmul.f32 v10, v1;
	v10 =	vld [tilespmem:s31+$0x5860]  }
0x1df: {  	[tilespmem:s31+$0x5800] =	vst v6;
	v6 =	vmul.f32 v8, v1;
	v8 =	vld [tilespmem:s31+$0x5870]  }
0x1e0: {  	[tilespmem:s31+$0x5810] =	vst v5;
	v5 =	vmul.f32 v11, v1;
	v11 =	vld [tilespmem:s31+$0x5880]  }
0x1e1: {  	[tilespmem:s31+$0x5820] =	vst v6;
	v6 =	vmul.f32 v7, v1;
	v7 =	vld [tilespmem:s31+$0x5890]  }
0x1e2: {  	[tilespmem:s31+$0x5830] =	vst v5;
	v5 =	vmul.f32 v9, v1;
	v9 =	vld [tilespmem:s31+$0x58A0]  }
0x1e3: {  	[tilespmem:s31+$0x5840] =	vst v6;
	v6 =	vmul.f32 v10, v1;
	v10 =	vld [tilespmem:s31+$0x58B0]  }
0x1e4: {  	[tilespmem:s31+$0x57C0] =	vst v3;
	v1 =	vmul.f32 v8, v1;
	v3 =	vld [tilespmem:s31+$0x58C0]  }
0x1e5: {  	[tilespmem:s31+$0x5860] =	vst v6;
	v6 =	vmul.f32 v11, v4;
	v8 =	vld [tilespmem:s31+$0x58E0]  }
0x1e6: {  	[tilespmem:s31+$0x5870] =	vst v1;
	v1 =	vmul.f32 v7, v4;
	v7 =	vld [tilespmem:s31+$0x58F0]  }
0x1e7: {  	[tilespmem:s31+$0x5880] =	vst v6;
	v6 =	vmul.f32 v9, v4  }
0x1e8: {  	[tilespmem:s31+$0x5890] =	vst v1;
	v1 =	vmul.f32 v10, v4  }
0x1e9: {  	v9 =	vmul.f32 v15, v14;
	[tilespmem:s31+$0x58A0] =	vst v6  }
0x1ea: {  	[tilespmem:s31+$0x58B0] =	vst v1;
	v1 =	vmul.f32 v3, v4  }
.Ltmp1:
0x1eb: {  	[tilespmem:s31+$0x5730] =	vst v9;
	v3 =	vmul.f32 v7, v4;
	(pc) =	sbr.rel @p0 .LBB2_5-.Ltmp1, $4  }
0x1ec: {  	[tilespmem:s31+$0x58C0] =	vst v1  }
0x1ed: {  	v1 =	vmul.f32 v8, v4;
	[tilespmem:s31+$0x58F0] =	vst v3  }
0x1ee: {  	[tilespmem:s31+$0x5850] =	vst v5  }
0x1ef: {  	[tilespmem:s31+$0x58E0] =	vst v1  }
0x1f0: {  	[tilespmem:s31+$0x5720] =	vst v2  }
0x1f1: {  	[spmem:s3] =	stream.indirect.scatter.add.f32 [tilespmem:s7], [sflag:$0x2], $0x80, s9, s11, $0xb8;
	[tilespmem:$0x1BE00] =	vst v63  }
0x1f2: {  	s30 =	sadd.s32 $0x1, s30;
	_ =	swait.ge [sflag:s0], $0x2800  }
0x1f3: {  	p0 =	sne.s32 s30, $0x7D;
	[sflag:s0] =	ssyncset.done $0x0  }
.Ltmp2:
0x1f4: {  	[sflag:s0] =	ssyncadd.s32 $0xFFFFD800;
	(pc) =	sbr.rel @p0 .LBB2_4-.Ltmp2, $4  }
0x1f5: {  	[spmem:s4] =	stream.indirect.scatter.add.f32 [tilespmem:s14], [sflag:$0x2], $0x1, s9, s11, $0xb8;
	[tilespmem:$0x1BE00] =	vst v63  }
0x1f6: {  	_ =	swait.ge [sflag:s0], $0x50  }
0x1f7: {  	[sflag:s0] =	ssyncset.done $0x0  }
0x1f8: {  	[sflag:s0] =	ssyncadd.s32 $0xFFFFFFB0  }
0x1f9: {  	[bflag:$0x0] =	sbarrier.arrive $0xFFFF  }
0x1fa: {  	[tilespmem:s7], [sflag:$0x2] =	stream.linear.gather [spmem:s21], $0x2800, $0x38;
	[tilespmem:$0x1BE00] =	vst v63  }
0x1fb: {  	_ =	swait.ge [sflag:s0], $0x2800  }
0x1fc: {  	[sflag:s0] =	ssyncset.done $0x0  }
0x1fd: {  	s8 =	rddreg [dreg:$0x6];
	[sflag:s0] =	ssyncadd.s32 $0xFFFFD800  }
0x1fe: {  	[hbm4b:s8+s5] =	stream.linear.scatter [tilespmem:s7], [sflag:$0x2], $0x2800, $0x38;
	[tilespmem:$0x1BE00] =	vst v63  }
0x1ff: {  	_ =	swait.ge [sflag:s0], $0x2800  }
0x200: {  	[sflag:s0] =	ssyncset.done $0x0  }
0x201: {  	[sflag:s0] =	ssyncadd.s32 $0xFFFFD800  }
0x202: {  	[tilespmem:s7], [sflag:$0x2] =	stream.linear.gather [spmem:s22], $0x2800, $0x38;
	[tilespmem:$0x1BE00] =	vst v63  }
0x203: {  	_ =	swait.ge [sflag:s0], $0x2800  }
0x204: {  	[sflag:s0] =	ssyncset.done $0x0  }
0x205: {  	s30 =	smov.u32 s22;
	s22 =	rddreg [dreg:$0x7];
	[sflag:s0] =	ssyncadd.s32 $0xFFFFD800  }
0x206: {  	[hbm4b:s22+s5] =	stream.linear.scatter [tilespmem:s7], [sflag:$0x2], $0x2800, $0x38;
	[tilespmem:$0x1BE00] =	vst v63  }
0x207: {  	_ =	swait.ge [sflag:s0], $0x2800  }
0x208: {  	[sflag:s0] =	ssyncset.done $0x0  }
0x209: {  	[sflag:s0] =	ssyncadd.s32 $0xFFFFD800  }
0x20a: {  	[tilespmem:s7], [sflag:$0x2] =	stream.linear.gather [spmem:s23], $0x2800, $0x38;
	[tilespmem:$0x1BE00] =	vst v63  }
0x20b: {  	_ =	swait.ge [sflag:s0], $0x2800  }
0x20c: {  	[sflag:s0] =	ssyncset.done $0x0  }
0x20d: {  	s24 =	rddreg [dreg:$0x8];
	[sflag:s0] =	ssyncadd.s32 $0xFFFFD800  }
0x20e: {  	[hbm4b:s24+s5] =	stream.linear.scatter [tilespmem:s7], [sflag:$0x2], $0x2800, $0x38;
	[tilespmem:$0x1BE00] =	vst v63  }
0x20f: {  	_ =	swait.ge [sflag:s0], $0x2800  }
0x210: {  	[sflag:s0] =	ssyncset.done $0x0  }
0x211: {  	s18 =	rddreg [dreg:$0x10];
	[sflag:s0] =	ssyncadd.s32 $0xFFFFD800  }
0x212: {  	[tilespmem:s7], [sflag:$0x2] =	stream.linear.gather [spmem:s18], $0x2800, $0x38;
	[tilespmem:$0x1BE00] =	vst v63  }
0x213: {  	_ =	swait.ge [sflag:s0], $0x2800  }
0x214: {  	[sflag:s0] =	ssyncset.done $0x0  }
0x215: {  	s20 =	smov.u32 s21;
	s21 =	rddreg [dreg:$0x9];
	[sflag:s0] =	ssyncadd.s32 $0xFFFFD800  }
0x216: {  	[hbm4b:s21+s5] =	stream.linear.scatter [tilespmem:s7], [sflag:$0x2], $0x2800, $0x38;
	[tilespmem:$0x1BE00] =	vst v63  }
0x217: {  	_ =	swait.ge [sflag:s0], $0x2800  }
0x218: {  	[sflag:s0] =	ssyncset.done $0x0  }
0x219: {  	s22 =	rddreg [dreg:$0x13];
	[sflag:s0] =	ssyncadd.s32 $0xFFFFD800  }
0x21a: {  	[tilespmem:s7], [sflag:$0x2] =	stream.linear.gather [spmem:s22], $0x2800, $0x38;
	[tilespmem:$0x1BE00] =	vst v63  }
0x21b: {  	_ =	swait.ge [sflag:s0], $0x2800  }
0x21c: {  	[sflag:s0] =	ssyncset.done $0x0  }
0x21d: {  	s31 =	smov.u32 s23;
	s23 =	rddreg [dreg:$0xa];
	[sflag:s0] =	ssyncadd.s32 $0xFFFFD800  }
0x21e: {  	[hbm4b:s23+s5] =	stream.linear.scatter [tilespmem:s7], [sflag:$0x2], $0x2800, $0x38;
	[tilespmem:$0x1BE00] =	vst v63  }
0x21f: {  	_ =	swait.ge [sflag:s0], $0x2800  }
0x220: {  	[sflag:s0] =	ssyncset.done $0x0  }
0x221: {  	[sflag:s0] =	ssyncadd.s32 $0xFFFFD800  }
0x222: {  	[tilespmem:s7], [sflag:$0x2] =	stream.linear.gather [spmem:s25], $0x2800, $0x38;
	[tilespmem:$0x1BE00] =	vst v63  }
0x223: {  	_ =	swait.ge [sflag:s0], $0x2800  }
0x224: {  	[sflag:s0] =	ssyncset.done $0x0  }
0x225: {  	s24 =	rddreg [dreg:$0xb];
	[sflag:s0] =	ssyncadd.s32 $0xFFFFD800  }
0x226: {  	[hbm4b:s24+s5] =	stream.linear.scatter [tilespmem:s7], [sflag:$0x2], $0x2800, $0x38;
	[tilespmem:$0x1BE00] =	vst v63  }
0x227: {  	_ =	swait.ge [sflag:s0], $0x2800  }
0x228: {  	[sflag:s0] =	ssyncset.done $0x0  }
0x229: {  	[sflag:s0] =	ssyncadd.s32 $0xFFFFD800  }
0x22a: {  	[tilespmem:s7], [sflag:$0x2] =	stream.linear.gather [spmem:s26], $0x2800, $0x38;
	[tilespmem:$0x1BE00] =	vst v63  }
0x22b: {  	_ =	swait.ge [sflag:s0], $0x2800  }
0x22c: {  	[sflag:s0] =	ssyncset.done $0x0  }
0x22d: {  	s18 =	rddreg [dreg:$0xc];
	[sflag:s0] =	ssyncadd.s32 $0xFFFFD800  }
0x22e: {  	[hbm4b:s18+s5] =	stream.linear.scatter [tilespmem:s7], [sflag:$0x2], $0x2800, $0x38;
	[tilespmem:$0x1BE00] =	vst v63  }
0x22f: {  	_ =	swait.ge [sflag:s0], $0x2800  }
0x230: {  	[sflag:s0] =	ssyncset.done $0x0  }
0x231: {  	[sflag:s0] =	ssyncadd.s32 $0xFFFFD800  }
0x232: {  	[tilespmem:s7], [sflag:$0x2] =	stream.linear.gather [spmem:s28], $0x2800, $0x38;
	[tilespmem:$0x1BE00] =	vst v63  }
0x233: {  	_ =	swait.ge [sflag:s0], $0x2800  }
0x234: {  	[sflag:s0] =	ssyncset.done $0x0  }
0x235: {  	s21 =	rddreg [dreg:$0xd];
	[sflag:s0] =	ssyncadd.s32 $0xFFFFD800  }
0x236: {  	[hbm4b:s21+s5] =	stream.linear.scatter [tilespmem:s7], [sflag:$0x2], $0x2800, $0x38;
	[tilespmem:$0x1BE00] =	vst v63  }
0x237: {  	_ =	swait.ge [sflag:s0], $0x2800  }
0x238: {  	[sflag:s0] =	ssyncset.done $0x0  }
0x239: {  	s18 =	simm.s32 $0x7900;
	[sflag:s0] =	ssyncadd.s32 $0xFFFFD800  }
0x23a: {  	[tilespmem:s18], [sflag:$0x2] =	stream.linear.gather [spmem:s29], $0x280, $0x38;
	[tilespmem:$0x1BE00] =	vst v63  }
0x23b: {  	_ =	swait.ge [sflag:s0], $0x280  }
0x23c: {  	[sflag:s0] =	ssyncset.done $0x0  }
0x23d: {  	s22 =	rddreg [dreg:$0x11];
	[sflag:s0] =	ssyncadd.s32 $0xFFFFFD80  }
0x23e: {  	[hbm4b:s22+s5] =	stream.linear.scatter [tilespmem:s18], [sflag:$0x2], $0x280, $0x38;
	[tilespmem:$0x1BE00] =	vst v63  }
0x23f: {  	_ =	swait.ge [sflag:s0], $0x280  }
0x240: {  	s17 =	sadd.s32 $0x1, s17;
	s23 =	rddreg [dreg:$0x12]  }
0x241: {  	p0 =	sne.s32 s17, s23  }
.Ltmp3:
0x242: {  	_ = 	snop;
	(pc) =	sbr.rel @p0 .LBB2_1-.Ltmp3, $3  }
0x243: {  	_ =	sdelay $0x1  }
0x244: {  	[sflag:s0] =	ssyncset.done $0x0  }
0x245: {  	s24 =	simm.s32 $0x7900;
	[sflag:s0] =	ssyncadd.s32 $0xFFFFFD80  }
0x246: {  	_ =	sfence.sel $0x180000  }
0x247: {  	[bflag:$0x0] =	sbarrier.arrive $0xFFFF  }
0x248: {  	_ =	strace $0x90000047  }
0x249: {  	s0 =	stileid.u32;
	[bflag:$0x2] =	sbarrier.arrive $0xFFFF  }
0x24a: {  	p0 =	sne.s32 s0, $0x0;
	s0 =	rddreg [dreg:$0x5]  }
0x24b: {  	s0 =	sadd.s32 @!p0 $0x100000, s0  }
0x24c: {  	[sflag:s0] =	ssyncadd.tile.s32 @!p0 $0x1;
	_ =	shalt  }
.Lfunc_end2:
_tile_overlayer_lowered:
.L_overlay_start_2:
0x24d: {  	(tag) =	ssettag $0x2  }
0x24e: {  	s0 =	rddreg [dreg:$0x0];
	s2 =	stileid.u32  }
0x24f: {  	s1 =	rddreg [dreg:$0x1];
	p0 =	sne.s32 s2, $0x0  }
0x250: {  	s3 =	rddreg [dreg:$0x2];
	[bflag:$0x3] =	sbarrier.arrive $0xFFFF;
	s2 =	simm.s32 @!p0 $0x1C02  }
0x251: {  	[timem:s3], [sflag:s2] =	dma.local @!p0 [hbm:s0], s1  }
0x252: {  	s0 =	simm.s32 @!p0 $0x2  }
0x253: {  	_ =	swait.ge @!p0 [sflag:s0], s1  }
0x254: {  	s1 =	ssub.s32 @!p0 $0x0, s1;
	[sflag:s0] =	ssyncset.done @!p0 $0x0  }
0x255: {  	[sflag:s0] =	ssyncadd.s32 @!p0 s1  }
0x256: {  	[bflag:$0x3] =	sbarrier.arrive $0xFFFF  }
0x257: {  	_ =	shalt  }

</sc_bundles>
